<compile_context>
chip_gen: v7x
topology: tpu7x:2x2x1
jax: 0.10.2.dev20260603
libtpu: 0.0.44.dev20260713+nightly
codegen_flags: <defaults>
</compile_context>

<pallas_src>
import functools

import jax
import jax.numpy as jnp
from jax import lax
from jax.experimental import pallas as pl
from jax.experimental.pallas import tpu as pltpu
from jax.experimental.pallas import tpu_sc as plsc

N = 10000
E = 320000
NC = 2
NS = 16
NW = NC * NS
EPW = E // NW
K = 200
NCHUNK = EPW // K
NBUF = 5
NGROUP = NCHUNK // NBUF
NPAD = 10240
RPT = NPAD // NS

_MESH = plsc.VectorSubcoreMesh(core_axis_name="c", subcore_axis_name="s",
                               num_cores=NC, num_subcores=NS)


def _make_edge_agg(D, with_gather):

    def body(g_hbm, ei_hbm, zeros_hbm, out_hbm,
             src_slab, dst_slab, rows, acc, gsems, ssems):
        cid = lax.axis_index("c")
        sid = lax.axis_index("s")
        w = cid * NS + sid
        if with_gather:
            pltpu.sync_copy(ei_hbm.at[0, pl.ds(w * EPW, EPW)], src_slab)
        else:
            pltpu.sync_copy(g_hbm, rows.at[0])
        pltpu.sync_copy(ei_hbm.at[1, pl.ds(w * EPW, EPW)], dst_slab)
        if with_gather:
            @pl.when(cid == 0)
            def _():
                @pl.when(sid < NS - 1)
                def _():
                    pltpu.sync_copy(g_hbm.at[pl.ds(sid * RPT, RPT)],
                                    acc.at[pl.ds(sid * RPT, RPT)])

                @pl.when(sid == NS - 1)
                def _():
                    pltpu.sync_copy(g_hbm.at[pl.ds((NS - 1) * RPT, N - (NS - 1) * RPT)],
                                    acc.at[pl.ds((NS - 1) * RPT, N - (NS - 1) * RPT)])
                    pltpu.sync_copy(zeros_hbm.at[pl.ds(N, NPAD - N)],
                                    acc.at[pl.ds(N, NPAD - N)])

            @pl.when(cid == 1)
            def _():
                pltpu.sync_copy(zeros_hbm.at[pl.ds(sid * RPT, RPT)],
                                acc.at[pl.ds(sid * RPT, RPT)])
        else:
            pltpu.sync_copy(zeros_hbm.at[pl.ds(sid * RPT, RPT)],
                            acc.at[pl.ds(sid * RPT, RPT)])
        plsc.subcore_barrier()

        if with_gather:
            for b in range(NBUF):
                pltpu.async_copy(g_hbm.at[src_slab.at[pl.ds(b * K, K)]],
                                 rows.at[b], gsems[b])

            @pl.loop(0, NGROUP)
            def _(g):
                j0 = g * NBUF
                scats = []
                for b in range(NBUF):
                    pltpu.make_async_copy(
                        g_hbm.at[src_slab.at[pl.ds((j0 + b) * K, K)]],
                        rows.at[b], gsems[b]).wait()
                    scats.append(pltpu.async_copy(
                        rows.at[b], acc.at[dst_slab.at[pl.ds((j0 + b) * K, K)]],
                        ssems[b], add=True))
                for b in range(NBUF):
                    scats[b].wait()

                    @pl.when(j0 + NBUF + b < NCHUNK)
                    def _():
                        pltpu.async_copy(
                            g_hbm.at[src_slab.at[pl.ds((j0 + NBUF + b) * K, K)]],
                            rows.at[b], gsems[b])
        else:
            @pl.loop(0, NGROUP)
            def _(g):
                j0 = g * NBUF
                scats = [pltpu.async_copy(
                             rows.at[0],
                             acc.at[dst_slab.at[pl.ds((j0 + b) * K, K)]],
                             ssems[b], add=True)
                         for b in range(NBUF)]
                for s in scats:
                    s.wait()

        plsc.subcore_barrier()
        pltpu.sync_copy(acc.at[pl.ds(sid * RPT, RPT)],
                        out_hbm.at[pl.ds(sid * RPT, RPT), pl.ds(cid * 64, D)])

    return pl.kernel(
        body,
        out_type=jax.ShapeDtypeStruct((NPAD, 128), jnp.float32),
        mesh=_MESH,
        scratch_types=[
            pltpu.VMEM((EPW,), jnp.int32),
            pltpu.VMEM((EPW,), jnp.int32),
            pltpu.VMEM((NBUF, K, D), jnp.float32),
            pltpu.VMEM_SHARED((NPAD, D), jnp.float32),
            [pltpu.SemaphoreType.DMA] * NBUF,
            [pltpu.SemaphoreType.DMA] * NBUF,
        ],
        compiler_params=pltpu.CompilerParams(use_tc_tiling_on_sc=False),
    )


_agg64 = _make_edge_agg(64, True)
_agg8 = _make_edge_agg(8, True)
_deg8 = _make_edge_agg(8, False)

_B = 5000


def _tc_a_body(pdeg_ref, x_ref, w1_ref, g1_ref, dinv_ref):
    deg = pdeg_ref[:, 0:1] + pdeg_ref[:, 64:65] + 1.0
    dinv = lax.rsqrt(deg)
    dinv_ref[...] = dinv
    g1_ref[...] = lax.dot(x_ref[...] * dinv, w1_ref[...],
                          preferred_element_type=jnp.float32)


def _tc_mid_body(p_ref, dinv_ref, b_ref, w_ref, out_ref):
    dinv = dinv_ref[...]
    agg = p_ref[:, 0:64] + p_ref[:, 64:128]
    h = jnp.maximum(agg * dinv + b_ref[...], 0.0)
    out_ref[...] = lax.dot(h * dinv, w_ref[...],
                           preferred_element_type=jnp.float32)


def _tc_d_body(p_ref, dinv_ref, b_ref, out_ref):
    agg = p_ref[:, 0:1] + p_ref[:, 64:65]
    out_ref[...] = agg * dinv_ref[...] + b_ref[...]


def _row_block(d):
    return pl.BlockSpec((_B, d), lambda i: (i, 0))


def _part_block(d):
    return pl.BlockSpec((NC, _B, d), lambda i: (0, i, 0))


def _const_block(r, c):
    return pl.BlockSpec((r, c), lambda i: (0, 0))


_GRID = (N // _B,)

_tc_a = pl.pallas_call(
    _tc_a_body,
    grid=_GRID,
    in_specs=[_row_block(128), _row_block(128), _const_block(128, 64)],
    out_specs=[_row_block(64), _row_block(1)],
    out_shape=[jax.ShapeDtypeStruct((N, 64), jnp.float32),
               jax.ShapeDtypeStruct((N, 1), jnp.float32)],
)


def _tc_mid(dout):
    return pl.pallas_call(
        _tc_mid_body,
        grid=_GRID,
        in_specs=[_row_block(128), _row_block(1),
                  _const_block(1, 64), _const_block(64, dout)],
        out_specs=_row_block(dout),
        out_shape=jax.ShapeDtypeStruct((N, dout), jnp.float32),
    )


_tc_b = _tc_mid(64)
_tc_c = _tc_mid(8)

_tc_d = pl.pallas_call(
    _tc_d_body,
    grid=_GRID,
    in_specs=[_row_block(128), _row_block(1),
              _const_block(1, 1)],
    out_specs=_row_block(1),
    out_shape=jax.ShapeDtypeStruct((N, 1), jnp.float32),
)


def kernel(x, edge_index, W1, b1, W2, b2, W3, b3):
    ei = edge_index.astype(jnp.int32)
    zeros64 = jnp.zeros((NPAD, 64), jnp.float32)
    zeros8 = jnp.zeros((NPAD, 8), jnp.float32)
    ones8 = jnp.ones((K, 8), jnp.float32)

    pdeg = _deg8(ones8, ei, zeros8)
    g1, dinv = _tc_a(pdeg, x, W1)
    p1 = _agg64(g1, ei, zeros64)
    g2 = _tc_b(p1, dinv, b1.reshape(1, 64), W2)
    p2 = _agg64(g2, ei, zeros64)
    W3_8 = jnp.tile(W3, (1, 8))
    g3 = _tc_c(p2, dinv, b2.reshape(1, 64), W3_8)
    p3 = _agg8(g3, ei, zeros8)
    return _tc_d(p3, dinv, b3.reshape(1, 1))

# --- scband reference (transcript-rebuilt; emitter-appended) ---
"""Pipeline reference for scband-femgraph-nn-60644938219865 (READ-ONLY COPY).

The authoritative reference and input builder live on the scoring server;
editing this copy changes nothing except your own understanding.
"""

import jax, jax.numpy as jnp
import numpy as np

N_NODES = 10000
N_EDGES = 320000
IN_DIM = 128
HID_DIM = 64
OUT_DIM = 1


def gcn_conv(x, src, dst, num_nodes, W, b):
    # add self-loops
    loop = jnp.arange(num_nodes, dtype=src.dtype)
    s = jnp.concatenate([src, loop])
    d = jnp.concatenate([dst, loop])
    # symmetric normalization D^-1/2 (A+I) D^-1/2
    deg = jnp.zeros((num_nodes,), dtype=x.dtype).at[d].add(1.0)
    dinv = jnp.where(deg > 0, 1.0 / jnp.sqrt(deg), 0.0)
    norm = dinv[s] * dinv[d]
    h = x @ W
    msg = h[s] * norm[:, None]
    out = jnp.zeros((num_nodes, W.shape[1]), dtype=x.dtype).at[d].add(msg)
    return out + b


def setup_inputs(seed: int = 0) -> dict:
    key = jax.random.key(seed)
    k_x, k_e, k1, k2, k3 = jax.random.split(key, 5)
    x = jax.random.normal(k_x, (N_NODES, IN_DIM), dtype=jnp.float32)
    edge_index = jax.random.randint(k_e, (2, N_EDGES), 0, N_NODES, dtype=jnp.int64)
    s1 = 1.0 / np.sqrt(IN_DIM)
    s2 = 1.0 / np.sqrt(HID_DIM)
    W1 = jax.random.uniform(k1, (IN_DIM, HID_DIM), jnp.float32, -s1, s1)
    b1 = jnp.zeros((HID_DIM,), jnp.float32)
    W2 = jax.random.uniform(k2, (HID_DIM, HID_DIM), jnp.float32, -s2, s2)
    b2 = jnp.zeros((HID_DIM,), jnp.float32)
    W3 = jax.random.uniform(k3, (HID_DIM, OUT_DIM), jnp.float32, -s2, s2)
    b3 = jnp.zeros((OUT_DIM,), jnp.float32)
    return {"x": x, "edge_index": edge_index, "W1": W1, "b1": b1, "W2": W2, "b2": b2, "W3": W3, "b3": b3}


def reference(x, edge_index, W1, b1, W2, b2, W3, b3):
    src = edge_index[0]
    dst = edge_index[1]
    h = jax.nn.relu(gcn_conv(x, src, dst, N_NODES, W1, b1))
    h = jax.nn.relu(gcn_conv(h, src, dst, N_NODES, W2, b2))
    return gcn_conv(h, src, dst, N_NODES, W3, b3)

if __name__ == "__main__":
    import jax
    _d = setup_inputs()
    print(jax.jit(kernel)(*tuple(_d.values())))

</pallas_src>

<mosaic_0001>
#map = affine_map<(d0, d1) -> (0, 0)>
module attributes {stable_mosaic.version = 14 : i64} {
  func.func @body(%arg0: i32, %arg1: i32, %arg2: memref<10000x8xf32, #tpu.memory_space<hbm>>, %arg3: memref<2x320000xi32, #tpu.memory_space<hbm>>, %arg4: memref<10240x8xf32, #tpu.memory_space<hbm>>, %arg5: memref<10240x128xf32, #tpu.memory_space<hbm>>, %arg6: memref<10000xi32, #tpu.memory_space<vmem>>, %arg7: memref<10000xi32, #tpu.memory_space<vmem>>, %arg8: memref<5x200x8xf32, #tpu.memory_space<vmem>>, %arg9: memref<10240x8xf32, #tpu.memory_space<vmem_shared>>, %arg10: memref<!tpu.dma_semaphore, #tpu.memory_space<semaphore_mem>>, %arg11: memref<!tpu.dma_semaphore, #tpu.memory_space<semaphore_mem>>, %arg12: memref<!tpu.dma_semaphore, #tpu.memory_space<semaphore_mem>>, %arg13: memref<!tpu.dma_semaphore, #tpu.memory_space<semaphore_mem>>, %arg14: memref<!tpu.dma_semaphore, #tpu.memory_space<semaphore_mem>>, %arg15: memref<!tpu.dma_semaphore, #tpu.memory_space<semaphore_mem>>, %arg16: memref<!tpu.dma_semaphore, #tpu.memory_space<semaphore_mem>>, %arg17: memref<!tpu.dma_semaphore, #tpu.memory_space<semaphore_mem>>, %arg18: memref<!tpu.dma_semaphore, #tpu.memory_space<semaphore_mem>>, %arg19: memref<!tpu.dma_semaphore, #tpu.memory_space<semaphore_mem>>) attributes {dimension_semantics = [#tpu.dimension_semantics<core_parallel>, #tpu.dimension_semantics<subcore_parallel>], iteration_bounds = array<i64: 2, 16>, scalar_prefetch = 0 : i64, scratch_operands = 14 : i64, tpu.core_type = #tpu.core_type<sc_vector_subcore>, window_params = [{transform_indices = #map}, {transform_indices = #map}, {transform_indices = #map}, {transform_indices = #map}]} {
    %mul3A = arith.constant 16 : i32
    %mul3A_0 = arith.muli %arg0, %mul3A : i32
    %add3A = arith.addi %mul3A_0, %arg1 : i32
    %mul3A_1 = arith.constant 10000 : i32
    %mul3A_2 = arith.muli %add3A, %mul3A_1 : i32
    %run_scoped3A = arith.constant 0 : i32
    "tpu.region"() ({
      %run_scoped3A_73 = tpu.sem_alloc : memref<!tpu.dma_semaphore, #tpu.memory_space<semaphore_mem>>
      %dma_start3A_74 = tpu.memref_slice %arg3[%run_scoped3A, %mul3A_2] : memref<2x320000xi32, #tpu.memory_space<hbm>> -> memref<1x10000xi32, #tpu.memory_space<hbm>>
      %dma_start3A_75 = tpu.memref_squeeze %dma_start3A_74 : memref<1x10000xi32, #tpu.memory_space<hbm>> -> memref<10000xi32, #tpu.memory_space<hbm>>
      %dma_start3A_76 = tpu.memref_slice %arg3[%run_scoped3A, %mul3A_2] : memref<2x320000xi32, #tpu.memory_space<hbm>> -> memref<1x10000xi32, #tpu.memory_space<hbm>>
      %dma_start3A_77 = tpu.memref_squeeze %dma_start3A_76 : memref<1x10000xi32, #tpu.memory_space<hbm>> -> memref<10000xi32, #tpu.memory_space<hbm>>
      tpu.enqueue_dma source(%dma_start3A_77 : memref<10000xi32, #tpu.memory_space<hbm>>) target(%arg6 : memref<10000xi32, #tpu.memory_space<vmem>>) target_semaphore(%run_scoped3A_73 : memref<!tpu.dma_semaphore, #tpu.memory_space<semaphore_mem>>)
      %dma_wait3A = tpu.memref_slice %arg3[%run_scoped3A, %mul3A_2] : memref<2x320000xi32, #tpu.memory_space<hbm>> -> memref<1x10000xi32, #tpu.memory_space<hbm>>
      %dma_wait3A_78 = tpu.memref_squeeze %dma_wait3A : memref<1x10000xi32, #tpu.memory_space<hbm>> -> memref<10000xi32, #tpu.memory_space<hbm>>
      %dma_wait3A_79 = tpu.memref_slice %arg3[%run_scoped3A, %mul3A_2] : memref<2x320000xi32, #tpu.memory_space<hbm>> -> memref<1x10000xi32, #tpu.memory_space<hbm>>
      %dma_wait3A_80 = tpu.memref_squeeze %dma_wait3A_79 : memref<1x10000xi32, #tpu.memory_space<hbm>> -> memref<10000xi32, #tpu.memory_space<hbm>>
      tpu.wait_dma2 semaphore(%run_scoped3A_73 : memref<!tpu.dma_semaphore, #tpu.memory_space<semaphore_mem>>) src(%dma_wait3A_80 : memref<10000xi32, #tpu.memory_space<hbm>>) dst(%arg6 : memref<10000xi32, #tpu.memory_space<vmem>>)
      tpu.yield
    }) : () -> ()
    %mul3A_3 = arith.constant 10000 : i32
    %mul3A_4 = arith.muli %add3A, %mul3A_3 : i32
    %run_scoped3A_5 = arith.constant 1 : i32
    "tpu.region"() ({
      %run_scoped3A_73 = tpu.sem_alloc : memref<!tpu.dma_semaphore, #tpu.memory_space<semaphore_mem>>
      %dma_start3A_74 = tpu.memref_slice %arg3[%run_scoped3A_5, %mul3A_4] : memref<2x320000xi32, #tpu.memory_space<hbm>> -> memref<1x10000xi32, #tpu.memory_space<hbm>>
      %dma_start3A_75 = tpu.memref_squeeze %dma_start3A_74 : memref<1x10000xi32, #tpu.memory_space<hbm>> -> memref<10000xi32, #tpu.memory_space<hbm>>
      %dma_start3A_76 = tpu.memref_slice %arg3[%run_scoped3A_5, %mul3A_4] : memref<2x320000xi32, #tpu.memory_space<hbm>> -> memref<1x10000xi32, #tpu.memory_space<hbm>>
      %dma_start3A_77 = tpu.memref_squeeze %dma_start3A_76 : memref<1x10000xi32, #tpu.memory_space<hbm>> -> memref<10000xi32, #tpu.memory_space<hbm>>
      tpu.enqueue_dma source(%dma_start3A_77 : memref<10000xi32, #tpu.memory_space<hbm>>) target(%arg7 : memref<10000xi32, #tpu.memory_space<vmem>>) target_semaphore(%run_scoped3A_73 : memref<!tpu.dma_semaphore, #tpu.memory_space<semaphore_mem>>)
      %dma_wait3A = tpu.memref_slice %arg3[%run_scoped3A_5, %mul3A_4] : memref<2x320000xi32, #tpu.memory_space<hbm>> -> memref<1x10000xi32, #tpu.memory_space<hbm>>
      %dma_wait3A_78 = tpu.memref_squeeze %dma_wait3A : memref<1x10000xi32, #tpu.memory_space<hbm>> -> memref<10000xi32, #tpu.memory_space<hbm>>
      %dma_wait3A_79 = tpu.memref_slice %arg3[%run_scoped3A_5, %mul3A_4] : memref<2x320000xi32, #tpu.memory_space<hbm>> -> memref<1x10000xi32, #tpu.memory_space<hbm>>
      %dma_wait3A_80 = tpu.memref_squeeze %dma_wait3A_79 : memref<1x10000xi32, #tpu.memory_space<hbm>> -> memref<10000xi32, #tpu.memory_space<hbm>>
      tpu.wait_dma2 semaphore(%run_scoped3A_73 : memref<!tpu.dma_semaphore, #tpu.memory_space<semaphore_mem>>) src(%dma_wait3A_80 : memref<10000xi32, #tpu.memory_space<hbm>>) dst(%arg7 : memref<10000xi32, #tpu.memory_space<vmem>>)
      tpu.yield
    }) : () -> ()
    %eq3A = arith.constant 0 : i32
    %eq3A_6 = arith.cmpi eq, %arg0, %eq3A : i32
    %convert_element_type3A = arith.extui %eq3A_6 : i1 to i32
    %cond3A = arith.constant 0 : i32
    %cond3A_7 = arith.cmpi ne, %convert_element_type3A, %cond3A : i32
    scf.if %cond3A_7 {
      %lt3A = arith.constant 15 : i32
      %lt3A_73 = arith.cmpi slt, %arg1, %lt3A : i32
      %convert_element_type3A_74 = arith.extui %lt3A_73 : i1 to i32
      %cond3A_75 = arith.constant 0 : i32
      %cond3A_76 = arith.cmpi ne, %convert_element_type3A_74, %cond3A_75 : i32
      scf.if %cond3A_76 {
        %mul3A_82 = arith.constant 640 : i32
        %mul3A_83 = arith.muli %arg1, %mul3A_82 : i32
        %mul3A_84 = arith.constant 640 : i32
        %mul3A_85 = arith.muli %arg1, %mul3A_84 : i32
        "tpu.region"() ({
          %run_scoped3A_86 = tpu.sem_alloc : memref<!tpu.dma_semaphore, #tpu.memory_space<semaphore_mem>>
          %dma_start3A_87 = arith.constant 0 : i32
          %dma_start3A_88 = tpu.memref_slice %arg9[%mul3A_85, %dma_start3A_87] : memref<10240x8xf32, #tpu.memory_space<vmem_shared>> -> memref<640x8xf32, #tpu.memory_space<vmem_shared>>
          %dma_start3A_89 = arith.constant 0 : i32
          %dma_start3A_90 = tpu.memref_slice %arg2[%mul3A_83, %dma_start3A_89] : memref<10000x8xf32, #tpu.memory_space<hbm>> -> memref<640x8xf32, #tpu.memory_space<hbm>>
          tpu.enqueue_dma source(%dma_start3A_90 : memref<640x8xf32, #tpu.memory_space<hbm>>) target(%dma_start3A_88 : memref<640x8xf32, #tpu.memory_space<vmem_shared>>) target_semaphore(%run_scoped3A_86 : memref<!tpu.dma_semaphore, #tpu.memory_space<semaphore_mem>>)
          %dma_wait3A = arith.constant 0 : i32
          %dma_wait3A_91 = tpu.memref_slice %arg9[%mul3A_85, %dma_wait3A] : memref<10240x8xf32, #tpu.memory_space<vmem_shared>> -> memref<640x8xf32, #tpu.memory_space<vmem_shared>>
          %dma_wait3A_92 = arith.constant 0 : i32
          %dma_wait3A_93 = tpu.memref_slice %arg2[%mul3A_83, %dma_wait3A_92] : memref<10000x8xf32, #tpu.memory_space<hbm>> -> memref<640x8xf32, #tpu.memory_space<hbm>>
          tpu.wait_dma2 semaphore(%run_scoped3A_86 : memref<!tpu.dma_semaphore, #tpu.memory_space<semaphore_mem>>) src(%dma_wait3A_93 : memref<640x8xf32, #tpu.memory_space<hbm>>) dst(%dma_wait3A_91 : memref<640x8xf32, #tpu.memory_space<vmem_shared>>)
          tpu.yield
        }) : () -> ()
      } else {
      }
      %eq3A_77 = arith.constant 15 : i32
      %eq3A_78 = arith.cmpi eq, %arg1, %eq3A_77 : i32
      %convert_element_type3A_79 = arith.extui %eq3A_78 : i1 to i32
      %cond3A_80 = arith.constant 0 : i32
      %cond3A_81 = arith.cmpi ne, %convert_element_type3A_79, %cond3A_80 : i32
      scf.if %cond3A_81 {
        "tpu.region"() ({
          %run_scoped3A_82 = tpu.sem_alloc : memref<!tpu.dma_semaphore, #tpu.memory_space<semaphore_mem>>
          %dma_start3A_83 = arith.constant 9600 : i32
          %dma_start3A_84 = arith.constant 0 : i32
          %dma_start3A_85 = tpu.memref_slice %arg9[%dma_start3A_83, %dma_start3A_84] : memref<10240x8xf32, #tpu.memory_space<vmem_shared>> -> memref<400x8xf32, #tpu.memory_space<vmem_shared>>
          %dma_start3A_86 = arith.constant 9600 : i32
          %dma_start3A_87 = arith.constant 0 : i32
          %dma_start3A_88 = tpu.memref_slice %arg2[%dma_start3A_86, %dma_start3A_87] : memref<10000x8xf32, #tpu.memory_space<hbm>> -> memref<400x8xf32, #tpu.memory_space<hbm>>
          tpu.enqueue_dma source(%dma_start3A_88 : memref<400x8xf32, #tpu.memory_space<hbm>>) target(%dma_start3A_85 : memref<400x8xf32, #tpu.memory_space<vmem_shared>>) target_semaphore(%run_scoped3A_82 : memref<!tpu.dma_semaphore, #tpu.memory_space<semaphore_mem>>)
          %dma_wait3A = arith.constant 9600 : i32
          %dma_wait3A_89 = arith.constant 0 : i32
          %dma_wait3A_90 = tpu.memref_slice %arg9[%dma_wait3A, %dma_wait3A_89] : memref<10240x8xf32, #tpu.memory_space<vmem_shared>> -> memref<400x8xf32, #tpu.memory_space<vmem_shared>>
          %dma_wait3A_91 = arith.constant 9600 : i32
          %dma_wait3A_92 = arith.constant 0 : i32
          %dma_wait3A_93 = tpu.memref_slice %arg2[%dma_wait3A_91, %dma_wait3A_92] : memref<10000x8xf32, #tpu.memory_space<hbm>> -> memref<400x8xf32, #tpu.memory_space<hbm>>
          tpu.wait_dma2 semaphore(%run_scoped3A_82 : memref<!tpu.dma_semaphore, #tpu.memory_space<semaphore_mem>>) src(%dma_wait3A_93 : memref<400x8xf32, #tpu.memory_space<hbm>>) dst(%dma_wait3A_90 : memref<400x8xf32, #tpu.memory_space<vmem_shared>>)
          tpu.yield
        }) : () -> ()
        "tpu.region"() ({
          %run_scoped3A_82 = tpu.sem_alloc : memref<!tpu.dma_semaphore, #tpu.memory_space<semaphore_mem>>
          %dma_start3A_83 = arith.constant 10000 : i32
          %dma_start3A_84 = arith.constant 0 : i32
          %dma_start3A_85 = tpu.memref_slice %arg9[%dma_start3A_83, %dma_start3A_84] : memref<10240x8xf32, #tpu.memory_space<vmem_shared>> -> memref<240x8xf32, #tpu.memory_space<vmem_shared>>
          %dma_start3A_86 = arith.constant 10000 : i32
          %dma_start3A_87 = arith.constant 0 : i32
          %dma_start3A_88 = tpu.memref_slice %arg4[%dma_start3A_86, %dma_start3A_87] : memref<10240x8xf32, #tpu.memory_space<hbm>> -> memref<240x8xf32, #tpu.memory_space<hbm>>
          tpu.enqueue_dma source(%dma_start3A_88 : memref<240x8xf32, #tpu.memory_space<hbm>>) target(%dma_start3A_85 : memref<240x8xf32, #tpu.memory_space<vmem_shared>>) target_semaphore(%run_scoped3A_82 : memref<!tpu.dma_semaphore, #tpu.memory_space<semaphore_mem>>)
          %dma_wait3A = arith.constant 10000 : i32
          %dma_wait3A_89 = arith.constant 0 : i32
          %dma_wait3A_90 = tpu.memref_slice %arg9[%dma_wait3A, %dma_wait3A_89] : memref<10240x8xf32, #tpu.memory_space<vmem_shared>> -> memref<240x8xf32, #tpu.memory_space<vmem_shared>>
          %dma_wait3A_91 = arith.constant 10000 : i32
          %dma_wait3A_92 = arith.constant 0 : i32
          %dma_wait3A_93 = tpu.memref_slice %arg4[%dma_wait3A_91, %dma_wait3A_92] : memref<10240x8xf32, #tpu.memory_space<hbm>> -> memref<240x8xf32, #tpu.memory_space<hbm>>
          tpu.wait_dma2 semaphore(%run_scoped3A_82 : memref<!tpu.dma_semaphore, #tpu.memory_space<semaphore_mem>>) src(%dma_wait3A_93 : memref<240x8xf32, #tpu.memory_space<hbm>>) dst(%dma_wait3A_90 : memref<240x8xf32, #tpu.memory_space<vmem_shared>>)
          tpu.yield
        }) : () -> ()
      } else {
      }
    } else {
    }
    %eq3A_8 = arith.constant 1 : i32
    %eq3A_9 = arith.cmpi eq, %arg0, %eq3A_8 : i32
    %convert_element_type3A_10 = arith.extui %eq3A_9 : i1 to i32
    %cond3A_11 = arith.constant 0 : i32
    %cond3A_12 = arith.cmpi ne, %convert_element_type3A_10, %cond3A_11 : i32
    scf.if %cond3A_12 {
      %mul3A_73 = arith.constant 640 : i32
      %mul3A_74 = arith.muli %arg1, %mul3A_73 : i32
      %mul3A_75 = arith.constant 640 : i32
      %mul3A_76 = arith.muli %arg1, %mul3A_75 : i32
      "tpu.region"() ({
        %run_scoped3A_77 = tpu.sem_alloc : memref<!tpu.dma_semaphore, #tpu.memory_space<semaphore_mem>>
        %dma_start3A_78 = arith.constant 0 : i32
        %dma_start3A_79 = tpu.memref_slice %arg9[%mul3A_76, %dma_start3A_78] : memref<10240x8xf32, #tpu.memory_space<vmem_shared>> -> memref<640x8xf32, #tpu.memory_space<vmem_shared>>
        %dma_start3A_80 = arith.constant 0 : i32
        %dma_start3A_81 = tpu.memref_slice %arg4[%mul3A_74, %dma_start3A_80] : memref<10240x8xf32, #tpu.memory_space<hbm>> -> memref<640x8xf32, #tpu.memory_space<hbm>>
        tpu.enqueue_dma source(%dma_start3A_81 : memref<640x8xf32, #tpu.memory_space<hbm>>) target(%dma_start3A_79 : memref<640x8xf32, #tpu.memory_space<vmem_shared>>) target_semaphore(%run_scoped3A_77 : memref<!tpu.dma_semaphore, #tpu.memory_space<semaphore_mem>>)
        %dma_wait3A = arith.constant 0 : i32
        %dma_wait3A_82 = tpu.memref_slice %arg9[%mul3A_76, %dma_wait3A] : memref<10240x8xf32, #tpu.memory_space<vmem_shared>> -> memref<640x8xf32, #tpu.memory_space<vmem_shared>>
        %dma_wait3A_83 = arith.constant 0 : i32
        %dma_wait3A_84 = tpu.memref_slice %arg4[%mul3A_74, %dma_wait3A_83] : memref<10240x8xf32, #tpu.memory_space<hbm>> -> memref<640x8xf32, #tpu.memory_space<hbm>>
        tpu.wait_dma2 semaphore(%run_scoped3A_77 : memref<!tpu.dma_semaphore, #tpu.memory_space<semaphore_mem>>) src(%dma_wait3A_84 : memref<640x8xf32, #tpu.memory_space<hbm>>) dst(%dma_wait3A_82 : memref<640x8xf32, #tpu.memory_space<vmem_shared>>)
        tpu.yield
      }) : () -> ()
    } else {
    }
    %barrier3A = arith.constant 0 : index
    tpu.barrier barrier_id(%barrier3A)
    %dma_start3A = arith.constant 0 : i32
    %dma_start3A_13 = arith.constant 0 : i32
    %dma_start3A_14 = arith.constant 0 : i32
    %dma_start3A_15 = tpu.memref_slice %arg8[%dma_start3A, %dma_start3A_13, %dma_start3A_14] : memref<5x200x8xf32, #tpu.memory_space<vmem>> -> memref<1x200x8xf32, #tpu.memory_space<vmem>>
    %dma_start3A_16 = tpu.memref_squeeze %dma_start3A_15 : memref<1x200x8xf32, #tpu.memory_space<vmem>> -> memref<200x8xf32, #tpu.memory_space<vmem>>
    %dma_start3A_17 = arith.constant 0 : i32
    %dma_start3A_18 = tpu.memref_slice %arg6[%dma_start3A_17] : memref<10000xi32, #tpu.memory_space<vmem>> -> memref<200xi32, #tpu.memory_space<vmem>>
    %dma_start3A_19 = arith.constant 0 : i32
    %dma_start3A_20 = arith.constant 0 : i32
    %dma_start3A_21 = tpu.memref_slice %arg2[%dma_start3A_19, %dma_start3A_20] : memref<10000x8xf32, #tpu.memory_space<hbm>> -> memref<10000x8xf32, #tpu.memory_space<hbm>>
    tpu.enqueue_indirect_dma source(%dma_start3A_21 : memref<10000x8xf32, #tpu.memory_space<hbm>>) target(%dma_start3A_16 : memref<200x8xf32, #tpu.memory_space<vmem>>) offsets(%dma_start3A_18 : memref<200xi32, #tpu.memory_space<vmem>>) semaphore(%arg10 : memref<!tpu.dma_semaphore, #tpu.memory_space<semaphore_mem>>)
    %dma_start3A_22 = arith.constant 1 : i32
    %dma_start3A_23 = arith.constant 0 : i32
    %dma_start3A_24 = arith.constant 0 : i32
    %dma_start3A_25 = tpu.memref_slice %arg8[%dma_start3A_22, %dma_start3A_23, %dma_start3A_24] : memref<5x200x8xf32, #tpu.memory_space<vmem>> -> memref<1x200x8xf32, #tpu.memory_space<vmem>>
    %dma_start3A_26 = tpu.memref_squeeze %dma_start3A_25 : memref<1x200x8xf32, #tpu.memory_space<vmem>> -> memref<200x8xf32, #tpu.memory_space<vmem>>
    %dma_start3A_27 = arith.constant 200 : i32
    %dma_start3A_28 = tpu.memref_slice %arg6[%dma_start3A_27] : memref<10000xi32, #tpu.memory_space<vmem>> -> memref<200xi32, #tpu.memory_space<vmem>>
    %dma_start3A_29 = arith.constant 0 : i32
    %dma_start3A_30 = arith.constant 0 : i32
    %dma_start3A_31 = tpu.memref_slice %arg2[%dma_start3A_29, %dma_start3A_30] : memref<10000x8xf32, #tpu.memory_space<hbm>> -> memref<10000x8xf32, #tpu.memory_space<hbm>>
    tpu.enqueue_indirect_dma source(%dma_start3A_31 : memref<10000x8xf32, #tpu.memory_space<hbm>>) target(%dma_start3A_26 : memref<200x8xf32, #tpu.memory_space<vmem>>) offsets(%dma_start3A_28 : memref<200xi32, #tpu.memory_space<vmem>>) semaphore(%arg11 : memref<!tpu.dma_semaphore, #tpu.memory_space<semaphore_mem>>)
    %dma_start3A_32 = arith.constant 2 : i32
    %dma_start3A_33 = arith.constant 0 : i32
    %dma_start3A_34 = arith.constant 0 : i32
    %dma_start3A_35 = tpu.memref_slice %arg8[%dma_start3A_32, %dma_start3A_33, %dma_start3A_34] : memref<5x200x8xf32, #tpu.memory_space<vmem>> -> memref<1x200x8xf32, #tpu.memory_space<vmem>>
    %dma_start3A_36 = tpu.memref_squeeze %dma_start3A_35 : memref<1x200x8xf32, #tpu.memory_space<vmem>> -> memref<200x8xf32, #tpu.memory_space<vmem>>
    %dma_start3A_37 = arith.constant 400 : i32
    %dma_start3A_38 = tpu.memref_slice %arg6[%dma_start3A_37] : memref<10000xi32, #tpu.memory_space<vmem>> -> memref<200xi32, #tpu.memory_space<vmem>>
    %dma_start3A_39 = arith.constant 0 : i32
    %dma_start3A_40 = arith.constant 0 : i32
    %dma_start3A_41 = tpu.memref_slice %arg2[%dma_start3A_39, %dma_start3A_40] : memref<10000x8xf32, #tpu.memory_space<hbm>> -> memref<10000x8xf32, #tpu.memory_space<hbm>>
    tpu.enqueue_indirect_dma source(%dma_start3A_41 : memref<10000x8xf32, #tpu.memory_space<hbm>>) target(%dma_start3A_36 : memref<200x8xf32, #tpu.memory_space<vmem>>) offsets(%dma_start3A_38 : memref<200xi32, #tpu.memory_space<vmem>>) semaphore(%arg12 : memref<!tpu.dma_semaphore, #tpu.memory_space<semaphore_mem>>)
    %dma_start3A_42 = arith.constant 3 : i32
    %dma_start3A_43 = arith.constant 0 : i32
    %dma_start3A_44 = arith.constant 0 : i32
    %dma_start3A_45 = tpu.memref_slice %arg8[%dma_start3A_42, %dma_start3A_43, %dma_start3A_44] : memref<5x200x8xf32, #tpu.memory_space<vmem>> -> memref<1x200x8xf32, #tpu.memory_space<vmem>>
    %dma_start3A_46 = tpu.memref_squeeze %dma_start3A_45 : memref<1x200x8xf32, #tpu.memory_space<vmem>> -> memref<200x8xf32, #tpu.memory_space<vmem>>
    %dma_start3A_47 = arith.constant 600 : i32
    %dma_start3A_48 = tpu.memref_slice %arg6[%dma_start3A_47] : memref<10000xi32, #tpu.memory_space<vmem>> -> memref<200xi32, #tpu.memory_space<vmem>>
    %dma_start3A_49 = arith.constant 0 : i32
    %dma_start3A_50 = arith.constant 0 : i32
    %dma_start3A_51 = tpu.memref_slice %arg2[%dma_start3A_49, %dma_start3A_50] : memref<10000x8xf32, #tpu.memory_space<hbm>> -> memref<10000x8xf32, #tpu.memory_space<hbm>>
    tpu.enqueue_indirect_dma source(%dma_start3A_51 : memref<10000x8xf32, #tpu.memory_space<hbm>>) target(%dma_start3A_46 : memref<200x8xf32, #tpu.memory_space<vmem>>) offsets(%dma_start3A_48 : memref<200xi32, #tpu.memory_space<vmem>>) semaphore(%arg13 : memref<!tpu.dma_semaphore, #tpu.memory_space<semaphore_mem>>)
    %dma_start3A_52 = arith.constant 4 : i32
    %dma_start3A_53 = arith.constant 0 : i32
    %dma_start3A_54 = arith.constant 0 : i32
    %dma_start3A_55 = tpu.memref_slice %arg8[%dma_start3A_52, %dma_start3A_53, %dma_start3A_54] : memref<5x200x8xf32, #tpu.memory_space<vmem>> -> memref<1x200x8xf32, #tpu.memory_space<vmem>>
    %dma_start3A_56 = tpu.memref_squeeze %dma_start3A_55 : memref<1x200x8xf32, #tpu.memory_space<vmem>> -> memref<200x8xf32, #tpu.memory_space<vmem>>
    %dma_start3A_57 = arith.constant 800 : i32
    %dma_start3A_58 = tpu.memref_slice %arg6[%dma_start3A_57] : memref<10000xi32, #tpu.memory_space<vmem>> -> memref<200xi32, #tpu.memory_space<vmem>>
    %dma_start3A_59 = arith.constant 0 : i32
    %dma_start3A_60 = arith.constant 0 : i32
    %dma_start3A_61 = tpu.memref_slice %arg2[%dma_start3A_59, %dma_start3A_60] : memref<10000x8xf32, #tpu.memory_space<hbm>> -> memref<10000x8xf32, #tpu.memory_space<hbm>>
    tpu.enqueue_indirect_dma source(%dma_start3A_61 : memref<10000x8xf32, #tpu.memory_space<hbm>>) target(%dma_start3A_56 : memref<200x8xf32, #tpu.memory_space<vmem>>) offsets(%dma_start3A_58 : memref<200xi32, #tpu.memory_space<vmem>>) semaphore(%arg14 : memref<!tpu.dma_semaphore, #tpu.memory_space<semaphore_mem>>)
    %scan3A = arith.constant 0 : i32
    %scan3A_62 = arith.constant 10 : i32
    %scan3A_63 = arith.addi %scan3A, %scan3A_62 : i32
    %scan3A_64 = arith.constant 1 : i32
    scf.for %scan3A_73 = %scan3A to %scan3A_63 step %scan3A_64  : i32 {
      %mul3A_74 = arith.constant 1 : i32
      %mul3A_75 = arith.muli %scan3A_73, %mul3A_74 : i32
      %add3A_76 = arith.constant 0 : i32
      %add3A_77 = arith.addi %add3A_76, %mul3A_75 : i32
      %mul3A_78 = arith.constant 5 : i32
      %mul3A_79 = arith.muli %add3A_77, %mul3A_78 : i32
      %add3A_80 = arith.constant 0 : i32
      %add3A_81 = arith.addi %mul3A_79, %add3A_80 : i32
      %mul3A_82 = arith.constant 200 : i32
      %mul3A_83 = arith.muli %add3A_81, %mul3A_82 : i32
      %dma_wait3A = arith.constant 0 : i32
      %dma_wait3A_84 = arith.constant 0 : i32
      %dma_wait3A_85 = arith.constant 0 : i32
      %dma_wait3A_86 = tpu.memref_slice %arg8[%dma_wait3A, %dma_wait3A_84, %dma_wait3A_85] : memref<5x200x8xf32, #tpu.memory_space<vmem>> -> memref<1x200x8xf32, #tpu.memory_space<vmem>>
      %dma_wait3A_87 = tpu.memref_squeeze %dma_wait3A_86 : memref<1x200x8xf32, #tpu.memory_space<vmem>> -> memref<200x8xf32, #tpu.memory_space<vmem>>
      %dma_wait3A_88 = tpu.memref_slice %arg6[%mul3A_83] : memref<10000xi32, #tpu.memory_space<vmem>> -> memref<200xi32, #tpu.memory_space<vmem>>
      %dma_wait3A_89 = arith.constant 0 : i32
      %dma_wait3A_90 = arith.constant 0 : i32
      %dma_wait3A_91 = tpu.memref_slice %arg2[%dma_wait3A_89, %dma_wait3A_90] : memref<10000x8xf32, #tpu.memory_space<hbm>> -> memref<10000x8xf32, #tpu.memory_space<hbm>>
      tpu.wait_indirect_dma semaphore(%arg10 : memref<!tpu.dma_semaphore, #tpu.memory_space<semaphore_mem>>) src(%dma_wait3A_91 : memref<10000x8xf32, #tpu.memory_space<hbm>>) dst(%dma_wait3A_87 : memref<200x8xf32, #tpu.memory_space<vmem>>)
      %add3A_92 = arith.constant 0 : i32
      %add3A_93 = arith.addi %mul3A_79, %add3A_92 : i32
      %mul3A_94 = arith.constant 200 : i32
      %mul3A_95 = arith.muli %add3A_93, %mul3A_94 : i32
      %dma_start3A_96 = arith.constant 0 : i32
      %dma_start3A_97 = arith.constant 0 : i32
      %dma_start3A_98 = arith.constant 0 : i32
      %dma_start3A_99 = tpu.memref_slice %arg8[%dma_start3A_96, %dma_start3A_97, %dma_start3A_98] : memref<5x200x8xf32, #tpu.memory_space<vmem>> -> memref<1x200x8xf32, #tpu.memory_space<vmem>>
      %dma_start3A_100 = tpu.memref_squeeze %dma_start3A_99 : memref<1x200x8xf32, #tpu.memory_space<vmem>> -> memref<200x8xf32, #tpu.memory_space<vmem>>
      %dma_start3A_101 = tpu.memref_slice %arg7[%mul3A_95] : memref<10000xi32, #tpu.memory_space<vmem>> -> memref<200xi32, #tpu.memory_space<vmem>>
      %dma_start3A_102 = arith.constant 0 : i32
      %dma_start3A_103 = arith.constant 0 : i32
      %dma_start3A_104 = tpu.memref_slice %arg9[%dma_start3A_102, %dma_start3A_103] : memref<10240x8xf32, #tpu.memory_space<vmem_shared>> -> memref<10240x8xf32, #tpu.memory_space<vmem_shared>>
      tpu.enqueue_indirect_dma source(%dma_start3A_100 : memref<200x8xf32, #tpu.memory_space<vmem>>) target(%dma_start3A_104 : memref<10240x8xf32, #tpu.memory_space<vmem_shared>>) offsets(%dma_start3A_101 : memref<200xi32, #tpu.memory_space<vmem>>) semaphore(%arg15 : memref<!tpu.dma_semaphore, #tpu.memory_space<semaphore_mem>>) {add = true}
      %add3A_105 = arith.constant 1 : i32
      %add3A_106 = arith.addi %mul3A_79, %add3A_105 : i32
      %mul3A_107 = arith.constant 200 : i32
      %mul3A_108 = arith.muli %add3A_106, %mul3A_107 : i32
      %dma_wait3A_109 = arith.constant 1 : i32
      %dma_wait3A_110 = arith.constant 0 : i32
      %dma_wait3A_111 = arith.constant 0 : i32
      %dma_wait3A_112 = tpu.memref_slice %arg8[%dma_wait3A_109, %dma_wait3A_110, %dma_wait3A_111] : memref<5x200x8xf32, #tpu.memory_space<vmem>> -> memref<1x200x8xf32, #tpu.memory_space<vmem>>
      %dma_wait3A_113 = tpu.memref_squeeze %dma_wait3A_112 : memref<1x200x8xf32, #tpu.memory_space<vmem>> -> memref<200x8xf32, #tpu.memory_space<vmem>>
      %dma_wait3A_114 = tpu.memref_slice %arg6[%mul3A_108] : memref<10000xi32, #tpu.memory_space<vmem>> -> memref<200xi32, #tpu.memory_space<vmem>>
      %dma_wait3A_115 = arith.constant 0 : i32
      %dma_wait3A_116 = arith.constant 0 : i32
      %dma_wait3A_117 = tpu.memref_slice %arg2[%dma_wait3A_115, %dma_wait3A_116] : memref<10000x8xf32, #tpu.memory_space<hbm>> -> memref<10000x8xf32, #tpu.memory_space<hbm>>
      tpu.wait_indirect_dma semaphore(%arg11 : memref<!tpu.dma_semaphore, #tpu.memory_space<semaphore_mem>>) src(%dma_wait3A_117 : memref<10000x8xf32, #tpu.memory_space<hbm>>) dst(%dma_wait3A_113 : memref<200x8xf32, #tpu.memory_space<vmem>>)
      %add3A_118 = arith.constant 1 : i32
      %add3A_119 = arith.addi %mul3A_79, %add3A_118 : i32
      %mul3A_120 = arith.constant 200 : i32
      %mul3A_121 = arith.muli %add3A_119, %mul3A_120 : i32
      %dma_start3A_122 = arith.constant 1 : i32
      %dma_start3A_123 = arith.constant 0 : i32
      %dma_start3A_124 = arith.constant 0 : i32
      %dma_start3A_125 = tpu.memref_slice %arg8[%dma_start3A_122, %dma_start3A_123, %dma_start3A_124] : memref<5x200x8xf32, #tpu.memory_space<vmem>> -> memref<1x200x8xf32, #tpu.memory_space<vmem>>
      %dma_start3A_126 = tpu.memref_squeeze %dma_start3A_125 : memref<1x200x8xf32, #tpu.memory_space<vmem>> -> memref<200x8xf32, #tpu.memory_space<vmem>>
      %dma_start3A_127 = tpu.memref_slice %arg7[%mul3A_121] : memref<10000xi32, #tpu.memory_space<vmem>> -> memref<200xi32, #tpu.memory_space<vmem>>
      %dma_start3A_128 = arith.constant 0 : i32
      %dma_start3A_129 = arith.constant 0 : i32
      %dma_start3A_130 = tpu.memref_slice %arg9[%dma_start3A_128, %dma_start3A_129] : memref<10240x8xf32, #tpu.memory_space<vmem_shared>> -> memref<10240x8xf32, #tpu.memory_space<vmem_shared>>
      tpu.enqueue_indirect_dma source(%dma_start3A_126 : memref<200x8xf32, #tpu.memory_space<vmem>>) target(%dma_start3A_130 : memref<10240x8xf32, #tpu.memory_space<vmem_shared>>) offsets(%dma_start3A_127 : memref<200xi32, #tpu.memory_space<vmem>>) semaphore(%arg16 : memref<!tpu.dma_semaphore, #tpu.memory_space<semaphore_mem>>) {add = true}
      %add3A_131 = arith.constant 2 : i32
      %add3A_132 = arith.addi %mul3A_79, %add3A_131 : i32
      %mul3A_133 = arith.constant 200 : i32
      %mul3A_134 = arith.muli %add3A_132, %mul3A_133 : i32
      %dma_wait3A_135 = arith.constant 2 : i32
      %dma_wait3A_136 = arith.constant 0 : i32
      %dma_wait3A_137 = arith.constant 0 : i32
      %dma_wait3A_138 = tpu.memref_slice %arg8[%dma_wait3A_135, %dma_wait3A_136, %dma_wait3A_137] : memref<5x200x8xf32, #tpu.memory_space<vmem>> -> memref<1x200x8xf32, #tpu.memory_space<vmem>>
      %dma_wait3A_139 = tpu.memref_squeeze %dma_wait3A_138 : memref<1x200x8xf32, #tpu.memory_space<vmem>> -> memref<200x8xf32, #tpu.memory_space<vmem>>
      %dma_wait3A_140 = tpu.memref_slice %arg6[%mul3A_134] : memref<10000xi32, #tpu.memory_space<vmem>> -> memref<200xi32, #tpu.memory_space<vmem>>
      %dma_wait3A_141 = arith.constant 0 : i32
      %dma_wait3A_142 = arith.constant 0 : i32
      %dma_wait3A_143 = tpu.memref_slice %arg2[%dma_wait3A_141, %dma_wait3A_142] : memref<10000x8xf32, #tpu.memory_space<hbm>> -> memref<10000x8xf32, #tpu.memory_space<hbm>>
      tpu.wait_indirect_dma semaphore(%arg12 : memref<!tpu.dma_semaphore, #tpu.memory_space<semaphore_mem>>) src(%dma_wait3A_143 : memref<10000x8xf32, #tpu.memory_space<hbm>>) dst(%dma_wait3A_139 : memref<200x8xf32, #tpu.memory_space<vmem>>)
      %add3A_144 = arith.constant 2 : i32
      %add3A_145 = arith.addi %mul3A_79, %add3A_144 : i32
      %mul3A_146 = arith.constant 200 : i32
      %mul3A_147 = arith.muli %add3A_145, %mul3A_146 : i32
      %dma_start3A_148 = arith.constant 2 : i32
      %dma_start3A_149 = arith.constant 0 : i32
      %dma_start3A_150 = arith.constant 0 : i32
      %dma_start3A_151 = tpu.memref_slice %arg8[%dma_start3A_148, %dma_start3A_149, %dma_start3A_150] : memref<5x200x8xf32, #tpu.memory_space<vmem>> -> memref<1x200x8xf32, #tpu.memory_space<vmem>>
      %dma_start3A_152 = tpu.memref_squeeze %dma_start3A_151 : memref<1x200x8xf32, #tpu.memory_space<vmem>> -> memref<200x8xf32, #tpu.memory_space<vmem>>
      %dma_start3A_153 = tpu.memref_slice %arg7[%mul3A_147] : memref<10000xi32, #tpu.memory_space<vmem>> -> memref<200xi32, #tpu.memory_space<vmem>>
      %dma_start3A_154 = arith.constant 0 : i32
      %dma_start3A_155 = arith.constant 0 : i32
      %dma_start3A_156 = tpu.memref_slice %arg9[%dma_start3A_154, %dma_start3A_155] : memref<10240x8xf32, #tpu.memory_space<vmem_shared>> -> memref<10240x8xf32, #tpu.memory_space<vmem_shared>>
      tpu.enqueue_indirect_dma source(%dma_start3A_152 : memref<200x8xf32, #tpu.memory_space<vmem>>) target(%dma_start3A_156 : memref<10240x8xf32, #tpu.memory_space<vmem_shared>>) offsets(%dma_start3A_153 : memref<200xi32, #tpu.memory_space<vmem>>) semaphore(%arg17 : memref<!tpu.dma_semaphore, #tpu.memory_space<semaphore_mem>>) {add = true}
      %add3A_157 = arith.constant 3 : i32
      %add3A_158 = arith.addi %mul3A_79, %add3A_157 : i32
      %mul3A_159 = arith.constant 200 : i32
      %mul3A_160 = arith.muli %add3A_158, %mul3A_159 : i32
      %dma_wait3A_161 = arith.constant 3 : i32
      %dma_wait3A_162 = arith.constant 0 : i32
      %dma_wait3A_163 = arith.constant 0 : i32
      %dma_wait3A_164 = tpu.memref_slice %arg8[%dma_wait3A_161, %dma_wait3A_162, %dma_wait3A_163] : memref<5x200x8xf32, #tpu.memory_space<vmem>> -> memref<1x200x8xf32, #tpu.memory_space<vmem>>
      %dma_wait3A_165 = tpu.memref_squeeze %dma_wait3A_164 : memref<1x200x8xf32, #tpu.memory_space<vmem>> -> memref<200x8xf32, #tpu.memory_space<vmem>>
      %dma_wait3A_166 = tpu.memref_slice %arg6[%mul3A_160] : memref<10000xi32, #tpu.memory_space<vmem>> -> memref<200xi32, #tpu.memory_space<vmem>>
      %dma_wait3A_167 = arith.constant 0 : i32
      %dma_wait3A_168 = arith.constant 0 : i32
      %dma_wait3A_169 = tpu.memref_slice %arg2[%dma_wait3A_167, %dma_wait3A_168] : memref<10000x8xf32, #tpu.memory_space<hbm>> -> memref<10000x8xf32, #tpu.memory_space<hbm>>
      tpu.wait_indirect_dma semaphore(%arg13 : memref<!tpu.dma_semaphore, #tpu.memory_space<semaphore_mem>>) src(%dma_wait3A_169 : memref<10000x8xf32, #tpu.memory_space<hbm>>) dst(%dma_wait3A_165 : memref<200x8xf32, #tpu.memory_space<vmem>>)
      %add3A_170 = arith.constant 3 : i32
      %add3A_171 = arith.addi %mul3A_79, %add3A_170 : i32
      %mul3A_172 = arith.constant 200 : i32
      %mul3A_173 = arith.muli %add3A_171, %mul3A_172 : i32
      %dma_start3A_174 = arith.constant 3 : i32
      %dma_start3A_175 = arith.constant 0 : i32
      %dma_start3A_176 = arith.constant 0 : i32
      %dma_start3A_177 = tpu.memref_slice %arg8[%dma_start3A_174, %dma_start3A_175, %dma_start3A_176] : memref<5x200x8xf32, #tpu.memory_space<vmem>> -> memref<1x200x8xf32, #tpu.memory_space<vmem>>
      %dma_start3A_178 = tpu.memref_squeeze %dma_start3A_177 : memref<1x200x8xf32, #tpu.memory_space<vmem>> -> memref<200x8xf32, #tpu.memory_space<vmem>>
      %dma_start3A_179 = tpu.memref_slice %arg7[%mul3A_173] : memref<10000xi32, #tpu.memory_space<vmem>> -> memref<200xi32, #tpu.memory_space<vmem>>
      %dma_start3A_180 = arith.constant 0 : i32
      %dma_start3A_181 = arith.constant 0 : i32
      %dma_start3A_182 = tpu.memref_slice %arg9[%dma_start3A_180, %dma_start3A_181] : memref<10240x8xf32, #tpu.memory_space<vmem_shared>> -> memref<10240x8xf32, #tpu.memory_space<vmem_shared>>
      tpu.enqueue_indirect_dma source(%dma_start3A_178 : memref<200x8xf32, #tpu.memory_space<vmem>>) target(%dma_start3A_182 : memref<10240x8xf32, #tpu.memory_space<vmem_shared>>) offsets(%dma_start3A_179 : memref<200xi32, #tpu.memory_space<vmem>>) semaphore(%arg18 : memref<!tpu.dma_semaphore, #tpu.memory_space<semaphore_mem>>) {add = true}
      %add3A_183 = arith.constant 4 : i32
      %add3A_184 = arith.addi %mul3A_79, %add3A_183 : i32
      %mul3A_185 = arith.constant 200 : i32
      %mul3A_186 = arith.muli %add3A_184, %mul3A_185 : i32
      %dma_wait3A_187 = arith.constant 4 : i32
      %dma_wait3A_188 = arith.constant 0 : i32
      %dma_wait3A_189 = arith.constant 0 : i32
      %dma_wait3A_190 = tpu.memref_slice %arg8[%dma_wait3A_187, %dma_wait3A_188, %dma_wait3A_189] : memref<5x200x8xf32, #tpu.memory_space<vmem>> -> memref<1x200x8xf32, #tpu.memory_space<vmem>>
      %dma_wait3A_191 = tpu.memref_squeeze %dma_wait3A_190 : memref<1x200x8xf32, #tpu.memory_space<vmem>> -> memref<200x8xf32, #tpu.memory_space<vmem>>
      %dma_wait3A_192 = tpu.memref_slice %arg6[%mul3A_186] : memref<10000xi32, #tpu.memory_space<vmem>> -> memref<200xi32, #tpu.memory_space<vmem>>
      %dma_wait3A_193 = arith.constant 0 : i32
      %dma_wait3A_194 = arith.constant 0 : i32
      %dma_wait3A_195 = tpu.memref_slice %arg2[%dma_wait3A_193, %dma_wait3A_194] : memref<10000x8xf32, #tpu.memory_space<hbm>> -> memref<10000x8xf32, #tpu.memory_space<hbm>>
      tpu.wait_indirect_dma semaphore(%arg14 : memref<!tpu.dma_semaphore, #tpu.memory_space<semaphore_mem>>) src(%dma_wait3A_195 : memref<10000x8xf32, #tpu.memory_space<hbm>>) dst(%dma_wait3A_191 : memref<200x8xf32, #tpu.memory_space<vmem>>)
      %add3A_196 = arith.constant 4 : i32
      %add3A_197 = arith.addi %mul3A_79, %add3A_196 : i32
      %mul3A_198 = arith.constant 200 : i32
      %mul3A_199 = arith.muli %add3A_197, %mul3A_198 : i32
      %dma_start3A_200 = arith.constant 4 : i32
      %dma_start3A_201 = arith.constant 0 : i32
      %dma_start3A_202 = arith.constant 0 : i32
      %dma_start3A_203 = tpu.memref_slice %arg8[%dma_start3A_200, %dma_start3A_201, %dma_start3A_202] : memref<5x200x8xf32, #tpu.memory_space<vmem>> -> memref<1x200x8xf32, #tpu.memory_space<vmem>>
      %dma_start3A_204 = tpu.memref_squeeze %dma_start3A_203 : memref<1x200x8xf32, #tpu.memory_space<vmem>> -> memref<200x8xf32, #tpu.memory_space<vmem>>
      %dma_start3A_205 = tpu.memref_slice %arg7[%mul3A_199] : memref<10000xi32, #tpu.memory_space<vmem>> -> memref<200xi32, #tpu.memory_space<vmem>>
      %dma_start3A_206 = arith.constant 0 : i32
      %dma_start3A_207 = arith.constant 0 : i32
      %dma_start3A_208 = tpu.memref_slice %arg9[%dma_start3A_206, %dma_start3A_207] : memref<10240x8xf32, #tpu.memory_space<vmem_shared>> -> memref<10240x8xf32, #tpu.memory_space<vmem_shared>>
      tpu.enqueue_indirect_dma source(%dma_start3A_204 : memref<200x8xf32, #tpu.memory_space<vmem>>) target(%dma_start3A_208 : memref<10240x8xf32, #tpu.memory_space<vmem_shared>>) offsets(%dma_start3A_205 : memref<200xi32, #tpu.memory_space<vmem>>) semaphore(%arg19 : memref<!tpu.dma_semaphore, #tpu.memory_space<semaphore_mem>>) {add = true}
      %dma_wait3A_209 = arith.constant 0 : i32
      %dma_wait3A_210 = arith.constant 0 : i32
      %dma_wait3A_211 = arith.constant 0 : i32
      %dma_wait3A_212 = tpu.memref_slice %arg8[%dma_wait3A_209, %dma_wait3A_210, %dma_wait3A_211] : memref<5x200x8xf32, #tpu.memory_space<vmem>> -> memref<1x200x8xf32, #tpu.memory_space<vmem>>
      %dma_wait3A_213 = tpu.memref_squeeze %dma_wait3A_212 : memref<1x200x8xf32, #tpu.memory_space<vmem>> -> memref<200x8xf32, #tpu.memory_space<vmem>>
      %dma_wait3A_214 = tpu.memref_slice %arg7[%mul3A_95] : memref<10000xi32, #tpu.memory_space<vmem>> -> memref<200xi32, #tpu.memory_space<vmem>>
      %dma_wait3A_215 = arith.constant 0 : i32
      %dma_wait3A_216 = arith.constant 0 : i32
      %dma_wait3A_217 = tpu.memref_slice %arg9[%dma_wait3A_215, %dma_wait3A_216] : memref<10240x8xf32, #tpu.memory_space<vmem_shared>> -> memref<10240x8xf32, #tpu.memory_space<vmem_shared>>
      tpu.wait_indirect_dma semaphore(%arg15 : memref<!tpu.dma_semaphore, #tpu.memory_space<semaphore_mem>>) src(%dma_wait3A_213 : memref<200x8xf32, #tpu.memory_space<vmem>>) dst(%dma_wait3A_217 : memref<10240x8xf32, #tpu.memory_space<vmem_shared>>)
      %add3A_218 = arith.constant 5 : i32
      %add3A_219 = arith.addi %mul3A_79, %add3A_218 : i32
      %add3A_220 = arith.constant 0 : i32
      %add3A_221 = arith.addi %add3A_219, %add3A_220 : i32
      %lt3A = arith.constant 50 : i32
      %lt3A_222 = arith.cmpi slt, %add3A_221, %lt3A : i32
      %convert_element_type3A_223 = arith.extui %lt3A_222 : i1 to i32
      %cond3A_224 = arith.constant 0 : i32
      %cond3A_225 = arith.cmpi ne, %convert_element_type3A_223, %cond3A_224 : i32
      scf.if %cond3A_225 {
        %add3A_298 = arith.constant 5 : i32
        %add3A_299 = arith.addi %mul3A_79, %add3A_298 : i32
        %add3A_300 = arith.constant 0 : i32
        %add3A_301 = arith.addi %add3A_299, %add3A_300 : i32
        %mul3A_302 = arith.constant 200 : i32
        %mul3A_303 = arith.muli %add3A_301, %mul3A_302 : i32
        %dma_start3A_304 = arith.constant 0 : i32
        %dma_start3A_305 = arith.constant 0 : i32
        %dma_start3A_306 = arith.constant 0 : i32
        %dma_start3A_307 = tpu.memref_slice %arg8[%dma_start3A_304, %dma_start3A_305, %dma_start3A_306] : memref<5x200x8xf32, #tpu.memory_space<vmem>> -> memref<1x200x8xf32, #tpu.memory_space<vmem>>
        %dma_start3A_308 = tpu.memref_squeeze %dma_start3A_307 : memref<1x200x8xf32, #tpu.memory_space<vmem>> -> memref<200x8xf32, #tpu.memory_space<vmem>>
        %dma_start3A_309 = tpu.memref_slice %arg6[%mul3A_303] : memref<10000xi32, #tpu.memory_space<vmem>> -> memref<200xi32, #tpu.memory_space<vmem>>
        %dma_start3A_310 = arith.constant 0 : i32
        %dma_start3A_311 = arith.constant 0 : i32
        %dma_start3A_312 = tpu.memref_slice %arg2[%dma_start3A_310, %dma_start3A_311] : memref<10000x8xf32, #tpu.memory_space<hbm>> -> memref<10000x8xf32, #tpu.memory_space<hbm>>
        tpu.enqueue_indirect_dma source(%dma_start3A_312 : memref<10000x8xf32, #tpu.memory_space<hbm>>) target(%dma_start3A_308 : memref<200x8xf32, #tpu.memory_space<vmem>>) offsets(%dma_start3A_309 : memref<200xi32, #tpu.memory_space<vmem>>) semaphore(%arg10 : memref<!tpu.dma_semaphore, #tpu.memory_space<semaphore_mem>>)
      } else {
      }
      %dma_wait3A_226 = arith.constant 1 : i32
      %dma_wait3A_227 = arith.constant 0 : i32
      %dma_wait3A_228 = arith.constant 0 : i32
      %dma_wait3A_229 = tpu.memref_slice %arg8[%dma_wait3A_226, %dma_wait3A_227, %dma_wait3A_228] : memref<5x200x8xf32, #tpu.memory_space<vmem>> -> memref<1x200x8xf32, #tpu.memory_space<vmem>>
      %dma_wait3A_230 = tpu.memref_squeeze %dma_wait3A_229 : memref<1x200x8xf32, #tpu.memory_space<vmem>> -> memref<200x8xf32, #tpu.memory_space<vmem>>
      %dma_wait3A_231 = tpu.memref_slice %arg7[%mul3A_121] : memref<10000xi32, #tpu.memory_space<vmem>> -> memref<200xi32, #tpu.memory_space<vmem>>
      %dma_wait3A_232 = arith.constant 0 : i32
      %dma_wait3A_233 = arith.constant 0 : i32
      %dma_wait3A_234 = tpu.memref_slice %arg9[%dma_wait3A_232, %dma_wait3A_233] : memref<10240x8xf32, #tpu.memory_space<vmem_shared>> -> memref<10240x8xf32, #tpu.memory_space<vmem_shared>>
      tpu.wait_indirect_dma semaphore(%arg16 : memref<!tpu.dma_semaphore, #tpu.memory_space<semaphore_mem>>) src(%dma_wait3A_230 : memref<200x8xf32, #tpu.memory_space<vmem>>) dst(%dma_wait3A_234 : memref<10240x8xf32, #tpu.memory_space<vmem_shared>>)
      %add3A_235 = arith.constant 5 : i32
      %add3A_236 = arith.addi %mul3A_79, %add3A_235 : i32
      %add3A_237 = arith.constant 1 : i32
      %add3A_238 = arith.addi %add3A_236, %add3A_237 : i32
      %lt3A_239 = arith.constant 50 : i32
      %lt3A_240 = arith.cmpi slt, %add3A_238, %lt3A_239 : i32
      %convert_element_type3A_241 = arith.extui %lt3A_240 : i1 to i32
      %cond3A_242 = arith.constant 0 : i32
      %cond3A_243 = arith.cmpi ne, %convert_element_type3A_241, %cond3A_242 : i32
      scf.if %cond3A_243 {
        %add3A_298 = arith.constant 5 : i32
        %add3A_299 = arith.addi %mul3A_79, %add3A_298 : i32
        %add3A_300 = arith.constant 1 : i32
        %add3A_301 = arith.addi %add3A_299, %add3A_300 : i32
        %mul3A_302 = arith.constant 200 : i32
        %mul3A_303 = arith.muli %add3A_301, %mul3A_302 : i32
        %dma_start3A_304 = arith.constant 1 : i32
        %dma_start3A_305 = arith.constant 0 : i32
        %dma_start3A_306 = arith.constant 0 : i32
        %dma_start3A_307 = tpu.memref_slice %arg8[%dma_start3A_304, %dma_start3A_305, %dma_start3A_306] : memref<5x200x8xf32, #tpu.memory_space<vmem>> -> memref<1x200x8xf32, #tpu.memory_space<vmem>>
        %dma_start3A_308 = tpu.memref_squeeze %dma_start3A_307 : memref<1x200x8xf32, #tpu.memory_space<vmem>> -> memref<200x8xf32, #tpu.memory_space<vmem>>
        %dma_start3A_309 = tpu.memref_slice %arg6[%mul3A_303] : memref<10000xi32, #tpu.memory_space<vmem>> -> memref<200xi32, #tpu.memory_space<vmem>>
        %dma_start3A_310 = arith.constant 0 : i32
        %dma_start3A_311 = arith.constant 0 : i32
        %dma_start3A_312 = tpu.memref_slice %arg2[%dma_start3A_310, %dma_start3A_311] : memref<10000x8xf32, #tpu.memory_space<hbm>> -> memref<10000x8xf32, #tpu.memory_space<hbm>>
        tpu.enqueue_indirect_dma source(%dma_start3A_312 : memref<10000x8xf32, #tpu.memory_space<hbm>>) target(%dma_start3A_308 : memref<200x8xf32, #tpu.memory_space<vmem>>) offsets(%dma_start3A_309 : memref<200xi32, #tpu.memory_space<vmem>>) semaphore(%arg11 : memref<!tpu.dma_semaphore, #tpu.memory_space<semaphore_mem>>)
      } else {
      }
      %dma_wait3A_244 = arith.constant 2 : i32
      %dma_wait3A_245 = arith.constant 0 : i32
      %dma_wait3A_246 = arith.constant 0 : i32
      %dma_wait3A_247 = tpu.memref_slice %arg8[%dma_wait3A_244, %dma_wait3A_245, %dma_wait3A_246] : memref<5x200x8xf32, #tpu.memory_space<vmem>> -> memref<1x200x8xf32, #tpu.memory_space<vmem>>
      %dma_wait3A_248 = tpu.memref_squeeze %dma_wait3A_247 : memref<1x200x8xf32, #tpu.memory_space<vmem>> -> memref<200x8xf32, #tpu.memory_space<vmem>>
      %dma_wait3A_249 = tpu.memref_slice %arg7[%mul3A_147] : memref<10000xi32, #tpu.memory_space<vmem>> -> memref<200xi32, #tpu.memory_space<vmem>>
      %dma_wait3A_250 = arith.constant 0 : i32
      %dma_wait3A_251 = arith.constant 0 : i32
      %dma_wait3A_252 = tpu.memref_slice %arg9[%dma_wait3A_250, %dma_wait3A_251] : memref<10240x8xf32, #tpu.memory_space<vmem_shared>> -> memref<10240x8xf32, #tpu.memory_space<vmem_shared>>
      tpu.wait_indirect_dma semaphore(%arg17 : memref<!tpu.dma_semaphore, #tpu.memory_space<semaphore_mem>>) src(%dma_wait3A_248 : memref<200x8xf32, #tpu.memory_space<vmem>>) dst(%dma_wait3A_252 : memref<10240x8xf32, #tpu.memory_space<vmem_shared>>)
      %add3A_253 = arith.constant 5 : i32
      %add3A_254 = arith.addi %mul3A_79, %add3A_253 : i32
      %add3A_255 = arith.constant 2 : i32
      %add3A_256 = arith.addi %add3A_254, %add3A_255 : i32
      %lt3A_257 = arith.constant 50 : i32
      %lt3A_258 = arith.cmpi slt, %add3A_256, %lt3A_257 : i32
      %convert_element_type3A_259 = arith.extui %lt3A_258 : i1 to i32
      %cond3A_260 = arith.constant 0 : i32
      %cond3A_261 = arith.cmpi ne, %convert_element_type3A_259, %cond3A_260 : i32
      scf.if %cond3A_261 {
        %add3A_298 = arith.constant 5 : i32
        %add3A_299 = arith.addi %mul3A_79, %add3A_298 : i32
        %add3A_300 = arith.constant 2 : i32
        %add3A_301 = arith.addi %add3A_299, %add3A_300 : i32
        %mul3A_302 = arith.constant 200 : i32
        %mul3A_303 = arith.muli %add3A_301, %mul3A_302 : i32
        %dma_start3A_304 = arith.constant 2 : i32
        %dma_start3A_305 = arith.constant 0 : i32
        %dma_start3A_306 = arith.constant 0 : i32
        %dma_start3A_307 = tpu.memref_slice %arg8[%dma_start3A_304, %dma_start3A_305, %dma_start3A_306] : memref<5x200x8xf32, #tpu.memory_space<vmem>> -> memref<1x200x8xf32, #tpu.memory_space<vmem>>
        %dma_start3A_308 = tpu.memref_squeeze %dma_start3A_307 : memref<1x200x8xf32, #tpu.memory_space<vmem>> -> memref<200x8xf32, #tpu.memory_space<vmem>>
        %dma_start3A_309 = tpu.memref_slice %arg6[%mul3A_303] : memref<10000xi32, #tpu.memory_space<vmem>> -> memref<200xi32, #tpu.memory_space<vmem>>
        %dma_start3A_310 = arith.constant 0 : i32
        %dma_start3A_311 = arith.constant 0 : i32
        %dma_start3A_312 = tpu.memref_slice %arg2[%dma_start3A_310, %dma_start3A_311] : memref<10000x8xf32, #tpu.memory_space<hbm>> -> memref<10000x8xf32, #tpu.memory_space<hbm>>
        tpu.enqueue_indirect_dma source(%dma_start3A_312 : memref<10000x8xf32, #tpu.memory_space<hbm>>) target(%dma_start3A_308 : memref<200x8xf32, #tpu.memory_space<vmem>>) offsets(%dma_start3A_309 : memref<200xi32, #tpu.memory_space<vmem>>) semaphore(%arg12 : memref<!tpu.dma_semaphore, #tpu.memory_space<semaphore_mem>>)
      } else {
      }
      %dma_wait3A_262 = arith.constant 3 : i32
      %dma_wait3A_263 = arith.constant 0 : i32
      %dma_wait3A_264 = arith.constant 0 : i32
      %dma_wait3A_265 = tpu.memref_slice %arg8[%dma_wait3A_262, %dma_wait3A_263, %dma_wait3A_264] : memref<5x200x8xf32, #tpu.memory_space<vmem>> -> memref<1x200x8xf32, #tpu.memory_space<vmem>>
      %dma_wait3A_266 = tpu.memref_squeeze %dma_wait3A_265 : memref<1x200x8xf32, #tpu.memory_space<vmem>> -> memref<200x8xf32, #tpu.memory_space<vmem>>
      %dma_wait3A_267 = tpu.memref_slice %arg7[%mul3A_173] : memref<10000xi32, #tpu.memory_space<vmem>> -> memref<200xi32, #tpu.memory_space<vmem>>
      %dma_wait3A_268 = arith.constant 0 : i32
      %dma_wait3A_269 = arith.constant 0 : i32
      %dma_wait3A_270 = tpu.memref_slice %arg9[%dma_wait3A_268, %dma_wait3A_269] : memref<10240x8xf32, #tpu.memory_space<vmem_shared>> -> memref<10240x8xf32, #tpu.memory_space<vmem_shared>>
      tpu.wait_indirect_dma semaphore(%arg18 : memref<!tpu.dma_semaphore, #tpu.memory_space<semaphore_mem>>) src(%dma_wait3A_266 : memref<200x8xf32, #tpu.memory_space<vmem>>) dst(%dma_wait3A_270 : memref<10240x8xf32, #tpu.memory_space<vmem_shared>>)
      %add3A_271 = arith.constant 5 : i32
      %add3A_272 = arith.addi %mul3A_79, %add3A_271 : i32
      %add3A_273 = arith.constant 3 : i32
      %add3A_274 = arith.addi %add3A_272, %add3A_273 : i32
      %lt3A_275 = arith.constant 50 : i32
      %lt3A_276 = arith.cmpi slt, %add3A_274, %lt3A_275 : i32
      %convert_element_type3A_277 = arith.extui %lt3A_276 : i1 to i32
      %cond3A_278 = arith.constant 0 : i32
      %cond3A_279 = arith.cmpi ne, %convert_element_type3A_277, %cond3A_278 : i32
      scf.if %cond3A_279 {
        %add3A_298 = arith.constant 5 : i32
        %add3A_299 = arith.addi %mul3A_79, %add3A_298 : i32
        %add3A_300 = arith.constant 3 : i32
        %add3A_301 = arith.addi %add3A_299, %add3A_300 : i32
        %mul3A_302 = arith.constant 200 : i32
        %mul3A_303 = arith.muli %add3A_301, %mul3A_302 : i32
        %dma_start3A_304 = arith.constant 3 : i32
        %dma_start3A_305 = arith.constant 0 : i32
        %dma_start3A_306 = arith.constant 0 : i32
        %dma_start3A_307 = tpu.memref_slice %arg8[%dma_start3A_304, %dma_start3A_305, %dma_start3A_306] : memref<5x200x8xf32, #tpu.memory_space<vmem>> -> memref<1x200x8xf32, #tpu.memory_space<vmem>>
        %dma_start3A_308 = tpu.memref_squeeze %dma_start3A_307 : memref<1x200x8xf32, #tpu.memory_space<vmem>> -> memref<200x8xf32, #tpu.memory_space<vmem>>
        %dma_start3A_309 = tpu.memref_slice %arg6[%mul3A_303] : memref<10000xi32, #tpu.memory_space<vmem>> -> memref<200xi32, #tpu.memory_space<vmem>>
        %dma_start3A_310 = arith.constant 0 : i32
        %dma_start3A_311 = arith.constant 0 : i32
        %dma_start3A_312 = tpu.memref_slice %arg2[%dma_start3A_310, %dma_start3A_311] : memref<10000x8xf32, #tpu.memory_space<hbm>> -> memref<10000x8xf32, #tpu.memory_space<hbm>>
        tpu.enqueue_indirect_dma source(%dma_start3A_312 : memref<10000x8xf32, #tpu.memory_space<hbm>>) target(%dma_start3A_308 : memref<200x8xf32, #tpu.memory_space<vmem>>) offsets(%dma_start3A_309 : memref<200xi32, #tpu.memory_space<vmem>>) semaphore(%arg13 : memref<!tpu.dma_semaphore, #tpu.memory_space<semaphore_mem>>)
      } else {
      }
      %dma_wait3A_280 = arith.constant 4 : i32
      %dma_wait3A_281 = arith.constant 0 : i32
      %dma_wait3A_282 = arith.constant 0 : i32
      %dma_wait3A_283 = tpu.memref_slice %arg8[%dma_wait3A_280, %dma_wait3A_281, %dma_wait3A_282] : memref<5x200x8xf32, #tpu.memory_space<vmem>> -> memref<1x200x8xf32, #tpu.memory_space<vmem>>
      %dma_wait3A_284 = tpu.memref_squeeze %dma_wait3A_283 : memref<1x200x8xf32, #tpu.memory_space<vmem>> -> memref<200x8xf32, #tpu.memory_space<vmem>>
      %dma_wait3A_285 = tpu.memref_slice %arg7[%mul3A_199] : memref<10000xi32, #tpu.memory_space<vmem>> -> memref<200xi32, #tpu.memory_space<vmem>>
      %dma_wait3A_286 = arith.constant 0 : i32
      %dma_wait3A_287 = arith.constant 0 : i32
      %dma_wait3A_288 = tpu.memref_slice %arg9[%dma_wait3A_286, %dma_wait3A_287] : memref<10240x8xf32, #tpu.memory_space<vmem_shared>> -> memref<10240x8xf32, #tpu.memory_space<vmem_shared>>
      tpu.wait_indirect_dma semaphore(%arg19 : memref<!tpu.dma_semaphore, #tpu.memory_space<semaphore_mem>>) src(%dma_wait3A_284 : memref<200x8xf32, #tpu.memory_space<vmem>>) dst(%dma_wait3A_288 : memref<10240x8xf32, #tpu.memory_space<vmem_shared>>)
      %add3A_289 = arith.constant 5 : i32
      %add3A_290 = arith.addi %mul3A_79, %add3A_289 : i32
      %add3A_291 = arith.constant 4 : i32
      %add3A_292 = arith.addi %add3A_290, %add3A_291 : i32
      %lt3A_293 = arith.constant 50 : i32
      %lt3A_294 = arith.cmpi slt, %add3A_292, %lt3A_293 : i32
      %convert_element_type3A_295 = arith.extui %lt3A_294 : i1 to i32
      %cond3A_296 = arith.constant 0 : i32
      %cond3A_297 = arith.cmpi ne, %convert_element_type3A_295, %cond3A_296 : i32
      scf.if %cond3A_297 {
        %add3A_298 = arith.constant 5 : i32
        %add3A_299 = arith.addi %mul3A_79, %add3A_298 : i32
        %add3A_300 = arith.constant 4 : i32
        %add3A_301 = arith.addi %add3A_299, %add3A_300 : i32
        %mul3A_302 = arith.constant 200 : i32
        %mul3A_303 = arith.muli %add3A_301, %mul3A_302 : i32
        %dma_start3A_304 = arith.constant 4 : i32
        %dma_start3A_305 = arith.constant 0 : i32
        %dma_start3A_306 = arith.constant 0 : i32
        %dma_start3A_307 = tpu.memref_slice %arg8[%dma_start3A_304, %dma_start3A_305, %dma_start3A_306] : memref<5x200x8xf32, #tpu.memory_space<vmem>> -> memref<1x200x8xf32, #tpu.memory_space<vmem>>
        %dma_start3A_308 = tpu.memref_squeeze %dma_start3A_307 : memref<1x200x8xf32, #tpu.memory_space<vmem>> -> memref<200x8xf32, #tpu.memory_space<vmem>>
        %dma_start3A_309 = tpu.memref_slice %arg6[%mul3A_303] : memref<10000xi32, #tpu.memory_space<vmem>> -> memref<200xi32, #tpu.memory_space<vmem>>
        %dma_start3A_310 = arith.constant 0 : i32
        %dma_start3A_311 = arith.constant 0 : i32
        %dma_start3A_312 = tpu.memref_slice %arg2[%dma_start3A_310, %dma_start3A_311] : memref<10000x8xf32, #tpu.memory_space<hbm>> -> memref<10000x8xf32, #tpu.memory_space<hbm>>
        tpu.enqueue_indirect_dma source(%dma_start3A_312 : memref<10000x8xf32, #tpu.memory_space<hbm>>) target(%dma_start3A_308 : memref<200x8xf32, #tpu.memory_space<vmem>>) offsets(%dma_start3A_309 : memref<200xi32, #tpu.memory_space<vmem>>) semaphore(%arg14 : memref<!tpu.dma_semaphore, #tpu.memory_space<semaphore_mem>>)
      } else {
      }
    }
    %scan3A_65 = arith.constant 10 : i32
    %barrier3A_66 = arith.constant 0 : index
    tpu.barrier barrier_id(%barrier3A_66)
    %mul3A_67 = arith.constant 640 : i32
    %mul3A_68 = arith.muli %arg1, %mul3A_67 : i32
    %mul3A_69 = arith.constant 640 : i32
    %mul3A_70 = arith.muli %arg1, %mul3A_69 : i32
    %mul3A_71 = arith.constant 64 : i32
    %mul3A_72 = arith.muli %arg0, %mul3A_71 : i32
    "tpu.region"() ({
      %run_scoped3A_73 = tpu.sem_alloc : memref<!tpu.dma_semaphore, #tpu.memory_space<semaphore_mem>>
      %dma_start3A_74 = tpu.memref_slice %arg5[%mul3A_70, %mul3A_72] : memref<10240x128xf32, #tpu.memory_space<hbm>> -> memref<640x8xf32, #tpu.memory_space<hbm>>
      %dma_start3A_75 = arith.constant 0 : i32
      %dma_start3A_76 = tpu.memref_slice %arg9[%mul3A_68, %dma_start3A_75] : memref<10240x8xf32, #tpu.memory_space<vmem_shared>> -> memref<640x8xf32, #tpu.memory_space<vmem_shared>>
      tpu.enqueue_dma source(%dma_start3A_76 : memref<640x8xf32, #tpu.memory_space<vmem_shared>>) target(%dma_start3A_74 : memref<640x8xf32, #tpu.memory_space<hbm>>) target_semaphore(%run_scoped3A_73 : memref<!tpu.dma_semaphore, #tpu.memory_space<semaphore_mem>>)
      %dma_wait3A = tpu.memref_slice %arg5[%mul3A_70, %mul3A_72] : memref<10240x128xf32, #tpu.memory_space<hbm>> -> memref<640x8xf32, #tpu.memory_space<hbm>>
      %dma_wait3A_77 = arith.constant 0 : i32
      %dma_wait3A_78 = tpu.memref_slice %arg9[%mul3A_68, %dma_wait3A_77] : memref<10240x8xf32, #tpu.memory_space<vmem_shared>> -> memref<640x8xf32, #tpu.memory_space<vmem_shared>>
      tpu.wait_dma2 semaphore(%run_scoped3A_73 : memref<!tpu.dma_semaphore, #tpu.memory_space<semaphore_mem>>) src(%dma_wait3A_78 : memref<640x8xf32, #tpu.memory_space<vmem_shared>>) dst(%dma_wait3A : memref<640x8xf32, #tpu.memory_space<hbm>>)
      tpu.yield
    }) : () -> ()
    return
  }
}

#map = affine_map<(d0, d1) -> (0, 0)>
module attributes {stable_mosaic.version = 14 : i64} {
  func.func @body(%arg0: i32, %arg1: i32, %arg2: memref<200x8xf32, #tpu.memory_space<hbm>>, %arg3: memref<2x320000xi32, #tpu.memory_space<hbm>>, %arg4: memref<10240x8xf32, #tpu.memory_space<hbm>>, %arg5: memref<10240x128xf32, #tpu.memory_space<hbm>>, %arg6: memref<10000xi32, #tpu.memory_space<vmem>>, %arg7: memref<10000xi32, #tpu.memory_space<vmem>>, %arg8: memref<5x200x8xf32, #tpu.memory_space<vmem>>, %arg9: memref<10240x8xf32, #tpu.memory_space<vmem_shared>>, %arg10: memref<!tpu.dma_semaphore, #tpu.memory_space<semaphore_mem>>, %arg11: memref<!tpu.dma_semaphore, #tpu.memory_space<semaphore_mem>>, %arg12: memref<!tpu.dma_semaphore, #tpu.memory_space<semaphore_mem>>, %arg13: memref<!tpu.dma_semaphore, #tpu.memory_space<semaphore_mem>>, %arg14: memref<!tpu.dma_semaphore, #tpu.memory_space<semaphore_mem>>, %arg15: memref<!tpu.dma_semaphore, #tpu.memory_space<semaphore_mem>>, %arg16: memref<!tpu.dma_semaphore, #tpu.memory_space<semaphore_mem>>, %arg17: memref<!tpu.dma_semaphore, #tpu.memory_space<semaphore_mem>>, %arg18: memref<!tpu.dma_semaphore, #tpu.memory_space<semaphore_mem>>, %arg19: memref<!tpu.dma_semaphore, #tpu.memory_space<semaphore_mem>>) attributes {dimension_semantics = [#tpu.dimension_semantics<core_parallel>, #tpu.dimension_semantics<subcore_parallel>], iteration_bounds = array<i64: 2, 16>, scalar_prefetch = 0 : i64, scratch_operands = 14 : i64, tpu.core_type = #tpu.core_type<sc_vector_subcore>, window_params = [{transform_indices = #map}, {transform_indices = #map}, {transform_indices = #map}, {transform_indices = #map}]} {
    %mul3A = arith.constant 16 : i32
    %mul3A_0 = arith.muli %arg0, %mul3A : i32
    %add3A = arith.addi %mul3A_0, %arg1 : i32
    %run_scoped3A = arith.constant 0 : i32
    "tpu.region"() ({
      %run_scoped3A_19 = tpu.sem_alloc : memref<!tpu.dma_semaphore, #tpu.memory_space<semaphore_mem>>
      %dma_start3A = arith.constant 0 : i32
      %dma_start3A_20 = arith.constant 0 : i32
      %dma_start3A_21 = tpu.memref_slice %arg8[%run_scoped3A, %dma_start3A, %dma_start3A_20] : memref<5x200x8xf32, #tpu.memory_space<vmem>> -> memref<1x200x8xf32, #tpu.memory_space<vmem>>
      %dma_start3A_22 = tpu.memref_squeeze %dma_start3A_21 : memref<1x200x8xf32, #tpu.memory_space<vmem>> -> memref<200x8xf32, #tpu.memory_space<vmem>>
      %dma_start3A_23 = arith.constant 0 : i32
      %dma_start3A_24 = arith.constant 0 : i32
      %dma_start3A_25 = tpu.memref_slice %arg8[%run_scoped3A, %dma_start3A_23, %dma_start3A_24] : memref<5x200x8xf32, #tpu.memory_space<vmem>> -> memref<1x200x8xf32, #tpu.memory_space<vmem>>
      %dma_start3A_26 = tpu.memref_squeeze %dma_start3A_25 : memref<1x200x8xf32, #tpu.memory_space<vmem>> -> memref<200x8xf32, #tpu.memory_space<vmem>>
      tpu.enqueue_dma source(%arg2 : memref<200x8xf32, #tpu.memory_space<hbm>>) target(%dma_start3A_26 : memref<200x8xf32, #tpu.memory_space<vmem>>) target_semaphore(%run_scoped3A_19 : memref<!tpu.dma_semaphore, #tpu.memory_space<semaphore_mem>>)
      %dma_wait3A = arith.constant 0 : i32
      %dma_wait3A_27 = arith.constant 0 : i32
      %dma_wait3A_28 = tpu.memref_slice %arg8[%run_scoped3A, %dma_wait3A, %dma_wait3A_27] : memref<5x200x8xf32, #tpu.memory_space<vmem>> -> memref<1x200x8xf32, #tpu.memory_space<vmem>>
      %dma_wait3A_29 = tpu.memref_squeeze %dma_wait3A_28 : memref<1x200x8xf32, #tpu.memory_space<vmem>> -> memref<200x8xf32, #tpu.memory_space<vmem>>
      %dma_wait3A_30 = arith.constant 0 : i32
      %dma_wait3A_31 = arith.constant 0 : i32
      %dma_wait3A_32 = tpu.memref_slice %arg8[%run_scoped3A, %dma_wait3A_30, %dma_wait3A_31] : memref<5x200x8xf32, #tpu.memory_space<vmem>> -> memref<1x200x8xf32, #tpu.memory_space<vmem>>
      %dma_wait3A_33 = tpu.memref_squeeze %dma_wait3A_32 : memref<1x200x8xf32, #tpu.memory_space<vmem>> -> memref<200x8xf32, #tpu.memory_space<vmem>>
      tpu.wait_dma2 semaphore(%run_scoped3A_19 : memref<!tpu.dma_semaphore, #tpu.memory_space<semaphore_mem>>) src(%arg2 : memref<200x8xf32, #tpu.memory_space<hbm>>) dst(%dma_wait3A_33 : memref<200x8xf32, #tpu.memory_space<vmem>>)
      tpu.yield
    }) : () -> ()
    %mul3A_1 = arith.constant 10000 : i32
    %mul3A_2 = arith.muli %add3A, %mul3A_1 : i32
    %run_scoped3A_3 = arith.constant 1 : i32
    "tpu.region"() ({
      %run_scoped3A_19 = tpu.sem_alloc : memref<!tpu.dma_semaphore, #tpu.memory_space<semaphore_mem>>
      %dma_start3A = tpu.memref_slice %arg3[%run_scoped3A_3, %mul3A_2] : memref<2x320000xi32, #tpu.memory_space<hbm>> -> memref<1x10000xi32, #tpu.memory_space<hbm>>
      %dma_start3A_20 = tpu.memref_squeeze %dma_start3A : memref<1x10000xi32, #tpu.memory_space<hbm>> -> memref<10000xi32, #tpu.memory_space<hbm>>
      %dma_start3A_21 = tpu.memref_slice %arg3[%run_scoped3A_3, %mul3A_2] : memref<2x320000xi32, #tpu.memory_space<hbm>> -> memref<1x10000xi32, #tpu.memory_space<hbm>>
      %dma_start3A_22 = tpu.memref_squeeze %dma_start3A_21 : memref<1x10000xi32, #tpu.memory_space<hbm>> -> memref<10000xi32, #tpu.memory_space<hbm>>
      tpu.enqueue_dma source(%dma_start3A_22 : memref<10000xi32, #tpu.memory_space<hbm>>) target(%arg7 : memref<10000xi32, #tpu.memory_space<vmem>>) target_semaphore(%run_scoped3A_19 : memref<!tpu.dma_semaphore, #tpu.memory_space<semaphore_mem>>)
      %dma_wait3A = tpu.memref_slice %arg3[%run_scoped3A_3, %mul3A_2] : memref<2x320000xi32, #tpu.memory_space<hbm>> -> memref<1x10000xi32, #tpu.memory_space<hbm>>
      %dma_wait3A_23 = tpu.memref_squeeze %dma_wait3A : memref<1x10000xi32, #tpu.memory_space<hbm>> -> memref<10000xi32, #tpu.memory_space<hbm>>
      %dma_wait3A_24 = tpu.memref_slice %arg3[%run_scoped3A_3, %mul3A_2] : memref<2x320000xi32, #tpu.memory_space<hbm>> -> memref<1x10000xi32, #tpu.memory_space<hbm>>
      %dma_wait3A_25 = tpu.memref_squeeze %dma_wait3A_24 : memref<1x10000xi32, #tpu.memory_space<hbm>> -> memref<10000xi32, #tpu.memory_space<hbm>>
      tpu.wait_dma2 semaphore(%run_scoped3A_19 : memref<!tpu.dma_semaphore, #tpu.memory_space<semaphore_mem>>) src(%dma_wait3A_25 : memref<10000xi32, #tpu.memory_space<hbm>>) dst(%arg7 : memref<10000xi32, #tpu.memory_space<vmem>>)
      tpu.yield
    }) : () -> ()
    %mul3A_4 = arith.constant 640 : i32
    %mul3A_5 = arith.muli %arg1, %mul3A_4 : i32
    %mul3A_6 = arith.constant 640 : i32
    %mul3A_7 = arith.muli %arg1, %mul3A_6 : i32
    "tpu.region"() ({
      %run_scoped3A_19 = tpu.sem_alloc : memref<!tpu.dma_semaphore, #tpu.memory_space<semaphore_mem>>
      %dma_start3A = arith.constant 0 : i32
      %dma_start3A_20 = tpu.memref_slice %arg9[%mul3A_7, %dma_start3A] : memref<10240x8xf32, #tpu.memory_space<vmem_shared>> -> memref<640x8xf32, #tpu.memory_space<vmem_shared>>
      %dma_start3A_21 = arith.constant 0 : i32
      %dma_start3A_22 = tpu.memref_slice %arg4[%mul3A_5, %dma_start3A_21] : memref<10240x8xf32, #tpu.memory_space<hbm>> -> memref<640x8xf32, #tpu.memory_space<hbm>>
      tpu.enqueue_dma source(%dma_start3A_22 : memref<640x8xf32, #tpu.memory_space<hbm>>) target(%dma_start3A_20 : memref<640x8xf32, #tpu.memory_space<vmem_shared>>) target_semaphore(%run_scoped3A_19 : memref<!tpu.dma_semaphore, #tpu.memory_space<semaphore_mem>>)
      %dma_wait3A = arith.constant 0 : i32
      %dma_wait3A_23 = tpu.memref_slice %arg9[%mul3A_7, %dma_wait3A] : memref<10240x8xf32, #tpu.memory_space<vmem_shared>> -> memref<640x8xf32, #tpu.memory_space<vmem_shared>>
      %dma_wait3A_24 = arith.constant 0 : i32
      %dma_wait3A_25 = tpu.memref_slice %arg4[%mul3A_5, %dma_wait3A_24] : memref<10240x8xf32, #tpu.memory_space<hbm>> -> memref<640x8xf32, #tpu.memory_space<hbm>>
      tpu.wait_dma2 semaphore(%run_scoped3A_19 : memref<!tpu.dma_semaphore, #tpu.memory_space<semaphore_mem>>) src(%dma_wait3A_25 : memref<640x8xf32, #tpu.memory_space<hbm>>) dst(%dma_wait3A_23 : memref<640x8xf32, #tpu.memory_space<vmem_shared>>)
      tpu.yield
    }) : () -> ()
    %barrier3A = arith.constant 0 : index
    tpu.barrier barrier_id(%barrier3A)
    %scan3A = arith.constant 0 : i32
    %scan3A_8 = arith.constant 10 : i32
    %scan3A_9 = arith.addi %scan3A, %scan3A_8 : i32
    %scan3A_10 = arith.constant 1 : i32
    scf.for %scan3A_19 = %scan3A to %scan3A_9 step %scan3A_10  : i32 {
      %mul3A_20 = arith.constant 1 : i32
      %mul3A_21 = arith.muli %scan3A_19, %mul3A_20 : i32
      %add3A_22 = arith.constant 0 : i32
      %add3A_23 = arith.addi %add3A_22, %mul3A_21 : i32
      %mul3A_24 = arith.constant 5 : i32
      %mul3A_25 = arith.muli %add3A_23, %mul3A_24 : i32
      %add3A_26 = arith.constant 0 : i32
      %add3A_27 = arith.addi %mul3A_25, %add3A_26 : i32
      %mul3A_28 = arith.constant 200 : i32
      %mul3A_29 = arith.muli %add3A_27, %mul3A_28 : i32
      %dma_start3A = arith.constant 0 : i32
      %dma_start3A_30 = arith.constant 0 : i32
      %dma_start3A_31 = arith.constant 0 : i32
      %dma_start3A_32 = tpu.memref_slice %arg8[%dma_start3A, %dma_start3A_30, %dma_start3A_31] : memref<5x200x8xf32, #tpu.memory_space<vmem>> -> memref<1x200x8xf32, #tpu.memory_space<vmem>>
      %dma_start3A_33 = tpu.memref_squeeze %dma_start3A_32 : memref<1x200x8xf32, #tpu.memory_space<vmem>> -> memref<200x8xf32, #tpu.memory_space<vmem>>
      %dma_start3A_34 = tpu.memref_slice %arg7[%mul3A_29] : memref<10000xi32, #tpu.memory_space<vmem>> -> memref<200xi32, #tpu.memory_space<vmem>>
      %dma_start3A_35 = arith.constant 0 : i32
      %dma_start3A_36 = arith.constant 0 : i32
      %dma_start3A_37 = tpu.memref_slice %arg9[%dma_start3A_35, %dma_start3A_36] : memref<10240x8xf32, #tpu.memory_space<vmem_shared>> -> memref<10240x8xf32, #tpu.memory_space<vmem_shared>>
      tpu.enqueue_indirect_dma source(%dma_start3A_33 : memref<200x8xf32, #tpu.memory_space<vmem>>) target(%dma_start3A_37 : memref<10240x8xf32, #tpu.memory_space<vmem_shared>>) offsets(%dma_start3A_34 : memref<200xi32, #tpu.memory_space<vmem>>) semaphore(%arg15 : memref<!tpu.dma_semaphore, #tpu.memory_space<semaphore_mem>>) {add = true}
      %add3A_38 = arith.constant 1 : i32
      %add3A_39 = arith.addi %mul3A_25, %add3A_38 : i32
      %mul3A_40 = arith.constant 200 : i32
      %mul3A_41 = arith.muli %add3A_39, %mul3A_40 : i32
      %dma_start3A_42 = arith.constant 0 : i32
      %dma_start3A_43 = arith.constant 0 : i32
      %dma_start3A_44 = arith.constant 0 : i32
      %dma_start3A_45 = tpu.memref_slice %arg8[%dma_start3A_42, %dma_start3A_43, %dma_start3A_44] : memref<5x200x8xf32, #tpu.memory_space<vmem>> -> memref<1x200x8xf32, #tpu.memory_space<vmem>>
      %dma_start3A_46 = tpu.memref_squeeze %dma_start3A_45 : memref<1x200x8xf32, #tpu.memory_space<vmem>> -> memref<200x8xf32, #tpu.memory_space<vmem>>
      %dma_start3A_47 = tpu.memref_slice %arg7[%mul3A_41] : memref<10000xi32, #tpu.memory_space<vmem>> -> memref<200xi32, #tpu.memory_space<vmem>>
      %dma_start3A_48 = arith.constant 0 : i32
      %dma_start3A_49 = arith.constant 0 : i32
      %dma_start3A_50 = tpu.memref_slice %arg9[%dma_start3A_48, %dma_start3A_49] : memref<10240x8xf32, #tpu.memory_space<vmem_shared>> -> memref<10240x8xf32, #tpu.memory_space<vmem_shared>>
      tpu.enqueue_indirect_dma source(%dma_start3A_46 : memref<200x8xf32, #tpu.memory_space<vmem>>) target(%dma_start3A_50 : memref<10240x8xf32, #tpu.memory_space<vmem_shared>>) offsets(%dma_start3A_47 : memref<200xi32, #tpu.memory_space<vmem>>) semaphore(%arg16 : memref<!tpu.dma_semaphore, #tpu.memory_space<semaphore_mem>>) {add = true}
      %add3A_51 = arith.constant 2 : i32
      %add3A_52 = arith.addi %mul3A_25, %add3A_51 : i32
      %mul3A_53 = arith.constant 200 : i32
      %mul3A_54 = arith.muli %add3A_52, %mul3A_53 : i32
      %dma_start3A_55 = arith.constant 0 : i32
      %dma_start3A_56 = arith.constant 0 : i32
      %dma_start3A_57 = arith.constant 0 : i32
      %dma_start3A_58 = tpu.memref_slice %arg8[%dma_start3A_55, %dma_start3A_56, %dma_start3A_57] : memref<5x200x8xf32, #tpu.memory_space<vmem>> -> memref<1x200x8xf32, #tpu.memory_space<vmem>>
      %dma_start3A_59 = tpu.memref_squeeze %dma_start3A_58 : memref<1x200x8xf32, #tpu.memory_space<vmem>> -> memref<200x8xf32, #tpu.memory_space<vmem>>
      %dma_start3A_60 = tpu.memref_slice %arg7[%mul3A_54] : memref<10000xi32, #tpu.memory_space<vmem>> -> memref<200xi32, #tpu.memory_space<vmem>>
      %dma_start3A_61 = arith.constant 0 : i32
      %dma_start3A_62 = arith.constant 0 : i32
      %dma_start3A_63 = tpu.memref_slice %arg9[%dma_start3A_61, %dma_start3A_62] : memref<10240x8xf32, #tpu.memory_space<vmem_shared>> -> memref<10240x8xf32, #tpu.memory_space<vmem_shared>>
      tpu.enqueue_indirect_dma source(%dma_start3A_59 : memref<200x8xf32, #tpu.memory_space<vmem>>) target(%dma_start3A_63 : memref<10240x8xf32, #tpu.memory_space<vmem_shared>>) offsets(%dma_start3A_60 : memref<200xi32, #tpu.memory_space<vmem>>) semaphore(%arg17 : memref<!tpu.dma_semaphore, #tpu.memory_space<semaphore_mem>>) {add = true}
      %add3A_64 = arith.constant 3 : i32
      %add3A_65 = arith.addi %mul3A_25, %add3A_64 : i32
      %mul3A_66 = arith.constant 200 : i32
      %mul3A_67 = arith.muli %add3A_65, %mul3A_66 : i32
      %dma_start3A_68 = arith.constant 0 : i32
      %dma_start3A_69 = arith.constant 0 : i32
      %dma_start3A_70 = arith.constant 0 : i32
      %dma_start3A_71 = tpu.memref_slice %arg8[%dma_start3A_68, %dma_start3A_69, %dma_start3A_70] : memref<5x200x8xf32, #tpu.memory_space<vmem>> -> memref<1x200x8xf32, #tpu.memory_space<vmem>>
      %dma_start3A_72 = tpu.memref_squeeze %dma_start3A_71 : memref<1x200x8xf32, #tpu.memory_space<vmem>> -> memref<200x8xf32, #tpu.memory_space<vmem>>
      %dma_start3A_73 = tpu.memref_slice %arg7[%mul3A_67] : memref<10000xi32, #tpu.memory_space<vmem>> -> memref<200xi32, #tpu.memory_space<vmem>>
      %dma_start3A_74 = arith.constant 0 : i32
      %dma_start3A_75 = arith.constant 0 : i32
      %dma_start3A_76 = tpu.memref_slice %arg9[%dma_start3A_74, %dma_start3A_75] : memref<10240x8xf32, #tpu.memory_space<vmem_shared>> -> memref<10240x8xf32, #tpu.memory_space<vmem_shared>>
      tpu.enqueue_indirect_dma source(%dma_start3A_72 : memref<200x8xf32, #tpu.memory_space<vmem>>) target(%dma_start3A_76 : memref<10240x8xf32, #tpu.memory_space<vmem_shared>>) offsets(%dma_start3A_73 : memref<200xi32, #tpu.memory_space<vmem>>) semaphore(%arg18 : memref<!tpu.dma_semaphore, #tpu.memory_space<semaphore_mem>>) {add = true}
      %add3A_77 = arith.constant 4 : i32
      %add3A_78 = arith.addi %mul3A_25, %add3A_77 : i32
      %mul3A_79 = arith.constant 200 : i32
      %mul3A_80 = arith.muli %add3A_78, %mul3A_79 : i32
      %dma_start3A_81 = arith.constant 0 : i32
      %dma_start3A_82 = arith.constant 0 : i32
      %dma_start3A_83 = arith.constant 0 : i32
      %dma_start3A_84 = tpu.memref_slice %arg8[%dma_start3A_81, %dma_start3A_82, %dma_start3A_83] : memref<5x200x8xf32, #tpu.memory_space<vmem>> -> memref<1x200x8xf32, #tpu.memory_space<vmem>>
      %dma_start3A_85 = tpu.memref_squeeze %dma_start3A_84 : memref<1x200x8xf32, #tpu.memory_space<vmem>> -> memref<200x8xf32, #tpu.memory_space<vmem>>
      %dma_start3A_86 = tpu.memref_slice %arg7[%mul3A_80] : memref<10000xi32, #tpu.memory_space<vmem>> -> memref<200xi32, #tpu.memory_space<vmem>>
      %dma_start3A_87 = arith.constant 0 : i32
      %dma_start3A_88 = arith.constant 0 : i32
      %dma_start3A_89 = tpu.memref_slice %arg9[%dma_start3A_87, %dma_start3A_88] : memref<10240x8xf32, #tpu.memory_space<vmem_shared>> -> memref<10240x8xf32, #tpu.memory_space<vmem_shared>>
      tpu.enqueue_indirect_dma source(%dma_start3A_85 : memref<200x8xf32, #tpu.memory_space<vmem>>) target(%dma_start3A_89 : memref<10240x8xf32, #tpu.memory_space<vmem_shared>>) offsets(%dma_start3A_86 : memref<200xi32, #tpu.memory_space<vmem>>) semaphore(%arg19 : memref<!tpu.dma_semaphore, #tpu.memory_space<semaphore_mem>>) {add = true}
      %dma_wait3A = arith.constant 0 : i32
      %dma_wait3A_90 = arith.constant 0 : i32
      %dma_wait3A_91 = arith.constant 0 : i32
      %dma_wait3A_92 = tpu.memref_slice %arg8[%dma_wait3A, %dma_wait3A_90, %dma_wait3A_91] : memref<5x200x8xf32, #tpu.memory_space<vmem>> -> memref<1x200x8xf32, #tpu.memory_space<vmem>>
      %dma_wait3A_93 = tpu.memref_squeeze %dma_wait3A_92 : memref<1x200x8xf32, #tpu.memory_space<vmem>> -> memref<200x8xf32, #tpu.memory_space<vmem>>
      %dma_wait3A_94 = tpu.memref_slice %arg7[%mul3A_29] : memref<10000xi32, #tpu.memory_space<vmem>> -> memref<200xi32, #tpu.memory_space<vmem>>
      %dma_wait3A_95 = arith.constant 0 : i32
      %dma_wait3A_96 = arith.constant 0 : i32
      %dma_wait3A_97 = tpu.memref_slice %arg9[%dma_wait3A_95, %dma_wait3A_96] : memref<10240x8xf32, #tpu.memory_space<vmem_shared>> -> memref<10240x8xf32, #tpu.memory_space<vmem_shared>>
      tpu.wait_indirect_dma semaphore(%arg15 : memref<!tpu.dma_semaphore, #tpu.memory_space<semaphore_mem>>) src(%dma_wait3A_93 : memref<200x8xf32, #tpu.memory_space<vmem>>) dst(%dma_wait3A_97 : memref<10240x8xf32, #tpu.memory_space<vmem_shared>>)
      %dma_wait3A_98 = arith.constant 0 : i32
      %dma_wait3A_99 = arith.constant 0 : i32
      %dma_wait3A_100 = arith.constant 0 : i32
      %dma_wait3A_101 = tpu.memref_slice %arg8[%dma_wait3A_98, %dma_wait3A_99, %dma_wait3A_100] : memref<5x200x8xf32, #tpu.memory_space<vmem>> -> memref<1x200x8xf32, #tpu.memory_space<vmem>>
      %dma_wait3A_102 = tpu.memref_squeeze %dma_wait3A_101 : memref<1x200x8xf32, #tpu.memory_space<vmem>> -> memref<200x8xf32, #tpu.memory_space<vmem>>
      %dma_wait3A_103 = tpu.memref_slice %arg7[%mul3A_41] : memref<10000xi32, #tpu.memory_space<vmem>> -> memref<200xi32, #tpu.memory_space<vmem>>
      %dma_wait3A_104 = arith.constant 0 : i32
      %dma_wait3A_105 = arith.constant 0 : i32
      %dma_wait3A_106 = tpu.memref_slice %arg9[%dma_wait3A_104, %dma_wait3A_105] : memref<10240x8xf32, #tpu.memory_space<vmem_shared>> -> memref<10240x8xf32, #tpu.memory_space<vmem_shared>>
      tpu.wait_indirect_dma semaphore(%arg16 : memref<!tpu.dma_semaphore, #tpu.memory_space<semaphore_mem>>) src(%dma_wait3A_102 : memref<200x8xf32, #tpu.memory_space<vmem>>) dst(%dma_wait3A_106 : memref<10240x8xf32, #tpu.memory_space<vmem_shared>>)
      %dma_wait3A_107 = arith.constant 0 : i32
      %dma_wait3A_108 = arith.constant 0 : i32
      %dma_wait3A_109 = arith.constant 0 : i32
      %dma_wait3A_110 = tpu.memref_slice %arg8[%dma_wait3A_107, %dma_wait3A_108, %dma_wait3A_109] : memref<5x200x8xf32, #tpu.memory_space<vmem>> -> memref<1x200x8xf32, #tpu.memory_space<vmem>>
      %dma_wait3A_111 = tpu.memref_squeeze %dma_wait3A_110 : memref<1x200x8xf32, #tpu.memory_space<vmem>> -> memref<200x8xf32, #tpu.memory_space<vmem>>
      %dma_wait3A_112 = tpu.memref_slice %arg7[%mul3A_54] : memref<10000xi32, #tpu.memory_space<vmem>> -> memref<200xi32, #tpu.memory_space<vmem>>
      %dma_wait3A_113 = arith.constant 0 : i32
      %dma_wait3A_114 = arith.constant 0 : i32
      %dma_wait3A_115 = tpu.memref_slice %arg9[%dma_wait3A_113, %dma_wait3A_114] : memref<10240x8xf32, #tpu.memory_space<vmem_shared>> -> memref<10240x8xf32, #tpu.memory_space<vmem_shared>>
      tpu.wait_indirect_dma semaphore(%arg17 : memref<!tpu.dma_semaphore, #tpu.memory_space<semaphore_mem>>) src(%dma_wait3A_111 : memref<200x8xf32, #tpu.memory_space<vmem>>) dst(%dma_wait3A_115 : memref<10240x8xf32, #tpu.memory_space<vmem_shared>>)
      %dma_wait3A_116 = arith.constant 0 : i32
      %dma_wait3A_117 = arith.constant 0 : i32
      %dma_wait3A_118 = arith.constant 0 : i32
      %dma_wait3A_119 = tpu.memref_slice %arg8[%dma_wait3A_116, %dma_wait3A_117, %dma_wait3A_118] : memref<5x200x8xf32, #tpu.memory_space<vmem>> -> memref<1x200x8xf32, #tpu.memory_space<vmem>>
      %dma_wait3A_120 = tpu.memref_squeeze %dma_wait3A_119 : memref<1x200x8xf32, #tpu.memory_space<vmem>> -> memref<200x8xf32, #tpu.memory_space<vmem>>
      %dma_wait3A_121 = tpu.memref_slice %arg7[%mul3A_67] : memref<10000xi32, #tpu.memory_space<vmem>> -> memref<200xi32, #tpu.memory_space<vmem>>
      %dma_wait3A_122 = arith.constant 0 : i32
      %dma_wait3A_123 = arith.constant 0 : i32
      %dma_wait3A_124 = tpu.memref_slice %arg9[%dma_wait3A_122, %dma_wait3A_123] : memref<10240x8xf32, #tpu.memory_space<vmem_shared>> -> memref<10240x8xf32, #tpu.memory_space<vmem_shared>>
      tpu.wait_indirect_dma semaphore(%arg18 : memref<!tpu.dma_semaphore, #tpu.memory_space<semaphore_mem>>) src(%dma_wait3A_120 : memref<200x8xf32, #tpu.memory_space<vmem>>) dst(%dma_wait3A_124 : memref<10240x8xf32, #tpu.memory_space<vmem_shared>>)
      %dma_wait3A_125 = arith.constant 0 : i32
      %dma_wait3A_126 = arith.constant 0 : i32
      %dma_wait3A_127 = arith.constant 0 : i32
      %dma_wait3A_128 = tpu.memref_slice %arg8[%dma_wait3A_125, %dma_wait3A_126, %dma_wait3A_127] : memref<5x200x8xf32, #tpu.memory_space<vmem>> -> memref<1x200x8xf32, #tpu.memory_space<vmem>>
      %dma_wait3A_129 = tpu.memref_squeeze %dma_wait3A_128 : memref<1x200x8xf32, #tpu.memory_space<vmem>> -> memref<200x8xf32, #tpu.memory_space<vmem>>
      %dma_wait3A_130 = tpu.memref_slice %arg7[%mul3A_80] : memref<10000xi32, #tpu.memory_space<vmem>> -> memref<200xi32, #tpu.memory_space<vmem>>
      %dma_wait3A_131 = arith.constant 0 : i32
      %dma_wait3A_132 = arith.constant 0 : i32
      %dma_wait3A_133 = tpu.memref_slice %arg9[%dma_wait3A_131, %dma_wait3A_132] : memref<10240x8xf32, #tpu.memory_space<vmem_shared>> -> memref<10240x8xf32, #tpu.memory_space<vmem_shared>>
      tpu.wait_indirect_dma semaphore(%arg19 : memref<!tpu.dma_semaphore, #tpu.memory_space<semaphore_mem>>) src(%dma_wait3A_129 : memref<200x8xf32, #tpu.memory_space<vmem>>) dst(%dma_wait3A_133 : memref<10240x8xf32, #tpu.memory_space<vmem_shared>>)
    }
    %scan3A_11 = arith.constant 10 : i32
    %barrier3A_12 = arith.constant 0 : index
    tpu.barrier barrier_id(%barrier3A_12)
    %mul3A_13 = arith.constant 640 : i32
    %mul3A_14 = arith.muli %arg1, %mul3A_13 : i32
    %mul3A_15 = arith.constant 640 : i32
    %mul3A_16 = arith.muli %arg1, %mul3A_15 : i32
    %mul3A_17 = arith.constant 64 : i32
    %mul3A_18 = arith.muli %arg0, %mul3A_17 : i32
    "tpu.region"() ({
      %run_scoped3A_19 = tpu.sem_alloc : memref<!tpu.dma_semaphore, #tpu.memory_space<semaphore_mem>>
      %dma_start3A = tpu.memref_slice %arg5[%mul3A_16, %mul3A_18] : memref<10240x128xf32, #tpu.memory_space<hbm>> -> memref<640x8xf32, #tpu.memory_space<hbm>>
      %dma_start3A_20 = arith.constant 0 : i32
      %dma_start3A_21 = tpu.memref_slice %arg9[%mul3A_14, %dma_start3A_20] : memref<10240x8xf32, #tpu.memory_space<vmem_shared>> -> memref<640x8xf32, #tpu.memory_space<vmem_shared>>
      tpu.enqueue_dma source(%dma_start3A_21 : memref<640x8xf32, #tpu.memory_space<vmem_shared>>) target(%dma_start3A : memref<640x8xf32, #tpu.memory_space<hbm>>) target_semaphore(%run_scoped3A_19 : memref<!tpu.dma_semaphore, #tpu.memory_space<semaphore_mem>>)
      %dma_wait3A = tpu.memref_slice %arg5[%mul3A_16, %mul3A_18] : memref<10240x128xf32, #tpu.memory_space<hbm>> -> memref<640x8xf32, #tpu.memory_space<hbm>>
      %dma_wait3A_22 = arith.constant 0 : i32
      %dma_wait3A_23 = tpu.memref_slice %arg9[%mul3A_14, %dma_wait3A_22] : memref<10240x8xf32, #tpu.memory_space<vmem_shared>> -> memref<640x8xf32, #tpu.memory_space<vmem_shared>>
      tpu.wait_dma2 semaphore(%run_scoped3A_19 : memref<!tpu.dma_semaphore, #tpu.memory_space<semaphore_mem>>) src(%dma_wait3A_23 : memref<640x8xf32, #tpu.memory_space<vmem_shared>>) dst(%dma_wait3A : memref<640x8xf32, #tpu.memory_space<hbm>>)
      tpu.yield
    }) : () -> ()
    return
  }
}

#map = affine_map<(d0, d1) -> (0, 0)>
module attributes {stable_mosaic.version = 14 : i64} {
  func.func @body(%arg0: i32, %arg1: i32, %arg2: memref<10000x64xf32, #tpu.memory_space<hbm>>, %arg3: memref<2x320000xi32, #tpu.memory_space<hbm>>, %arg4: memref<10240x64xf32, #tpu.memory_space<hbm>>, %arg5: memref<10240x128xf32, #tpu.memory_space<hbm>>, %arg6: memref<10000xi32, #tpu.memory_space<vmem>>, %arg7: memref<10000xi32, #tpu.memory_space<vmem>>, %arg8: memref<5x200x64xf32, #tpu.memory_space<vmem>>, %arg9: memref<10240x64xf32, #tpu.memory_space<vmem_shared>>, %arg10: memref<!tpu.dma_semaphore, #tpu.memory_space<semaphore_mem>>, %arg11: memref<!tpu.dma_semaphore, #tpu.memory_space<semaphore_mem>>, %arg12: memref<!tpu.dma_semaphore, #tpu.memory_space<semaphore_mem>>, %arg13: memref<!tpu.dma_semaphore, #tpu.memory_space<semaphore_mem>>, %arg14: memref<!tpu.dma_semaphore, #tpu.memory_space<semaphore_mem>>, %arg15: memref<!tpu.dma_semaphore, #tpu.memory_space<semaphore_mem>>, %arg16: memref<!tpu.dma_semaphore, #tpu.memory_space<semaphore_mem>>, %arg17: memref<!tpu.dma_semaphore, #tpu.memory_space<semaphore_mem>>, %arg18: memref<!tpu.dma_semaphore, #tpu.memory_space<semaphore_mem>>, %arg19: memref<!tpu.dma_semaphore, #tpu.memory_space<semaphore_mem>>) attributes {dimension_semantics = [#tpu.dimension_semantics<core_parallel>, #tpu.dimension_semantics<subcore_parallel>], iteration_bounds = array<i64: 2, 16>, scalar_prefetch = 0 : i64, scratch_operands = 14 : i64, tpu.core_type = #tpu.core_type<sc_vector_subcore>, window_params = [{transform_indices = #map}, {transform_indices = #map}, {transform_indices = #map}, {transform_indices = #map}]} {
    %mul3A = arith.constant 16 : i32
    %mul3A_0 = arith.muli %arg0, %mul3A : i32
    %add3A = arith.addi %mul3A_0, %arg1 : i32
    %mul3A_1 = arith.constant 10000 : i32
    %mul3A_2 = arith.muli %add3A, %mul3A_1 : i32
    %run_scoped3A = arith.constant 0 : i32
    "tpu.region"() ({
      %run_scoped3A_73 = tpu.sem_alloc : memref<!tpu.dma_semaphore, #tpu.memory_space<semaphore_mem>>
      %dma_start3A_74 = tpu.memref_slice %arg3[%run_scoped3A, %mul3A_2] : memref<2x320000xi32, #tpu.memory_space<hbm>> -> memref<1x10000xi32, #tpu.memory_space<hbm>>
      %dma_start3A_75 = tpu.memref_squeeze %dma_start3A_74 : memref<1x10000xi32, #tpu.memory_space<hbm>> -> memref<10000xi32, #tpu.memory_space<hbm>>
      %dma_start3A_76 = tpu.memref_slice %arg3[%run_scoped3A, %mul3A_2] : memref<2x320000xi32, #tpu.memory_space<hbm>> -> memref<1x10000xi32, #tpu.memory_space<hbm>>
      %dma_start3A_77 = tpu.memref_squeeze %dma_start3A_76 : memref<1x10000xi32, #tpu.memory_space<hbm>> -> memref<10000xi32, #tpu.memory_space<hbm>>
      tpu.enqueue_dma source(%dma_start3A_77 : memref<10000xi32, #tpu.memory_space<hbm>>) target(%arg6 : memref<10000xi32, #tpu.memory_space<vmem>>) target_semaphore(%run_scoped3A_73 : memref<!tpu.dma_semaphore, #tpu.memory_space<semaphore_mem>>)
      %dma_wait3A = tpu.memref_slice %arg3[%run_scoped3A, %mul3A_2] : memref<2x320000xi32, #tpu.memory_space<hbm>> -> memref<1x10000xi32, #tpu.memory_space<hbm>>
      %dma_wait3A_78 = tpu.memref_squeeze %dma_wait3A : memref<1x10000xi32, #tpu.memory_space<hbm>> -> memref<10000xi32, #tpu.memory_space<hbm>>
      %dma_wait3A_79 = tpu.memref_slice %arg3[%run_scoped3A, %mul3A_2] : memref<2x320000xi32, #tpu.memory_space<hbm>> -> memref<1x10000xi32, #tpu.memory_space<hbm>>
      %dma_wait3A_80 = tpu.memref_squeeze %dma_wait3A_79 : memref<1x10000xi32, #tpu.memory_space<hbm>> -> memref<10000xi32, #tpu.memory_space<hbm>>
      tpu.wait_dma2 semaphore(%run_scoped3A_73 : memref<!tpu.dma_semaphore, #tpu.memory_space<semaphore_mem>>) src(%dma_wait3A_80 : memref<10000xi32, #tpu.memory_space<hbm>>) dst(%arg6 : memref<10000xi32, #tpu.memory_space<vmem>>)
      tpu.yield
    }) : () -> ()
    %mul3A_3 = arith.constant 10000 : i32
    %mul3A_4 = arith.muli %add3A, %mul3A_3 : i32
    %run_scoped3A_5 = arith.constant 1 : i32
    "tpu.region"() ({
      %run_scoped3A_73 = tpu.sem_alloc : memref<!tpu.dma_semaphore, #tpu.memory_space<semaphore_mem>>
      %dma_start3A_74 = tpu.memref_slice %arg3[%run_scoped3A_5, %mul3A_4] : memref<2x320000xi32, #tpu.memory_space<hbm>> -> memref<1x10000xi32, #tpu.memory_space<hbm>>
      %dma_start3A_75 = tpu.memref_squeeze %dma_start3A_74 : memref<1x10000xi32, #tpu.memory_space<hbm>> -> memref<10000xi32, #tpu.memory_space<hbm>>
      %dma_start3A_76 = tpu.memref_slice %arg3[%run_scoped3A_5, %mul3A_4] : memref<2x320000xi32, #tpu.memory_space<hbm>> -> memref<1x10000xi32, #tpu.memory_space<hbm>>
      %dma_start3A_77 = tpu.memref_squeeze %dma_start3A_76 : memref<1x10000xi32, #tpu.memory_space<hbm>> -> memref<10000xi32, #tpu.memory_space<hbm>>
      tpu.enqueue_dma source(%dma_start3A_77 : memref<10000xi32, #tpu.memory_space<hbm>>) target(%arg7 : memref<10000xi32, #tpu.memory_space<vmem>>) target_semaphore(%run_scoped3A_73 : memref<!tpu.dma_semaphore, #tpu.memory_space<semaphore_mem>>)
      %dma_wait3A = tpu.memref_slice %arg3[%run_scoped3A_5, %mul3A_4] : memref<2x320000xi32, #tpu.memory_space<hbm>> -> memref<1x10000xi32, #tpu.memory_space<hbm>>
      %dma_wait3A_78 = tpu.memref_squeeze %dma_wait3A : memref<1x10000xi32, #tpu.memory_space<hbm>> -> memref<10000xi32, #tpu.memory_space<hbm>>
      %dma_wait3A_79 = tpu.memref_slice %arg3[%run_scoped3A_5, %mul3A_4] : memref<2x320000xi32, #tpu.memory_space<hbm>> -> memref<1x10000xi32, #tpu.memory_space<hbm>>
      %dma_wait3A_80 = tpu.memref_squeeze %dma_wait3A_79 : memref<1x10000xi32, #tpu.memory_space<hbm>> -> memref<10000xi32, #tpu.memory_space<hbm>>
      tpu.wait_dma2 semaphore(%run_scoped3A_73 : memref<!tpu.dma_semaphore, #tpu.memory_space<semaphore_mem>>) src(%dma_wait3A_80 : memref<10000xi32, #tpu.memory_space<hbm>>) dst(%arg7 : memref<10000xi32, #tpu.memory_space<vmem>>)
      tpu.yield
    }) : () -> ()
    %eq3A = arith.constant 0 : i32
    %eq3A_6 = arith.cmpi eq, %arg0, %eq3A : i32
    %convert_element_type3A = arith.extui %eq3A_6 : i1 to i32
    %cond3A = arith.constant 0 : i32
    %cond3A_7 = arith.cmpi ne, %convert_element_type3A, %cond3A : i32
    scf.if %cond3A_7 {
      %lt3A = arith.constant 15 : i32
      %lt3A_73 = arith.cmpi slt, %arg1, %lt3A : i32
      %convert_element_type3A_74 = arith.extui %lt3A_73 : i1 to i32
      %cond3A_75 = arith.constant 0 : i32
      %cond3A_76 = arith.cmpi ne, %convert_element_type3A_74, %cond3A_75 : i32
      scf.if %cond3A_76 {
        %mul3A_82 = arith.constant 640 : i32
        %mul3A_83 = arith.muli %arg1, %mul3A_82 : i32
        %mul3A_84 = arith.constant 640 : i32
        %mul3A_85 = arith.muli %arg1, %mul3A_84 : i32
        "tpu.region"() ({
          %run_scoped3A_86 = tpu.sem_alloc : memref<!tpu.dma_semaphore, #tpu.memory_space<semaphore_mem>>
          %dma_start3A_87 = arith.constant 0 : i32
          %dma_start3A_88 = tpu.memref_slice %arg9[%mul3A_85, %dma_start3A_87] : memref<10240x64xf32, #tpu.memory_space<vmem_shared>> -> memref<640x64xf32, #tpu.memory_space<vmem_shared>>
          %dma_start3A_89 = arith.constant 0 : i32
          %dma_start3A_90 = tpu.memref_slice %arg2[%mul3A_83, %dma_start3A_89] : memref<10000x64xf32, #tpu.memory_space<hbm>> -> memref<640x64xf32, #tpu.memory_space<hbm>>
          tpu.enqueue_dma source(%dma_start3A_90 : memref<640x64xf32, #tpu.memory_space<hbm>>) target(%dma_start3A_88 : memref<640x64xf32, #tpu.memory_space<vmem_shared>>) target_semaphore(%run_scoped3A_86 : memref<!tpu.dma_semaphore, #tpu.memory_space<semaphore_mem>>)
          %dma_wait3A = arith.constant 0 : i32
          %dma_wait3A_91 = tpu.memref_slice %arg9[%mul3A_85, %dma_wait3A] : memref<10240x64xf32, #tpu.memory_space<vmem_shared>> -> memref<640x64xf32, #tpu.memory_space<vmem_shared>>
          %dma_wait3A_92 = arith.constant 0 : i32
          %dma_wait3A_93 = tpu.memref_slice %arg2[%mul3A_83, %dma_wait3A_92] : memref<10000x64xf32, #tpu.memory_space<hbm>> -> memref<640x64xf32, #tpu.memory_space<hbm>>
          tpu.wait_dma2 semaphore(%run_scoped3A_86 : memref<!tpu.dma_semaphore, #tpu.memory_space<semaphore_mem>>) src(%dma_wait3A_93 : memref<640x64xf32, #tpu.memory_space<hbm>>) dst(%dma_wait3A_91 : memref<640x64xf32, #tpu.memory_space<vmem_shared>>)
          tpu.yield
        }) : () -> ()
      } else {
      }
      %eq3A_77 = arith.constant 15 : i32
      %eq3A_78 = arith.cmpi eq, %arg1, %eq3A_77 : i32
      %convert_element_type3A_79 = arith.extui %eq3A_78 : i1 to i32
      %cond3A_80 = arith.constant 0 : i32
      %cond3A_81 = arith.cmpi ne, %convert_element_type3A_79, %cond3A_80 : i32
      scf.if %cond3A_81 {
        "tpu.region"() ({
          %run_scoped3A_82 = tpu.sem_alloc : memref<!tpu.dma_semaphore, #tpu.memory_space<semaphore_mem>>
          %dma_start3A_83 = arith.constant 9600 : i32
          %dma_start3A_84 = arith.constant 0 : i32
          %dma_start3A_85 = tpu.memref_slice %arg9[%dma_start3A_83, %dma_start3A_84] : memref<10240x64xf32, #tpu.memory_space<vmem_shared>> -> memref<400x64xf32, #tpu.memory_space<vmem_shared>>
          %dma_start3A_86 = arith.constant 9600 : i32
          %dma_start3A_87 = arith.constant 0 : i32
          %dma_start3A_88 = tpu.memref_slice %arg2[%dma_start3A_86, %dma_start3A_87] : memref<10000x64xf32, #tpu.memory_space<hbm>> -> memref<400x64xf32, #tpu.memory_space<hbm>>
          tpu.enqueue_dma source(%dma_start3A_88 : memref<400x64xf32, #tpu.memory_space<hbm>>) target(%dma_start3A_85 : memref<400x64xf32, #tpu.memory_space<vmem_shared>>) target_semaphore(%run_scoped3A_82 : memref<!tpu.dma_semaphore, #tpu.memory_space<semaphore_mem>>)
          %dma_wait3A = arith.constant 9600 : i32
          %dma_wait3A_89 = arith.constant 0 : i32
          %dma_wait3A_90 = tpu.memref_slice %arg9[%dma_wait3A, %dma_wait3A_89] : memref<10240x64xf32, #tpu.memory_space<vmem_shared>> -> memref<400x64xf32, #tpu.memory_space<vmem_shared>>
          %dma_wait3A_91 = arith.constant 9600 : i32
          %dma_wait3A_92 = arith.constant 0 : i32
          %dma_wait3A_93 = tpu.memref_slice %arg2[%dma_wait3A_91, %dma_wait3A_92] : memref<10000x64xf32, #tpu.memory_space<hbm>> -> memref<400x64xf32, #tpu.memory_space<hbm>>
          tpu.wait_dma2 semaphore(%run_scoped3A_82 : memref<!tpu.dma_semaphore, #tpu.memory_space<semaphore_mem>>) src(%dma_wait3A_93 : memref<400x64xf32, #tpu.memory_space<hbm>>) dst(%dma_wait3A_90 : memref<400x64xf32, #tpu.memory_space<vmem_shared>>)
          tpu.yield
        }) : () -> ()
        "tpu.region"() ({
          %run_scoped3A_82 = tpu.sem_alloc : memref<!tpu.dma_semaphore, #tpu.memory_space<semaphore_mem>>
          %dma_start3A_83 = arith.constant 10000 : i32
          %dma_start3A_84 = arith.constant 0 : i32
          %dma_start3A_85 = tpu.memref_slice %arg9[%dma_start3A_83, %dma_start3A_84] : memref<10240x64xf32, #tpu.memory_space<vmem_shared>> -> memref<240x64xf32, #tpu.memory_space<vmem_shared>>
          %dma_start3A_86 = arith.constant 10000 : i32
          %dma_start3A_87 = arith.constant 0 : i32
          %dma_start3A_88 = tpu.memref_slice %arg4[%dma_start3A_86, %dma_start3A_87] : memref<10240x64xf32, #tpu.memory_space<hbm>> -> memref<240x64xf32, #tpu.memory_space<hbm>>
          tpu.enqueue_dma source(%dma_start3A_88 : memref<240x64xf32, #tpu.memory_space<hbm>>) target(%dma_start3A_85 : memref<240x64xf32, #tpu.memory_space<vmem_shared>>) target_semaphore(%run_scoped3A_82 : memref<!tpu.dma_semaphore, #tpu.memory_space<semaphore_mem>>)
          %dma_wait3A = arith.constant 10000 : i32
          %dma_wait3A_89 = arith.constant 0 : i32
          %dma_wait3A_90 = tpu.memref_slice %arg9[%dma_wait3A, %dma_wait3A_89] : memref<10240x64xf32, #tpu.memory_space<vmem_shared>> -> memref<240x64xf32, #tpu.memory_space<vmem_shared>>
          %dma_wait3A_91 = arith.constant 10000 : i32
          %dma_wait3A_92 = arith.constant 0 : i32
          %dma_wait3A_93 = tpu.memref_slice %arg4[%dma_wait3A_91, %dma_wait3A_92] : memref<10240x64xf32, #tpu.memory_space<hbm>> -> memref<240x64xf32, #tpu.memory_space<hbm>>
          tpu.wait_dma2 semaphore(%run_scoped3A_82 : memref<!tpu.dma_semaphore, #tpu.memory_space<semaphore_mem>>) src(%dma_wait3A_93 : memref<240x64xf32, #tpu.memory_space<hbm>>) dst(%dma_wait3A_90 : memref<240x64xf32, #tpu.memory_space<vmem_shared>>)
          tpu.yield
        }) : () -> ()
      } else {
      }
    } else {
    }
    %eq3A_8 = arith.constant 1 : i32
    %eq3A_9 = arith.cmpi eq, %arg0, %eq3A_8 : i32
    %convert_element_type3A_10 = arith.extui %eq3A_9 : i1 to i32
    %cond3A_11 = arith.constant 0 : i32
    %cond3A_12 = arith.cmpi ne, %convert_element_type3A_10, %cond3A_11 : i32
    scf.if %cond3A_12 {
      %mul3A_73 = arith.constant 640 : i32
      %mul3A_74 = arith.muli %arg1, %mul3A_73 : i32
      %mul3A_75 = arith.constant 640 : i32
      %mul3A_76 = arith.muli %arg1, %mul3A_75 : i32
      "tpu.region"() ({
        %run_scoped3A_77 = tpu.sem_alloc : memref<!tpu.dma_semaphore, #tpu.memory_space<semaphore_mem>>
        %dma_start3A_78 = arith.constant 0 : i32
        %dma_start3A_79 = tpu.memref_slice %arg9[%mul3A_76, %dma_start3A_78] : memref<10240x64xf32, #tpu.memory_space<vmem_shared>> -> memref<640x64xf32, #tpu.memory_space<vmem_shared>>
        %dma_start3A_80 = arith.constant 0 : i32
        %dma_start3A_81 = tpu.memref_slice %arg4[%mul3A_74, %dma_start3A_80] : memref<10240x64xf32, #tpu.memory_space<hbm>> -> memref<640x64xf32, #tpu.memory_space<hbm>>
        tpu.enqueue_dma source(%dma_start3A_81 : memref<640x64xf32, #tpu.memory_space<hbm>>) target(%dma_start3A_79 : memref<640x64xf32, #tpu.memory_space<vmem_shared>>) target_semaphore(%run_scoped3A_77 : memref<!tpu.dma_semaphore, #tpu.memory_space<semaphore_mem>>)
        %dma_wait3A = arith.constant 0 : i32
        %dma_wait3A_82 = tpu.memref_slice %arg9[%mul3A_76, %dma_wait3A] : memref<10240x64xf32, #tpu.memory_space<vmem_shared>> -> memref<640x64xf32, #tpu.memory_space<vmem_shared>>
        %dma_wait3A_83 = arith.constant 0 : i32
        %dma_wait3A_84 = tpu.memref_slice %arg4[%mul3A_74, %dma_wait3A_83] : memref<10240x64xf32, #tpu.memory_space<hbm>> -> memref<640x64xf32, #tpu.memory_space<hbm>>
        tpu.wait_dma2 semaphore(%run_scoped3A_77 : memref<!tpu.dma_semaphore, #tpu.memory_space<semaphore_mem>>) src(%dma_wait3A_84 : memref<640x64xf32, #tpu.memory_space<hbm>>) dst(%dma_wait3A_82 : memref<640x64xf32, #tpu.memory_space<vmem_shared>>)
        tpu.yield
      }) : () -> ()
    } else {
    }
    %barrier3A = arith.constant 0 : index
    tpu.barrier barrier_id(%barrier3A)
    %dma_start3A = arith.constant 0 : i32
    %dma_start3A_13 = arith.constant 0 : i32
    %dma_start3A_14 = arith.constant 0 : i32
    %dma_start3A_15 = tpu.memref_slice %arg8[%dma_start3A, %dma_start3A_13, %dma_start3A_14] : memref<5x200x64xf32, #tpu.memory_space<vmem>> -> memref<1x200x64xf32, #tpu.memory_space<vmem>>
    %dma_start3A_16 = tpu.memref_squeeze %dma_start3A_15 : memref<1x200x64xf32, #tpu.memory_space<vmem>> -> memref<200x64xf32, #tpu.memory_space<vmem>>
    %dma_start3A_17 = arith.constant 0 : i32
    %dma_start3A_18 = tpu.memref_slice %arg6[%dma_start3A_17] : memref<10000xi32, #tpu.memory_space<vmem>> -> memref<200xi32, #tpu.memory_space<vmem>>
    %dma_start3A_19 = arith.constant 0 : i32
    %dma_start3A_20 = arith.constant 0 : i32
    %dma_start3A_21 = tpu.memref_slice %arg2[%dma_start3A_19, %dma_start3A_20] : memref<10000x64xf32, #tpu.memory_space<hbm>> -> memref<10000x64xf32, #tpu.memory_space<hbm>>
    tpu.enqueue_indirect_dma source(%dma_start3A_21 : memref<10000x64xf32, #tpu.memory_space<hbm>>) target(%dma_start3A_16 : memref<200x64xf32, #tpu.memory_space<vmem>>) offsets(%dma_start3A_18 : memref<200xi32, #tpu.memory_space<vmem>>) semaphore(%arg10 : memref<!tpu.dma_semaphore, #tpu.memory_space<semaphore_mem>>)
    %dma_start3A_22 = arith.constant 1 : i32
    %dma_start3A_23 = arith.constant 0 : i32
    %dma_start3A_24 = arith.constant 0 : i32
    %dma_start3A_25 = tpu.memref_slice %arg8[%dma_start3A_22, %dma_start3A_23, %dma_start3A_24] : memref<5x200x64xf32, #tpu.memory_space<vmem>> -> memref<1x200x64xf32, #tpu.memory_space<vmem>>
    %dma_start3A_26 = tpu.memref_squeeze %dma_start3A_25 : memref<1x200x64xf32, #tpu.memory_space<vmem>> -> memref<200x64xf32, #tpu.memory_space<vmem>>
    %dma_start3A_27 = arith.constant 200 : i32
    %dma_start3A_28 = tpu.memref_slice %arg6[%dma_start3A_27] : memref<10000xi32, #tpu.memory_space<vmem>> -> memref<200xi32, #tpu.memory_space<vmem>>
    %dma_start3A_29 = arith.constant 0 : i32
    %dma_start3A_30 = arith.constant 0 : i32
    %dma_start3A_31 = tpu.memref_slice %arg2[%dma_start3A_29, %dma_start3A_30] : memref<10000x64xf32, #tpu.memory_space<hbm>> -> memref<10000x64xf32, #tpu.memory_space<hbm>>
    tpu.enqueue_indirect_dma source(%dma_start3A_31 : memref<10000x64xf32, #tpu.memory_space<hbm>>) target(%dma_start3A_26 : memref<200x64xf32, #tpu.memory_space<vmem>>) offsets(%dma_start3A_28 : memref<200xi32, #tpu.memory_space<vmem>>) semaphore(%arg11 : memref<!tpu.dma_semaphore, #tpu.memory_space<semaphore_mem>>)
    %dma_start3A_32 = arith.constant 2 : i32
    %dma_start3A_33 = arith.constant 0 : i32
    %dma_start3A_34 = arith.constant 0 : i32
    %dma_start3A_35 = tpu.memref_slice %arg8[%dma_start3A_32, %dma_start3A_33, %dma_start3A_34] : memref<5x200x64xf32, #tpu.memory_space<vmem>> -> memref<1x200x64xf32, #tpu.memory_space<vmem>>
    %dma_start3A_36 = tpu.memref_squeeze %dma_start3A_35 : memref<1x200x64xf32, #tpu.memory_space<vmem>> -> memref<200x64xf32, #tpu.memory_space<vmem>>
    %dma_start3A_37 = arith.constant 400 : i32
    %dma_start3A_38 = tpu.memref_slice %arg6[%dma_start3A_37] : memref<10000xi32, #tpu.memory_space<vmem>> -> memref<200xi32, #tpu.memory_space<vmem>>
    %dma_start3A_39 = arith.constant 0 : i32
    %dma_start3A_40 = arith.constant 0 : i32
    %dma_start3A_41 = tpu.memref_slice %arg2[%dma_start3A_39, %dma_start3A_40] : memref<10000x64xf32, #tpu.memory_space<hbm>> -> memref<10000x64xf32, #tpu.memory_space<hbm>>
    tpu.enqueue_indirect_dma source(%dma_start3A_41 : memref<10000x64xf32, #tpu.memory_space<hbm>>) target(%dma_start3A_36 : memref<200x64xf32, #tpu.memory_space<vmem>>) offsets(%dma_start3A_38 : memref<200xi32, #tpu.memory_space<vmem>>) semaphore(%arg12 : memref<!tpu.dma_semaphore, #tpu.memory_space<semaphore_mem>>)
    %dma_start3A_42 = arith.constant 3 : i32
    %dma_start3A_43 = arith.constant 0 : i32
    %dma_start3A_44 = arith.constant 0 : i32
    %dma_start3A_45 = tpu.memref_slice %arg8[%dma_start3A_42, %dma_start3A_43, %dma_start3A_44] : memref<5x200x64xf32, #tpu.memory_space<vmem>> -> memref<1x200x64xf32, #tpu.memory_space<vmem>>
    %dma_start3A_46 = tpu.memref_squeeze %dma_start3A_45 : memref<1x200x64xf32, #tpu.memory_space<vmem>> -> memref<200x64xf32, #tpu.memory_space<vmem>>
    %dma_start3A_47 = arith.constant 600 : i32
    %dma_start3A_48 = tpu.memref_slice %arg6[%dma_start3A_47] : memref<10000xi32, #tpu.memory_space<vmem>> -> memref<200xi32, #tpu.memory_space<vmem>>
    %dma_start3A_49 = arith.constant 0 : i32
    %dma_start3A_50 = arith.constant 0 : i32
    %dma_start3A_51 = tpu.memref_slice %arg2[%dma_start3A_49, %dma_start3A_50] : memref<10000x64xf32, #tpu.memory_space<hbm>> -> memref<10000x64xf32, #tpu.memory_space<hbm>>
    tpu.enqueue_indirect_dma source(%dma_start3A_51 : memref<10000x64xf32, #tpu.memory_space<hbm>>) target(%dma_start3A_46 : memref<200x64xf32, #tpu.memory_space<vmem>>) offsets(%dma_start3A_48 : memref<200xi32, #tpu.memory_space<vmem>>) semaphore(%arg13 : memref<!tpu.dma_semaphore, #tpu.memory_space<semaphore_mem>>)
    %dma_start3A_52 = arith.constant 4 : i32
    %dma_start3A_53 = arith.constant 0 : i32
    %dma_start3A_54 = arith.constant 0 : i32
    %dma_start3A_55 = tpu.memref_slice %arg8[%dma_start3A_52, %dma_start3A_53, %dma_start3A_54] : memref<5x200x64xf32, #tpu.memory_space<vmem>> -> memref<1x200x64xf32, #tpu.memory_space<vmem>>
    %dma_start3A_56 = tpu.memref_squeeze %dma_start3A_55 : memref<1x200x64xf32, #tpu.memory_space<vmem>> -> memref<200x64xf32, #tpu.memory_space<vmem>>
    %dma_start3A_57 = arith.constant 800 : i32
    %dma_start3A_58 = tpu.memref_slice %arg6[%dma_start3A_57] : memref<10000xi32, #tpu.memory_space<vmem>> -> memref<200xi32, #tpu.memory_space<vmem>>
    %dma_start3A_59 = arith.constant 0 : i32
    %dma_start3A_60 = arith.constant 0 : i32
    %dma_start3A_61 = tpu.memref_slice %arg2[%dma_start3A_59, %dma_start3A_60] : memref<10000x64xf32, #tpu.memory_space<hbm>> -> memref<10000x64xf32, #tpu.memory_space<hbm>>
    tpu.enqueue_indirect_dma source(%dma_start3A_61 : memref<10000x64xf32, #tpu.memory_space<hbm>>) target(%dma_start3A_56 : memref<200x64xf32, #tpu.memory_space<vmem>>) offsets(%dma_start3A_58 : memref<200xi32, #tpu.memory_space<vmem>>) semaphore(%arg14 : memref<!tpu.dma_semaphore, #tpu.memory_space<semaphore_mem>>)
    %scan3A = arith.constant 0 : i32
    %scan3A_62 = arith.constant 10 : i32
    %scan3A_63 = arith.addi %scan3A, %scan3A_62 : i32
    %scan3A_64 = arith.constant 1 : i32
    scf.for %scan3A_73 = %scan3A to %scan3A_63 step %scan3A_64  : i32 {
      %mul3A_74 = arith.constant 1 : i32
      %mul3A_75 = arith.muli %scan3A_73, %mul3A_74 : i32
      %add3A_76 = arith.constant 0 : i32
      %add3A_77 = arith.addi %add3A_76, %mul3A_75 : i32
      %mul3A_78 = arith.constant 5 : i32
      %mul3A_79 = arith.muli %add3A_77, %mul3A_78 : i32
      %add3A_80 = arith.constant 0 : i32
      %add3A_81 = arith.addi %mul3A_79, %add3A_80 : i32
      %mul3A_82 = arith.constant 200 : i32
      %mul3A_83 = arith.muli %add3A_81, %mul3A_82 : i32
      %dma_wait3A = arith.constant 0 : i32
      %dma_wait3A_84 = arith.constant 0 : i32
      %dma_wait3A_85 = arith.constant 0 : i32
      %dma_wait3A_86 = tpu.memref_slice %arg8[%dma_wait3A, %dma_wait3A_84, %dma_wait3A_85] : memref<5x200x64xf32, #tpu.memory_space<vmem>> -> memref<1x200x64xf32, #tpu.memory_space<vmem>>
      %dma_wait3A_87 = tpu.memref_squeeze %dma_wait3A_86 : memref<1x200x64xf32, #tpu.memory_space<vmem>> -> memref<200x64xf32, #tpu.memory_space<vmem>>
      %dma_wait3A_88 = tpu.memref_slice %arg6[%mul3A_83] : memref<10000xi32, #tpu.memory_space<vmem>> -> memref<200xi32, #tpu.memory_space<vmem>>
      %dma_wait3A_89 = arith.constant 0 : i32
      %dma_wait3A_90 = arith.constant 0 : i32
      %dma_wait3A_91 = tpu.memref_slice %arg2[%dma_wait3A_89, %dma_wait3A_90] : memref<10000x64xf32, #tpu.memory_space<hbm>> -> memref<10000x64xf32, #tpu.memory_space<hbm>>
      tpu.wait_indirect_dma semaphore(%arg10 : memref<!tpu.dma_semaphore, #tpu.memory_space<semaphore_mem>>) src(%dma_wait3A_91 : memref<10000x64xf32, #tpu.memory_space<hbm>>) dst(%dma_wait3A_87 : memref<200x64xf32, #tpu.memory_space<vmem>>)
      %add3A_92 = arith.constant 0 : i32
      %add3A_93 = arith.addi %mul3A_79, %add3A_92 : i32
      %mul3A_94 = arith.constant 200 : i32
      %mul3A_95 = arith.muli %add3A_93, %mul3A_94 : i32
      %dma_start3A_96 = arith.constant 0 : i32
      %dma_start3A_97 = arith.constant 0 : i32
      %dma_start3A_98 = arith.constant 0 : i32
      %dma_start3A_99 = tpu.memref_slice %arg8[%dma_start3A_96, %dma_start3A_97, %dma_start3A_98] : memref<5x200x64xf32, #tpu.memory_space<vmem>> -> memref<1x200x64xf32, #tpu.memory_space<vmem>>
      %dma_start3A_100 = tpu.memref_squeeze %dma_start3A_99 : memref<1x200x64xf32, #tpu.memory_space<vmem>> -> memref<200x64xf32, #tpu.memory_space<vmem>>
      %dma_start3A_101 = tpu.memref_slice %arg7[%mul3A_95] : memref<10000xi32, #tpu.memory_space<vmem>> -> memref<200xi32, #tpu.memory_space<vmem>>
      %dma_start3A_102 = arith.constant 0 : i32
      %dma_start3A_103 = arith.constant 0 : i32
      %dma_start3A_104 = tpu.memref_slice %arg9[%dma_start3A_102, %dma_start3A_103] : memref<10240x64xf32, #tpu.memory_space<vmem_shared>> -> memref<10240x64xf32, #tpu.memory_space<vmem_shared>>
      tpu.enqueue_indirect_dma source(%dma_start3A_100 : memref<200x64xf32, #tpu.memory_space<vmem>>) target(%dma_start3A_104 : memref<10240x64xf32, #tpu.memory_space<vmem_shared>>) offsets(%dma_start3A_101 : memref<200xi32, #tpu.memory_space<vmem>>) semaphore(%arg15 : memref<!tpu.dma_semaphore, #tpu.memory_space<semaphore_mem>>) {add = true}
      %add3A_105 = arith.constant 1 : i32
      %add3A_106 = arith.addi %mul3A_79, %add3A_105 : i32
      %mul3A_107 = arith.constant 200 : i32
      %mul3A_108 = arith.muli %add3A_106, %mul3A_107 : i32
      %dma_wait3A_109 = arith.constant 1 : i32
      %dma_wait3A_110 = arith.constant 0 : i32
      %dma_wait3A_111 = arith.constant 0 : i32
      %dma_wait3A_112 = tpu.memref_slice %arg8[%dma_wait3A_109, %dma_wait3A_110, %dma_wait3A_111] : memref<5x200x64xf32, #tpu.memory_space<vmem>> -> memref<1x200x64xf32, #tpu.memory_space<vmem>>
      %dma_wait3A_113 = tpu.memref_squeeze %dma_wait3A_112 : memref<1x200x64xf32, #tpu.memory_space<vmem>> -> memref<200x64xf32, #tpu.memory_space<vmem>>
      %dma_wait3A_114 = tpu.memref_slice %arg6[%mul3A_108] : memref<10000xi32, #tpu.memory_space<vmem>> -> memref<200xi32, #tpu.memory_space<vmem>>
      %dma_wait3A_115 = arith.constant 0 : i32
      %dma_wait3A_116 = arith.constant 0 : i32
      %dma_wait3A_117 = tpu.memref_slice %arg2[%dma_wait3A_115, %dma_wait3A_116] : memref<10000x64xf32, #tpu.memory_space<hbm>> -> memref<10000x64xf32, #tpu.memory_space<hbm>>
      tpu.wait_indirect_dma semaphore(%arg11 : memref<!tpu.dma_semaphore, #tpu.memory_space<semaphore_mem>>) src(%dma_wait3A_117 : memref<10000x64xf32, #tpu.memory_space<hbm>>) dst(%dma_wait3A_113 : memref<200x64xf32, #tpu.memory_space<vmem>>)
      %add3A_118 = arith.constant 1 : i32
      %add3A_119 = arith.addi %mul3A_79, %add3A_118 : i32
      %mul3A_120 = arith.constant 200 : i32
      %mul3A_121 = arith.muli %add3A_119, %mul3A_120 : i32
      %dma_start3A_122 = arith.constant 1 : i32
      %dma_start3A_123 = arith.constant 0 : i32
      %dma_start3A_124 = arith.constant 0 : i32
      %dma_start3A_125 = tpu.memref_slice %arg8[%dma_start3A_122, %dma_start3A_123, %dma_start3A_124] : memref<5x200x64xf32, #tpu.memory_space<vmem>> -> memref<1x200x64xf32, #tpu.memory_space<vmem>>
      %dma_start3A_126 = tpu.memref_squeeze %dma_start3A_125 : memref<1x200x64xf32, #tpu.memory_space<vmem>> -> memref<200x64xf32, #tpu.memory_space<vmem>>
      %dma_start3A_127 = tpu.memref_slice %arg7[%mul3A_121] : memref<10000xi32, #tpu.memory_space<vmem>> -> memref<200xi32, #tpu.memory_space<vmem>>
      %dma_start3A_128 = arith.constant 0 : i32
      %dma_start3A_129 = arith.constant 0 : i32
      %dma_start3A_130 = tpu.memref_slice %arg9[%dma_start3A_128, %dma_start3A_129] : memref<10240x64xf32, #tpu.memory_space<vmem_shared>> -> memref<10240x64xf32, #tpu.memory_space<vmem_shared>>
      tpu.enqueue_indirect_dma source(%dma_start3A_126 : memref<200x64xf32, #tpu.memory_space<vmem>>) target(%dma_start3A_130 : memref<10240x64xf32, #tpu.memory_space<vmem_shared>>) offsets(%dma_start3A_127 : memref<200xi32, #tpu.memory_space<vmem>>) semaphore(%arg16 : memref<!tpu.dma_semaphore, #tpu.memory_space<semaphore_mem>>) {add = true}
      %add3A_131 = arith.constant 2 : i32
      %add3A_132 = arith.addi %mul3A_79, %add3A_131 : i32
      %mul3A_133 = arith.constant 200 : i32
      %mul3A_134 = arith.muli %add3A_132, %mul3A_133 : i32
      %dma_wait3A_135 = arith.constant 2 : i32
      %dma_wait3A_136 = arith.constant 0 : i32
      %dma_wait3A_137 = arith.constant 0 : i32
      %dma_wait3A_138 = tpu.memref_slice %arg8[%dma_wait3A_135, %dma_wait3A_136, %dma_wait3A_137] : memref<5x200x64xf32, #tpu.memory_space<vmem>> -> memref<1x200x64xf32, #tpu.memory_space<vmem>>
      %dma_wait3A_139 = tpu.memref_squeeze %dma_wait3A_138 : memref<1x200x64xf32, #tpu.memory_space<vmem>> -> memref<200x64xf32, #tpu.memory_space<vmem>>
      %dma_wait3A_140 = tpu.memref_slice %arg6[%mul3A_134] : memref<10000xi32, #tpu.memory_space<vmem>> -> memref<200xi32, #tpu.memory_space<vmem>>
      %dma_wait3A_141 = arith.constant 0 : i32
      %dma_wait3A_142 = arith.constant 0 : i32
      %dma_wait3A_143 = tpu.memref_slice %arg2[%dma_wait3A_141, %dma_wait3A_142] : memref<10000x64xf32, #tpu.memory_space<hbm>> -> memref<10000x64xf32, #tpu.memory_space<hbm>>
      tpu.wait_indirect_dma semaphore(%arg12 : memref<!tpu.dma_semaphore, #tpu.memory_space<semaphore_mem>>) src(%dma_wait3A_143 : memref<10000x64xf32, #tpu.memory_space<hbm>>) dst(%dma_wait3A_139 : memref<200x64xf32, #tpu.memory_space<vmem>>)
      %add3A_144 = arith.constant 2 : i32
      %add3A_145 = arith.addi %mul3A_79, %add3A_144 : i32
      %mul3A_146 = arith.constant 200 : i32
      %mul3A_147 = arith.muli %add3A_145, %mul3A_146 : i32
      %dma_start3A_148 = arith.constant 2 : i32
      %dma_start3A_149 = arith.constant 0 : i32
      %dma_start3A_150 = arith.constant 0 : i32
      %dma_start3A_151 = tpu.memref_slice %arg8[%dma_start3A_148, %dma_start3A_149, %dma_start3A_150] : memref<5x200x64xf32, #tpu.memory_space<vmem>> -> memref<1x200x64xf32, #tpu.memory_space<vmem>>
      %dma_start3A_152 = tpu.memref_squeeze %dma_start3A_151 : memref<1x200x64xf32, #tpu.memory_space<vmem>> -> memref<200x64xf32, #tpu.memory_space<vmem>>
      %dma_start3A_153 = tpu.memref_slice %arg7[%mul3A_147] : memref<10000xi32, #tpu.memory_space<vmem>> -> memref<200xi32, #tpu.memory_space<vmem>>
      %dma_start3A_154 = arith.constant 0 : i32
      %dma_start3A_155 = arith.constant 0 : i32
      %dma_start3A_156 = tpu.memref_slice %arg9[%dma_start3A_154, %dma_start3A_155] : memref<10240x64xf32, #tpu.memory_space<vmem_shared>> -> memref<10240x64xf32, #tpu.memory_space<vmem_shared>>
      tpu.enqueue_indirect_dma source(%dma_start3A_152 : memref<200x64xf32, #tpu.memory_space<vmem>>) target(%dma_start3A_156 : memref<10240x64xf32, #tpu.memory_space<vmem_shared>>) offsets(%dma_start3A_153 : memref<200xi32, #tpu.memory_space<vmem>>) semaphore(%arg17 : memref<!tpu.dma_semaphore, #tpu.memory_space<semaphore_mem>>) {add = true}
      %add3A_157 = arith.constant 3 : i32
      %add3A_158 = arith.addi %mul3A_79, %add3A_157 : i32
      %mul3A_159 = arith.constant 200 : i32
      %mul3A_160 = arith.muli %add3A_158, %mul3A_159 : i32
      %dma_wait3A_161 = arith.constant 3 : i32
      %dma_wait3A_162 = arith.constant 0 : i32
      %dma_wait3A_163 = arith.constant 0 : i32
      %dma_wait3A_164 = tpu.memref_slice %arg8[%dma_wait3A_161, %dma_wait3A_162, %dma_wait3A_163] : memref<5x200x64xf32, #tpu.memory_space<vmem>> -> memref<1x200x64xf32, #tpu.memory_space<vmem>>
      %dma_wait3A_165 = tpu.memref_squeeze %dma_wait3A_164 : memref<1x200x64xf32, #tpu.memory_space<vmem>> -> memref<200x64xf32, #tpu.memory_space<vmem>>
      %dma_wait3A_166 = tpu.memref_slice %arg6[%mul3A_160] : memref<10000xi32, #tpu.memory_space<vmem>> -> memref<200xi32, #tpu.memory_space<vmem>>
      %dma_wait3A_167 = arith.constant 0 : i32
      %dma_wait3A_168 = arith.constant 0 : i32
      %dma_wait3A_169 = tpu.memref_slice %arg2[%dma_wait3A_167, %dma_wait3A_168] : memref<10000x64xf32, #tpu.memory_space<hbm>> -> memref<10000x64xf32, #tpu.memory_space<hbm>>
      tpu.wait_indirect_dma semaphore(%arg13 : memref<!tpu.dma_semaphore, #tpu.memory_space<semaphore_mem>>) src(%dma_wait3A_169 : memref<10000x64xf32, #tpu.memory_space<hbm>>) dst(%dma_wait3A_165 : memref<200x64xf32, #tpu.memory_space<vmem>>)
      %add3A_170 = arith.constant 3 : i32
      %add3A_171 = arith.addi %mul3A_79, %add3A_170 : i32
      %mul3A_172 = arith.constant 200 : i32
      %mul3A_173 = arith.muli %add3A_171, %mul3A_172 : i32
      %dma_start3A_174 = arith.constant 3 : i32
      %dma_start3A_175 = arith.constant 0 : i32
      %dma_start3A_176 = arith.constant 0 : i32
      %dma_start3A_177 = tpu.memref_slice %arg8[%dma_start3A_174, %dma_start3A_175, %dma_start3A_176] : memref<5x200x64xf32, #tpu.memory_space<vmem>> -> memref<1x200x64xf32, #tpu.memory_space<vmem>>
      %dma_start3A_178 = tpu.memref_squeeze %dma_start3A_177 : memref<1x200x64xf32, #tpu.memory_space<vmem>> -> memref<200x64xf32, #tpu.memory_space<vmem>>
      %dma_start3A_179 = tpu.memref_slice %arg7[%mul3A_173] : memref<10000xi32, #tpu.memory_space<vmem>> -> memref<200xi32, #tpu.memory_space<vmem>>
      %dma_start3A_180 = arith.constant 0 : i32
      %dma_start3A_181 = arith.constant 0 : i32
      %dma_start3A_182 = tpu.memref_slice %arg9[%dma_start3A_180, %dma_start3A_181] : memref<10240x64xf32, #tpu.memory_space<vmem_shared>> -> memref<10240x64xf32, #tpu.memory_space<vmem_shared>>
      tpu.enqueue_indirect_dma source(%dma_start3A_178 : memref<200x64xf32, #tpu.memory_space<vmem>>) target(%dma_start3A_182 : memref<10240x64xf32, #tpu.memory_space<vmem_shared>>) offsets(%dma_start3A_179 : memref<200xi32, #tpu.memory_space<vmem>>) semaphore(%arg18 : memref<!tpu.dma_semaphore, #tpu.memory_space<semaphore_mem>>) {add = true}
      %add3A_183 = arith.constant 4 : i32
      %add3A_184 = arith.addi %mul3A_79, %add3A_183 : i32
      %mul3A_185 = arith.constant 200 : i32
      %mul3A_186 = arith.muli %add3A_184, %mul3A_185 : i32
      %dma_wait3A_187 = arith.constant 4 : i32
      %dma_wait3A_188 = arith.constant 0 : i32
      %dma_wait3A_189 = arith.constant 0 : i32
      %dma_wait3A_190 = tpu.memref_slice %arg8[%dma_wait3A_187, %dma_wait3A_188, %dma_wait3A_189] : memref<5x200x64xf32, #tpu.memory_space<vmem>> -> memref<1x200x64xf32, #tpu.memory_space<vmem>>
      %dma_wait3A_191 = tpu.memref_squeeze %dma_wait3A_190 : memref<1x200x64xf32, #tpu.memory_space<vmem>> -> memref<200x64xf32, #tpu.memory_space<vmem>>
      %dma_wait3A_192 = tpu.memref_slice %arg6[%mul3A_186] : memref<10000xi32, #tpu.memory_space<vmem>> -> memref<200xi32, #tpu.memory_space<vmem>>
      %dma_wait3A_193 = arith.constant 0 : i32
      %dma_wait3A_194 = arith.constant 0 : i32
      %dma_wait3A_195 = tpu.memref_slice %arg2[%dma_wait3A_193, %dma_wait3A_194] : memref<10000x64xf32, #tpu.memory_space<hbm>> -> memref<10000x64xf32, #tpu.memory_space<hbm>>
      tpu.wait_indirect_dma semaphore(%arg14 : memref<!tpu.dma_semaphore, #tpu.memory_space<semaphore_mem>>) src(%dma_wait3A_195 : memref<10000x64xf32, #tpu.memory_space<hbm>>) dst(%dma_wait3A_191 : memref<200x64xf32, #tpu.memory_space<vmem>>)
      %add3A_196 = arith.constant 4 : i32
      %add3A_197 = arith.addi %mul3A_79, %add3A_196 : i32
      %mul3A_198 = arith.constant 200 : i32
      %mul3A_199 = arith.muli %add3A_197, %mul3A_198 : i32
      %dma_start3A_200 = arith.constant 4 : i32
      %dma_start3A_201 = arith.constant 0 : i32
      %dma_start3A_202 = arith.constant 0 : i32
      %dma_start3A_203 = tpu.memref_slice %arg8[%dma_start3A_200, %dma_start3A_201, %dma_start3A_202] : memref<5x200x64xf32, #tpu.memory_space<vmem>> -> memref<1x200x64xf32, #tpu.memory_space<vmem>>
      %dma_start3A_204 = tpu.memref_squeeze %dma_start3A_203 : memref<1x200x64xf32, #tpu.memory_space<vmem>> -> memref<200x64xf32, #tpu.memory_space<vmem>>
      %dma_start3A_205 = tpu.memref_slice %arg7[%mul3A_199] : memref<10000xi32, #tpu.memory_space<vmem>> -> memref<200xi32, #tpu.memory_space<vmem>>
      %dma_start3A_206 = arith.constant 0 : i32
      %dma_start3A_207 = arith.constant 0 : i32
      %dma_start3A_208 = tpu.memref_slice %arg9[%dma_start3A_206, %dma_start3A_207] : memref<10240x64xf32, #tpu.memory_space<vmem_shared>> -> memref<10240x64xf32, #tpu.memory_space<vmem_shared>>
      tpu.enqueue_indirect_dma source(%dma_start3A_204 : memref<200x64xf32, #tpu.memory_space<vmem>>) target(%dma_start3A_208 : memref<10240x64xf32, #tpu.memory_space<vmem_shared>>) offsets(%dma_start3A_205 : memref<200xi32, #tpu.memory_space<vmem>>) semaphore(%arg19 : memref<!tpu.dma_semaphore, #tpu.memory_space<semaphore_mem>>) {add = true}
      %dma_wait3A_209 = arith.constant 0 : i32
      %dma_wait3A_210 = arith.constant 0 : i32
      %dma_wait3A_211 = arith.constant 0 : i32
      %dma_wait3A_212 = tpu.memref_slice %arg8[%dma_wait3A_209, %dma_wait3A_210, %dma_wait3A_211] : memref<5x200x64xf32, #tpu.memory_space<vmem>> -> memref<1x200x64xf32, #tpu.memory_space<vmem>>
      %dma_wait3A_213 = tpu.memref_squeeze %dma_wait3A_212 : memref<1x200x64xf32, #tpu.memory_space<vmem>> -> memref<200x64xf32, #tpu.memory_space<vmem>>
      %dma_wait3A_214 = tpu.memref_slice %arg7[%mul3A_95] : memref<10000xi32, #tpu.memory_space<vmem>> -> memref<200xi32, #tpu.memory_space<vmem>>
      %dma_wait3A_215 = arith.constant 0 : i32
      %dma_wait3A_216 = arith.constant 0 : i32
      %dma_wait3A_217 = tpu.memref_slice %arg9[%dma_wait3A_215, %dma_wait3A_216] : memref<10240x64xf32, #tpu.memory_space<vmem_shared>> -> memref<10240x64xf32, #tpu.memory_space<vmem_shared>>
      tpu.wait_indirect_dma semaphore(%arg15 : memref<!tpu.dma_semaphore, #tpu.memory_space<semaphore_mem>>) src(%dma_wait3A_213 : memref<200x64xf32, #tpu.memory_space<vmem>>) dst(%dma_wait3A_217 : memref<10240x64xf32, #tpu.memory_space<vmem_shared>>)
      %add3A_218 = arith.constant 5 : i32
      %add3A_219 = arith.addi %mul3A_79, %add3A_218 : i32
      %add3A_220 = arith.constant 0 : i32
      %add3A_221 = arith.addi %add3A_219, %add3A_220 : i32
      %lt3A = arith.constant 50 : i32
      %lt3A_222 = arith.cmpi slt, %add3A_221, %lt3A : i32
      %convert_element_type3A_223 = arith.extui %lt3A_222 : i1 to i32
      %cond3A_224 = arith.constant 0 : i32
      %cond3A_225 = arith.cmpi ne, %convert_element_type3A_223, %cond3A_224 : i32
      scf.if %cond3A_225 {
        %add3A_298 = arith.constant 5 : i32
        %add3A_299 = arith.addi %mul3A_79, %add3A_298 : i32
        %add3A_300 = arith.constant 0 : i32
        %add3A_301 = arith.addi %add3A_299, %add3A_300 : i32
        %mul3A_302 = arith.constant 200 : i32
        %mul3A_303 = arith.muli %add3A_301, %mul3A_302 : i32
        %dma_start3A_304 = arith.constant 0 : i32
        %dma_start3A_305 = arith.constant 0 : i32
        %dma_start3A_306 = arith.constant 0 : i32
        %dma_start3A_307 = tpu.memref_slice %arg8[%dma_start3A_304, %dma_start3A_305, %dma_start3A_306] : memref<5x200x64xf32, #tpu.memory_space<vmem>> -> memref<1x200x64xf32, #tpu.memory_space<vmem>>
        %dma_start3A_308 = tpu.memref_squeeze %dma_start3A_307 : memref<1x200x64xf32, #tpu.memory_space<vmem>> -> memref<200x64xf32, #tpu.memory_space<vmem>>
        %dma_start3A_309 = tpu.memref_slice %arg6[%mul3A_303] : memref<10000xi32, #tpu.memory_space<vmem>> -> memref<200xi32, #tpu.memory_space<vmem>>
        %dma_start3A_310 = arith.constant 0 : i32
        %dma_start3A_311 = arith.constant 0 : i32
        %dma_start3A_312 = tpu.memref_slice %arg2[%dma_start3A_310, %dma_start3A_311] : memref<10000x64xf32, #tpu.memory_space<hbm>> -> memref<10000x64xf32, #tpu.memory_space<hbm>>
        tpu.enqueue_indirect_dma source(%dma_start3A_312 : memref<10000x64xf32, #tpu.memory_space<hbm>>) target(%dma_start3A_308 : memref<200x64xf32, #tpu.memory_space<vmem>>) offsets(%dma_start3A_309 : memref<200xi32, #tpu.memory_space<vmem>>) semaphore(%arg10 : memref<!tpu.dma_semaphore, #tpu.memory_space<semaphore_mem>>)
      } else {
      }
      %dma_wait3A_226 = arith.constant 1 : i32
      %dma_wait3A_227 = arith.constant 0 : i32
      %dma_wait3A_228 = arith.constant 0 : i32
      %dma_wait3A_229 = tpu.memref_slice %arg8[%dma_wait3A_226, %dma_wait3A_227, %dma_wait3A_228] : memref<5x200x64xf32, #tpu.memory_space<vmem>> -> memref<1x200x64xf32, #tpu.memory_space<vmem>>
      %dma_wait3A_230 = tpu.memref_squeeze %dma_wait3A_229 : memref<1x200x64xf32, #tpu.memory_space<vmem>> -> memref<200x64xf32, #tpu.memory_space<vmem>>
      %dma_wait3A_231 = tpu.memref_slice %arg7[%mul3A_121] : memref<10000xi32, #tpu.memory_space<vmem>> -> memref<200xi32, #tpu.memory_space<vmem>>
      %dma_wait3A_232 = arith.constant 0 : i32
      %dma_wait3A_233 = arith.constant 0 : i32
      %dma_wait3A_234 = tpu.memref_slice %arg9[%dma_wait3A_232, %dma_wait3A_233] : memref<10240x64xf32, #tpu.memory_space<vmem_shared>> -> memref<10240x64xf32, #tpu.memory_space<vmem_shared>>
      tpu.wait_indirect_dma semaphore(%arg16 : memref<!tpu.dma_semaphore, #tpu.memory_space<semaphore_mem>>) src(%dma_wait3A_230 : memref<200x64xf32, #tpu.memory_space<vmem>>) dst(%dma_wait3A_234 : memref<10240x64xf32, #tpu.memory_space<vmem_shared>>)
      %add3A_235 = arith.constant 5 : i32
      %add3A_236 = arith.addi %mul3A_79, %add3A_235 : i32
      %add3A_237 = arith.constant 1 : i32
      %add3A_238 = arith.addi %add3A_236, %add3A_237 : i32
      %lt3A_239 = arith.constant 50 : i32
      %lt3A_240 = arith.cmpi slt, %add3A_238, %lt3A_239 : i32
      %convert_element_type3A_241 = arith.extui %lt3A_240 : i1 to i32
      %cond3A_242 = arith.constant 0 : i32
      %cond3A_243 = arith.cmpi ne, %convert_element_type3A_241, %cond3A_242 : i32
      scf.if %cond3A_243 {
        %add3A_298 = arith.constant 5 : i32
        %add3A_299 = arith.addi %mul3A_79, %add3A_298 : i32
        %add3A_300 = arith.constant 1 : i32
        %add3A_301 = arith.addi %add3A_299, %add3A_300 : i32
        %mul3A_302 = arith.constant 200 : i32
        %mul3A_303 = arith.muli %add3A_301, %mul3A_302 : i32
        %dma_start3A_304 = arith.constant 1 : i32
        %dma_start3A_305 = arith.constant 0 : i32
        %dma_start3A_306 = arith.constant 0 : i32
        %dma_start3A_307 = tpu.memref_slice %arg8[%dma_start3A_304, %dma_start3A_305, %dma_start3A_306] : memref<5x200x64xf32, #tpu.memory_space<vmem>> -> memref<1x200x64xf32, #tpu.memory_space<vmem>>
        %dma_start3A_308 = tpu.memref_squeeze %dma_start3A_307 : memref<1x200x64xf32, #tpu.memory_space<vmem>> -> memref<200x64xf32, #tpu.memory_space<vmem>>
        %dma_start3A_309 = tpu.memref_slice %arg6[%mul3A_303] : memref<10000xi32, #tpu.memory_space<vmem>> -> memref<200xi32, #tpu.memory_space<vmem>>
        %dma_start3A_310 = arith.constant 0 : i32
        %dma_start3A_311 = arith.constant 0 : i32
        %dma_start3A_312 = tpu.memref_slice %arg2[%dma_start3A_310, %dma_start3A_311] : memref<10000x64xf32, #tpu.memory_space<hbm>> -> memref<10000x64xf32, #tpu.memory_space<hbm>>
        tpu.enqueue_indirect_dma source(%dma_start3A_312 : memref<10000x64xf32, #tpu.memory_space<hbm>>) target(%dma_start3A_308 : memref<200x64xf32, #tpu.memory_space<vmem>>) offsets(%dma_start3A_309 : memref<200xi32, #tpu.memory_space<vmem>>) semaphore(%arg11 : memref<!tpu.dma_semaphore, #tpu.memory_space<semaphore_mem>>)
      } else {
      }
      %dma_wait3A_244 = arith.constant 2 : i32
      %dma_wait3A_245 = arith.constant 0 : i32
      %dma_wait3A_246 = arith.constant 0 : i32
      %dma_wait3A_247 = tpu.memref_slice %arg8[%dma_wait3A_244, %dma_wait3A_245, %dma_wait3A_246] : memref<5x200x64xf32, #tpu.memory_space<vmem>> -> memref<1x200x64xf32, #tpu.memory_space<vmem>>
      %dma_wait3A_248 = tpu.memref_squeeze %dma_wait3A_247 : memref<1x200x64xf32, #tpu.memory_space<vmem>> -> memref<200x64xf32, #tpu.memory_space<vmem>>
      %dma_wait3A_249 = tpu.memref_slice %arg7[%mul3A_147] : memref<10000xi32, #tpu.memory_space<vmem>> -> memref<200xi32, #tpu.memory_space<vmem>>
      %dma_wait3A_250 = arith.constant 0 : i32
      %dma_wait3A_251 = arith.constant 0 : i32
      %dma_wait3A_252 = tpu.memref_slice %arg9[%dma_wait3A_250, %dma_wait3A_251] : memref<10240x64xf32, #tpu.memory_space<vmem_shared>> -> memref<10240x64xf32, #tpu.memory_space<vmem_shared>>
      tpu.wait_indirect_dma semaphore(%arg17 : memref<!tpu.dma_semaphore, #tpu.memory_space<semaphore_mem>>) src(%dma_wait3A_248 : memref<200x64xf32, #tpu.memory_space<vmem>>) dst(%dma_wait3A_252 : memref<10240x64xf32, #tpu.memory_space<vmem_shared>>)
      %add3A_253 = arith.constant 5 : i32
      %add3A_254 = arith.addi %mul3A_79, %add3A_253 : i32
      %add3A_255 = arith.constant 2 : i32
      %add3A_256 = arith.addi %add3A_254, %add3A_255 : i32
      %lt3A_257 = arith.constant 50 : i32
      %lt3A_258 = arith.cmpi slt, %add3A_256, %lt3A_257 : i32
      %convert_element_type3A_259 = arith.extui %lt3A_258 : i1 to i32
      %cond3A_260 = arith.constant 0 : i32
      %cond3A_261 = arith.cmpi ne, %convert_element_type3A_259, %cond3A_260 : i32
      scf.if %cond3A_261 {
        %add3A_298 = arith.constant 5 : i32
        %add3A_299 = arith.addi %mul3A_79, %add3A_298 : i32
        %add3A_300 = arith.constant 2 : i32
        %add3A_301 = arith.addi %add3A_299, %add3A_300 : i32
        %mul3A_302 = arith.constant 200 : i32
        %mul3A_303 = arith.muli %add3A_301, %mul3A_302 : i32
        %dma_start3A_304 = arith.constant 2 : i32
        %dma_start3A_305 = arith.constant 0 : i32
        %dma_start3A_306 = arith.constant 0 : i32
        %dma_start3A_307 = tpu.memref_slice %arg8[%dma_start3A_304, %dma_start3A_305, %dma_start3A_306] : memref<5x200x64xf32, #tpu.memory_space<vmem>> -> memref<1x200x64xf32, #tpu.memory_space<vmem>>
        %dma_start3A_308 = tpu.memref_squeeze %dma_start3A_307 : memref<1x200x64xf32, #tpu.memory_space<vmem>> -> memref<200x64xf32, #tpu.memory_space<vmem>>
        %dma_start3A_309 = tpu.memref_slice %arg6[%mul3A_303] : memref<10000xi32, #tpu.memory_space<vmem>> -> memref<200xi32, #tpu.memory_space<vmem>>
        %dma_start3A_310 = arith.constant 0 : i32
        %dma_start3A_311 = arith.constant 0 : i32
        %dma_start3A_312 = tpu.memref_slice %arg2[%dma_start3A_310, %dma_start3A_311] : memref<10000x64xf32, #tpu.memory_space<hbm>> -> memref<10000x64xf32, #tpu.memory_space<hbm>>
        tpu.enqueue_indirect_dma source(%dma_start3A_312 : memref<10000x64xf32, #tpu.memory_space<hbm>>) target(%dma_start3A_308 : memref<200x64xf32, #tpu.memory_space<vmem>>) offsets(%dma_start3A_309 : memref<200xi32, #tpu.memory_space<vmem>>) semaphore(%arg12 : memref<!tpu.dma_semaphore, #tpu.memory_space<semaphore_mem>>)
      } else {
      }
      %dma_wait3A_262 = arith.constant 3 : i32
      %dma_wait3A_263 = arith.constant 0 : i32
      %dma_wait3A_264 = arith.constant 0 : i32
      %dma_wait3A_265 = tpu.memref_slice %arg8[%dma_wait3A_262, %dma_wait3A_263, %dma_wait3A_264] : memref<5x200x64xf32, #tpu.memory_space<vmem>> -> memref<1x200x64xf32, #tpu.memory_space<vmem>>
      %dma_wait3A_266 = tpu.memref_squeeze %dma_wait3A_265 : memref<1x200x64xf32, #tpu.memory_space<vmem>> -> memref<200x64xf32, #tpu.memory_space<vmem>>
      %dma_wait3A_267 = tpu.memref_slice %arg7[%mul3A_173] : memref<10000xi32, #tpu.memory_space<vmem>> -> memref<200xi32, #tpu.memory_space<vmem>>
      %dma_wait3A_268 = arith.constant 0 : i32
      %dma_wait3A_269 = arith.constant 0 : i32
      %dma_wait3A_270 = tpu.memref_slice %arg9[%dma_wait3A_268, %dma_wait3A_269] : memref<10240x64xf32, #tpu.memory_space<vmem_shared>> -> memref<10240x64xf32, #tpu.memory_space<vmem_shared>>
      tpu.wait_indirect_dma semaphore(%arg18 : memref<!tpu.dma_semaphore, #tpu.memory_space<semaphore_mem>>) src(%dma_wait3A_266 : memref<200x64xf32, #tpu.memory_space<vmem>>) dst(%dma_wait3A_270 : memref<10240x64xf32, #tpu.memory_space<vmem_shared>>)
      %add3A_271 = arith.constant 5 : i32
      %add3A_272 = arith.addi %mul3A_79, %add3A_271 : i32
      %add3A_273 = arith.constant 3 : i32
      %add3A_274 = arith.addi %add3A_272, %add3A_273 : i32
      %lt3A_275 = arith.constant 50 : i32
      %lt3A_276 = arith.cmpi slt, %add3A_274, %lt3A_275 : i32
      %convert_element_type3A_277 = arith.extui %lt3A_276 : i1 to i32
      %cond3A_278 = arith.constant 0 : i32
      %cond3A_279 = arith.cmpi ne, %convert_element_type3A_277, %cond3A_278 : i32
      scf.if %cond3A_279 {
        %add3A_298 = arith.constant 5 : i32
        %add3A_299 = arith.addi %mul3A_79, %add3A_298 : i32
        %add3A_300 = arith.constant 3 : i32
        %add3A_301 = arith.addi %add3A_299, %add3A_300 : i32
        %mul3A_302 = arith.constant 200 : i32
        %mul3A_303 = arith.muli %add3A_301, %mul3A_302 : i32
        %dma_start3A_304 = arith.constant 3 : i32
        %dma_start3A_305 = arith.constant 0 : i32
        %dma_start3A_306 = arith.constant 0 : i32
        %dma_start3A_307 = tpu.memref_slice %arg8[%dma_start3A_304, %dma_start3A_305, %dma_start3A_306] : memref<5x200x64xf32, #tpu.memory_space<vmem>> -> memref<1x200x64xf32, #tpu.memory_space<vmem>>
        %dma_start3A_308 = tpu.memref_squeeze %dma_start3A_307 : memref<1x200x64xf32, #tpu.memory_space<vmem>> -> memref<200x64xf32, #tpu.memory_space<vmem>>
        %dma_start3A_309 = tpu.memref_slice %arg6[%mul3A_303] : memref<10000xi32, #tpu.memory_space<vmem>> -> memref<200xi32, #tpu.memory_space<vmem>>
        %dma_start3A_310 = arith.constant 0 : i32
        %dma_start3A_311 = arith.constant 0 : i32
        %dma_start3A_312 = tpu.memref_slice %arg2[%dma_start3A_310, %dma_start3A_311] : memref<10000x64xf32, #tpu.memory_space<hbm>> -> memref<10000x64xf32, #tpu.memory_space<hbm>>
        tpu.enqueue_indirect_dma source(%dma_start3A_312 : memref<10000x64xf32, #tpu.memory_space<hbm>>) target(%dma_start3A_308 : memref<200x64xf32, #tpu.memory_space<vmem>>) offsets(%dma_start3A_309 : memref<200xi32, #tpu.memory_space<vmem>>) semaphore(%arg13 : memref<!tpu.dma_semaphore, #tpu.memory_space<semaphore_mem>>)
      } else {
      }
      %dma_wait3A_280 = arith.constant 4 : i32
      %dma_wait3A_281 = arith.constant 0 : i32
      %dma_wait3A_282 = arith.constant 0 : i32
      %dma_wait3A_283 = tpu.memref_slice %arg8[%dma_wait3A_280, %dma_wait3A_281, %dma_wait3A_282] : memref<5x200x64xf32, #tpu.memory_space<vmem>> -> memref<1x200x64xf32, #tpu.memory_space<vmem>>
      %dma_wait3A_284 = tpu.memref_squeeze %dma_wait3A_283 : memref<1x200x64xf32, #tpu.memory_space<vmem>> -> memref<200x64xf32, #tpu.memory_space<vmem>>
      %dma_wait3A_285 = tpu.memref_slice %arg7[%mul3A_199] : memref<10000xi32, #tpu.memory_space<vmem>> -> memref<200xi32, #tpu.memory_space<vmem>>
      %dma_wait3A_286 = arith.constant 0 : i32
      %dma_wait3A_287 = arith.constant 0 : i32
      %dma_wait3A_288 = tpu.memref_slice %arg9[%dma_wait3A_286, %dma_wait3A_287] : memref<10240x64xf32, #tpu.memory_space<vmem_shared>> -> memref<10240x64xf32, #tpu.memory_space<vmem_shared>>
      tpu.wait_indirect_dma semaphore(%arg19 : memref<!tpu.dma_semaphore, #tpu.memory_space<semaphore_mem>>) src(%dma_wait3A_284 : memref<200x64xf32, #tpu.memory_space<vmem>>) dst(%dma_wait3A_288 : memref<10240x64xf32, #tpu.memory_space<vmem_shared>>)
      %add3A_289 = arith.constant 5 : i32
      %add3A_290 = arith.addi %mul3A_79, %add3A_289 : i32
      %add3A_291 = arith.constant 4 : i32
      %add3A_292 = arith.addi %add3A_290, %add3A_291 : i32
      %lt3A_293 = arith.constant 50 : i32
      %lt3A_294 = arith.cmpi slt, %add3A_292, %lt3A_293 : i32
      %convert_element_type3A_295 = arith.extui %lt3A_294 : i1 to i32
      %cond3A_296 = arith.constant 0 : i32
      %cond3A_297 = arith.cmpi ne, %convert_element_type3A_295, %cond3A_296 : i32
      scf.if %cond3A_297 {
        %add3A_298 = arith.constant 5 : i32
        %add3A_299 = arith.addi %mul3A_79, %add3A_298 : i32
        %add3A_300 = arith.constant 4 : i32
        %add3A_301 = arith.addi %add3A_299, %add3A_300 : i32
        %mul3A_302 = arith.constant 200 : i32
        %mul3A_303 = arith.muli %add3A_301, %mul3A_302 : i32
        %dma_start3A_304 = arith.constant 4 : i32
        %dma_start3A_305 = arith.constant 0 : i32
        %dma_start3A_306 = arith.constant 0 : i32
        %dma_start3A_307 = tpu.memref_slice %arg8[%dma_start3A_304, %dma_start3A_305, %dma_start3A_306] : memref<5x200x64xf32, #tpu.memory_space<vmem>> -> memref<1x200x64xf32, #tpu.memory_space<vmem>>
        %dma_start3A_308 = tpu.memref_squeeze %dma_start3A_307 : memref<1x200x64xf32, #tpu.memory_space<vmem>> -> memref<200x64xf32, #tpu.memory_space<vmem>>
        %dma_start3A_309 = tpu.memref_slice %arg6[%mul3A_303] : memref<10000xi32, #tpu.memory_space<vmem>> -> memref<200xi32, #tpu.memory_space<vmem>>
        %dma_start3A_310 = arith.constant 0 : i32
        %dma_start3A_311 = arith.constant 0 : i32
        %dma_start3A_312 = tpu.memref_slice %arg2[%dma_start3A_310, %dma_start3A_311] : memref<10000x64xf32, #tpu.memory_space<hbm>> -> memref<10000x64xf32, #tpu.memory_space<hbm>>
        tpu.enqueue_indirect_dma source(%dma_start3A_312 : memref<10000x64xf32, #tpu.memory_space<hbm>>) target(%dma_start3A_308 : memref<200x64xf32, #tpu.memory_space<vmem>>) offsets(%dma_start3A_309 : memref<200xi32, #tpu.memory_space<vmem>>) semaphore(%arg14 : memref<!tpu.dma_semaphore, #tpu.memory_space<semaphore_mem>>)
      } else {
      }
    }
    %scan3A_65 = arith.constant 10 : i32
    %barrier3A_66 = arith.constant 0 : index
    tpu.barrier barrier_id(%barrier3A_66)
    %mul3A_67 = arith.constant 640 : i32
    %mul3A_68 = arith.muli %arg1, %mul3A_67 : i32
    %mul3A_69 = arith.constant 640 : i32
    %mul3A_70 = arith.muli %arg1, %mul3A_69 : i32
    %mul3A_71 = arith.constant 64 : i32
    %mul3A_72 = arith.muli %arg0, %mul3A_71 : i32
    "tpu.region"() ({
      %run_scoped3A_73 = tpu.sem_alloc : memref<!tpu.dma_semaphore, #tpu.memory_space<semaphore_mem>>
      %dma_start3A_74 = tpu.memref_slice %arg5[%mul3A_70, %mul3A_72] : memref<10240x128xf32, #tpu.memory_space<hbm>> -> memref<640x64xf32, #tpu.memory_space<hbm>>
      %dma_start3A_75 = arith.constant 0 : i32
      %dma_start3A_76 = tpu.memref_slice %arg9[%mul3A_68, %dma_start3A_75] : memref<10240x64xf32, #tpu.memory_space<vmem_shared>> -> memref<640x64xf32, #tpu.memory_space<vmem_shared>>
      tpu.enqueue_dma source(%dma_start3A_76 : memref<640x64xf32, #tpu.memory_space<vmem_shared>>) target(%dma_start3A_74 : memref<640x64xf32, #tpu.memory_space<hbm>>) target_semaphore(%run_scoped3A_73 : memref<!tpu.dma_semaphore, #tpu.memory_space<semaphore_mem>>)
      %dma_wait3A = tpu.memref_slice %arg5[%mul3A_70, %mul3A_72] : memref<10240x128xf32, #tpu.memory_space<hbm>> -> memref<640x64xf32, #tpu.memory_space<hbm>>
      %dma_wait3A_77 = arith.constant 0 : i32
      %dma_wait3A_78 = tpu.memref_slice %arg9[%mul3A_68, %dma_wait3A_77] : memref<10240x64xf32, #tpu.memory_space<vmem_shared>> -> memref<640x64xf32, #tpu.memory_space<vmem_shared>>
      tpu.wait_dma2 semaphore(%run_scoped3A_73 : memref<!tpu.dma_semaphore, #tpu.memory_space<semaphore_mem>>) src(%dma_wait3A_78 : memref<640x64xf32, #tpu.memory_space<vmem_shared>>) dst(%dma_wait3A : memref<640x64xf32, #tpu.memory_space<hbm>>)
      tpu.yield
    }) : () -> ()
    return
  }
}

#map = affine_map<(d0, d1) -> (0, 0)>
module attributes {stable_mosaic.version = 14 : i64} {
  func.func @body(%arg0: i32, %arg1: i32, %arg2: memref<10000x64xf32, #tpu.memory_space<hbm>>, %arg3: memref<2x320000xi32, #tpu.memory_space<hbm>>, %arg4: memref<10240x64xf32, #tpu.memory_space<hbm>>, %arg5: memref<10240x128xf32, #tpu.memory_space<hbm>>, %arg6: memref<10000xi32, #tpu.memory_space<vmem>>, %arg7: memref<10000xi32, #tpu.memory_space<vmem>>, %arg8: memref<5x200x64xf32, #tpu.memory_space<vmem>>, %arg9: memref<10240x64xf32, #tpu.memory_space<vmem_shared>>, %arg10: memref<!tpu.dma_semaphore, #tpu.memory_space<semaphore_mem>>, %arg11: memref<!tpu.dma_semaphore, #tpu.memory_space<semaphore_mem>>, %arg12: memref<!tpu.dma_semaphore, #tpu.memory_space<semaphore_mem>>, %arg13: memref<!tpu.dma_semaphore, #tpu.memory_space<semaphore_mem>>, %arg14: memref<!tpu.dma_semaphore, #tpu.memory_space<semaphore_mem>>, %arg15: memref<!tpu.dma_semaphore, #tpu.memory_space<semaphore_mem>>, %arg16: memref<!tpu.dma_semaphore, #tpu.memory_space<semaphore_mem>>, %arg17: memref<!tpu.dma_semaphore, #tpu.memory_space<semaphore_mem>>, %arg18: memref<!tpu.dma_semaphore, #tpu.memory_space<semaphore_mem>>, %arg19: memref<!tpu.dma_semaphore, #tpu.memory_space<semaphore_mem>>) attributes {dimension_semantics = [#tpu.dimension_semantics<core_parallel>, #tpu.dimension_semantics<subcore_parallel>], iteration_bounds = array<i64: 2, 16>, scalar_prefetch = 0 : i64, scratch_operands = 14 : i64, tpu.core_type = #tpu.core_type<sc_vector_subcore>, window_params = [{transform_indices = #map}, {transform_indices = #map}, {transform_indices = #map}, {transform_indices = #map}]} {
    %mul3A = arith.constant 16 : i32
    %mul3A_0 = arith.muli %arg0, %mul3A : i32
    %add3A = arith.addi %mul3A_0, %arg1 : i32
    %mul3A_1 = arith.constant 10000 : i32
    %mul3A_2 = arith.muli %add3A, %mul3A_1 : i32
    %run_scoped3A = arith.constant 0 : i32
    "tpu.region"() ({
      %run_scoped3A_73 = tpu.sem_alloc : memref<!tpu.dma_semaphore, #tpu.memory_space<semaphore_mem>>
      %dma_start3A_74 = tpu.memref_slice %arg3[%run_scoped3A, %mul3A_2] : memref<2x320000xi32, #tpu.memory_space<hbm>> -> memref<1x10000xi32, #tpu.memory_space<hbm>>
      %dma_start3A_75 = tpu.memref_squeeze %dma_start3A_74 : memref<1x10000xi32, #tpu.memory_space<hbm>> -> memref<10000xi32, #tpu.memory_space<hbm>>
      %dma_start3A_76 = tpu.memref_slice %arg3[%run_scoped3A, %mul3A_2] : memref<2x320000xi32, #tpu.memory_space<hbm>> -> memref<1x10000xi32, #tpu.memory_space<hbm>>
      %dma_start3A_77 = tpu.memref_squeeze %dma_start3A_76 : memref<1x10000xi32, #tpu.memory_space<hbm>> -> memref<10000xi32, #tpu.memory_space<hbm>>
      tpu.enqueue_dma source(%dma_start3A_77 : memref<10000xi32, #tpu.memory_space<hbm>>) target(%arg6 : memref<10000xi32, #tpu.memory_space<vmem>>) target_semaphore(%run_scoped3A_73 : memref<!tpu.dma_semaphore, #tpu.memory_space<semaphore_mem>>)
      %dma_wait3A = tpu.memref_slice %arg3[%run_scoped3A, %mul3A_2] : memref<2x320000xi32, #tpu.memory_space<hbm>> -> memref<1x10000xi32, #tpu.memory_space<hbm>>
      %dma_wait3A_78 = tpu.memref_squeeze %dma_wait3A : memref<1x10000xi32, #tpu.memory_space<hbm>> -> memref<10000xi32, #tpu.memory_space<hbm>>
      %dma_wait3A_79 = tpu.memref_slice %arg3[%run_scoped3A, %mul3A_2] : memref<2x320000xi32, #tpu.memory_space<hbm>> -> memref<1x10000xi32, #tpu.memory_space<hbm>>
      %dma_wait3A_80 = tpu.memref_squeeze %dma_wait3A_79 : memref<1x10000xi32, #tpu.memory_space<hbm>> -> memref<10000xi32, #tpu.memory_space<hbm>>
      tpu.wait_dma2 semaphore(%run_scoped3A_73 : memref<!tpu.dma_semaphore, #tpu.memory_space<semaphore_mem>>) src(%dma_wait3A_80 : memref<10000xi32, #tpu.memory_space<hbm>>) dst(%arg6 : memref<10000xi32, #tpu.memory_space<vmem>>)
      tpu.yield
    }) : () -> ()
    %mul3A_3 = arith.constant 10000 : i32
    %mul3A_4 = arith.muli %add3A, %mul3A_3 : i32
    %run_scoped3A_5 = arith.constant 1 : i32
    "tpu.region"() ({
      %run_scoped3A_73 = tpu.sem_alloc : memref<!tpu.dma_semaphore, #tpu.memory_space<semaphore_mem>>
      %dma_start3A_74 = tpu.memref_slice %arg3[%run_scoped3A_5, %mul3A_4] : memref<2x320000xi32, #tpu.memory_space<hbm>> -> memref<1x10000xi32, #tpu.memory_space<hbm>>
      %dma_start3A_75 = tpu.memref_squeeze %dma_start3A_74 : memref<1x10000xi32, #tpu.memory_space<hbm>> -> memref<10000xi32, #tpu.memory_space<hbm>>
      %dma_start3A_76 = tpu.memref_slice %arg3[%run_scoped3A_5, %mul3A_4] : memref<2x320000xi32, #tpu.memory_space<hbm>> -> memref<1x10000xi32, #tpu.memory_space<hbm>>
      %dma_start3A_77 = tpu.memref_squeeze %dma_start3A_76 : memref<1x10000xi32, #tpu.memory_space<hbm>> -> memref<10000xi32, #tpu.memory_space<hbm>>
      tpu.enqueue_dma source(%dma_start3A_77 : memref<10000xi32, #tpu.memory_space<hbm>>) target(%arg7 : memref<10000xi32, #tpu.memory_space<vmem>>) target_semaphore(%run_scoped3A_73 : memref<!tpu.dma_semaphore, #tpu.memory_space<semaphore_mem>>)
      %dma_wait3A = tpu.memref_slice %arg3[%run_scoped3A_5, %mul3A_4] : memref<2x320000xi32, #tpu.memory_space<hbm>> -> memref<1x10000xi32, #tpu.memory_space<hbm>>
      %dma_wait3A_78 = tpu.memref_squeeze %dma_wait3A : memref<1x10000xi32, #tpu.memory_space<hbm>> -> memref<10000xi32, #tpu.memory_space<hbm>>
      %dma_wait3A_79 = tpu.memref_slice %arg3[%run_scoped3A_5, %mul3A_4] : memref<2x320000xi32, #tpu.memory_space<hbm>> -> memref<1x10000xi32, #tpu.memory_space<hbm>>
      %dma_wait3A_80 = tpu.memref_squeeze %dma_wait3A_79 : memref<1x10000xi32, #tpu.memory_space<hbm>> -> memref<10000xi32, #tpu.memory_space<hbm>>
      tpu.wait_dma2 semaphore(%run_scoped3A_73 : memref<!tpu.dma_semaphore, #tpu.memory_space<semaphore_mem>>) src(%dma_wait3A_80 : memref<10000xi32, #tpu.memory_space<hbm>>) dst(%arg7 : memref<10000xi32, #tpu.memory_space<vmem>>)
      tpu.yield
    }) : () -> ()
    %eq3A = arith.constant 0 : i32
    %eq3A_6 = arith.cmpi eq, %arg0, %eq3A : i32
    %convert_element_type3A = arith.extui %eq3A_6 : i1 to i32
    %cond3A = arith.constant 0 : i32
    %cond3A_7 = arith.cmpi ne, %convert_element_type3A, %cond3A : i32
    scf.if %cond3A_7 {
      %lt3A = arith.constant 15 : i32
      %lt3A_73 = arith.cmpi slt, %arg1, %lt3A : i32
      %convert_element_type3A_74 = arith.extui %lt3A_73 : i1 to i32
      %cond3A_75 = arith.constant 0 : i32
      %cond3A_76 = arith.cmpi ne, %convert_element_type3A_74, %cond3A_75 : i32
      scf.if %cond3A_76 {
        %mul3A_82 = arith.constant 640 : i32
        %mul3A_83 = arith.muli %arg1, %mul3A_82 : i32
        %mul3A_84 = arith.constant 640 : i32
        %mul3A_85 = arith.muli %arg1, %mul3A_84 : i32
        "tpu.region"() ({
          %run_scoped3A_86 = tpu.sem_alloc : memref<!tpu.dma_semaphore, #tpu.memory_space<semaphore_mem>>
          %dma_start3A_87 = arith.constant 0 : i32
          %dma_start3A_88 = tpu.memref_slice %arg9[%mul3A_85, %dma_start3A_87] : memref<10240x64xf32, #tpu.memory_space<vmem_shared>> -> memref<640x64xf32, #tpu.memory_space<vmem_shared>>
          %dma_start3A_89 = arith.constant 0 : i32
          %dma_start3A_90 = tpu.memref_slice %arg2[%mul3A_83, %dma_start3A_89] : memref<10000x64xf32, #tpu.memory_space<hbm>> -> memref<640x64xf32, #tpu.memory_space<hbm>>
          tpu.enqueue_dma source(%dma_start3A_90 : memref<640x64xf32, #tpu.memory_space<hbm>>) target(%dma_start3A_88 : memref<640x64xf32, #tpu.memory_space<vmem_shared>>) target_semaphore(%run_scoped3A_86 : memref<!tpu.dma_semaphore, #tpu.memory_space<semaphore_mem>>)
          %dma_wait3A = arith.constant 0 : i32
          %dma_wait3A_91 = tpu.memref_slice %arg9[%mul3A_85, %dma_wait3A] : memref<10240x64xf32, #tpu.memory_space<vmem_shared>> -> memref<640x64xf32, #tpu.memory_space<vmem_shared>>
          %dma_wait3A_92 = arith.constant 0 : i32
          %dma_wait3A_93 = tpu.memref_slice %arg2[%mul3A_83, %dma_wait3A_92] : memref<10000x64xf32, #tpu.memory_space<hbm>> -> memref<640x64xf32, #tpu.memory_space<hbm>>
          tpu.wait_dma2 semaphore(%run_scoped3A_86 : memref<!tpu.dma_semaphore, #tpu.memory_space<semaphore_mem>>) src(%dma_wait3A_93 : memref<640x64xf32, #tpu.memory_space<hbm>>) dst(%dma_wait3A_91 : memref<640x64xf32, #tpu.memory_space<vmem_shared>>)
          tpu.yield
        }) : () -> ()
      } else {
      }
      %eq3A_77 = arith.constant 15 : i32
      %eq3A_78 = arith.cmpi eq, %arg1, %eq3A_77 : i32
      %convert_element_type3A_79 = arith.extui %eq3A_78 : i1 to i32
      %cond3A_80 = arith.constant 0 : i32
      %cond3A_81 = arith.cmpi ne, %convert_element_type3A_79, %cond3A_80 : i32
      scf.if %cond3A_81 {
        "tpu.region"() ({
          %run_scoped3A_82 = tpu.sem_alloc : memref<!tpu.dma_semaphore, #tpu.memory_space<semaphore_mem>>
          %dma_start3A_83 = arith.constant 9600 : i32
          %dma_start3A_84 = arith.constant 0 : i32
          %dma_start3A_85 = tpu.memref_slice %arg9[%dma_start3A_83, %dma_start3A_84] : memref<10240x64xf32, #tpu.memory_space<vmem_shared>> -> memref<400x64xf32, #tpu.memory_space<vmem_shared>>
          %dma_start3A_86 = arith.constant 9600 : i32
          %dma_start3A_87 = arith.constant 0 : i32
          %dma_start3A_88 = tpu.memref_slice %arg2[%dma_start3A_86, %dma_start3A_87] : memref<10000x64xf32, #tpu.memory_space<hbm>> -> memref<400x64xf32, #tpu.memory_space<hbm>>
          tpu.enqueue_dma source(%dma_start3A_88 : memref<400x64xf32, #tpu.memory_space<hbm>>) target(%dma_start3A_85 : memref<400x64xf32, #tpu.memory_space<vmem_shared>>) target_semaphore(%run_scoped3A_82 : memref<!tpu.dma_semaphore, #tpu.memory_space<semaphore_mem>>)
          %dma_wait3A = arith.constant 9600 : i32
          %dma_wait3A_89 = arith.constant 0 : i32
          %dma_wait3A_90 = tpu.memref_slice %arg9[%dma_wait3A, %dma_wait3A_89] : memref<10240x64xf32, #tpu.memory_space<vmem_shared>> -> memref<400x64xf32, #tpu.memory_space<vmem_shared>>
          %dma_wait3A_91 = arith.constant 9600 : i32
          %dma_wait3A_92 = arith.constant 0 : i32
          %dma_wait3A_93 = tpu.memref_slice %arg2[%dma_wait3A_91, %dma_wait3A_92] : memref<10000x64xf32, #tpu.memory_space<hbm>> -> memref<400x64xf32, #tpu.memory_space<hbm>>
          tpu.wait_dma2 semaphore(%run_scoped3A_82 : memref<!tpu.dma_semaphore, #tpu.memory_space<semaphore_mem>>) src(%dma_wait3A_93 : memref<400x64xf32, #tpu.memory_space<hbm>>) dst(%dma_wait3A_90 : memref<400x64xf32, #tpu.memory_space<vmem_shared>>)
          tpu.yield
        }) : () -> ()
        "tpu.region"() ({
          %run_scoped3A_82 = tpu.sem_alloc : memref<!tpu.dma_semaphore, #tpu.memory_space<semaphore_mem>>
          %dma_start3A_83 = arith.constant 10000 : i32
          %dma_start3A_84 = arith.constant 0 : i32
          %dma_start3A_85 = tpu.memref_slice %arg9[%dma_start3A_83, %dma_start3A_84] : memref<10240x64xf32, #tpu.memory_space<vmem_shared>> -> memref<240x64xf32, #tpu.memory_space<vmem_shared>>
          %dma_start3A_86 = arith.constant 10000 : i32
          %dma_start3A_87 = arith.constant 0 : i32
          %dma_start3A_88 = tpu.memref_slice %arg4[%dma_start3A_86, %dma_start3A_87] : memref<10240x64xf32, #tpu.memory_space<hbm>> -> memref<240x64xf32, #tpu.memory_space<hbm>>
          tpu.enqueue_dma source(%dma_start3A_88 : memref<240x64xf32, #tpu.memory_space<hbm>>) target(%dma_start3A_85 : memref<240x64xf32, #tpu.memory_space<vmem_shared>>) target_semaphore(%run_scoped3A_82 : memref<!tpu.dma_semaphore, #tpu.memory_space<semaphore_mem>>)
          %dma_wait3A = arith.constant 10000 : i32
          %dma_wait3A_89 = arith.constant 0 : i32
          %dma_wait3A_90 = tpu.memref_slice %arg9[%dma_wait3A, %dma_wait3A_89] : memref<10240x64xf32, #tpu.memory_space<vmem_shared>> -> memref<240x64xf32, #tpu.memory_space<vmem_shared>>
          %dma_wait3A_91 = arith.constant 10000 : i32
          %dma_wait3A_92 = arith.constant 0 : i32
          %dma_wait3A_93 = tpu.memref_slice %arg4[%dma_wait3A_91, %dma_wait3A_92] : memref<10240x64xf32, #tpu.memory_space<hbm>> -> memref<240x64xf32, #tpu.memory_space<hbm>>
          tpu.wait_dma2 semaphore(%run_scoped3A_82 : memref<!tpu.dma_semaphore, #tpu.memory_space<semaphore_mem>>) src(%dma_wait3A_93 : memref<240x64xf32, #tpu.memory_space<hbm>>) dst(%dma_wait3A_90 : memref<240x64xf32, #tpu.memory_space<vmem_shared>>)
          tpu.yield
        }) : () -> ()
      } else {
      }
    } else {
    }
    %eq3A_8 = arith.constant 1 : i32
    %eq3A_9 = arith.cmpi eq, %arg0, %eq3A_8 : i32
    %convert_element_type3A_10 = arith.extui %eq3A_9 : i1 to i32
    %cond3A_11 = arith.constant 0 : i32
    %cond3A_12 = arith.cmpi ne, %convert_element_type3A_10, %cond3A_11 : i32
    scf.if %cond3A_12 {
      %mul3A_73 = arith.constant 640 : i32
      %mul3A_74 = arith.muli %arg1, %mul3A_73 : i32
      %mul3A_75 = arith.constant 640 : i32
      %mul3A_76 = arith.muli %arg1, %mul3A_75 : i32
      "tpu.region"() ({
        %run_scoped3A_77 = tpu.sem_alloc : memref<!tpu.dma_semaphore, #tpu.memory_space<semaphore_mem>>
        %dma_start3A_78 = arith.constant 0 : i32
        %dma_start3A_79 = tpu.memref_slice %arg9[%mul3A_76, %dma_start3A_78] : memref<10240x64xf32, #tpu.memory_space<vmem_shared>> -> memref<640x64xf32, #tpu.memory_space<vmem_shared>>
        %dma_start3A_80 = arith.constant 0 : i32
        %dma_start3A_81 = tpu.memref_slice %arg4[%mul3A_74, %dma_start3A_80] : memref<10240x64xf32, #tpu.memory_space<hbm>> -> memref<640x64xf32, #tpu.memory_space<hbm>>
        tpu.enqueue_dma source(%dma_start3A_81 : memref<640x64xf32, #tpu.memory_space<hbm>>) target(%dma_start3A_79 : memref<640x64xf32, #tpu.memory_space<vmem_shared>>) target_semaphore(%run_scoped3A_77 : memref<!tpu.dma_semaphore, #tpu.memory_space<semaphore_mem>>)
        %dma_wait3A = arith.constant 0 : i32
        %dma_wait3A_82 = tpu.memref_slice %arg9[%mul3A_76, %dma_wait3A] : memref<10240x64xf32, #tpu.memory_space<vmem_shared>> -> memref<640x64xf32, #tpu.memory_space<vmem_shared>>
        %dma_wait3A_83 = arith.constant 0 : i32
        %dma_wait3A_84 = tpu.memref_slice %arg4[%mul3A_74, %dma_wait3A_83] : memref<10240x64xf32, #tpu.memory_space<hbm>> -> memref<640x64xf32, #tpu.memory_space<hbm>>
        tpu.wait_dma2 semaphore(%run_scoped3A_77 : memref<!tpu.dma_semaphore, #tpu.memory_space<semaphore_mem>>) src(%dma_wait3A_84 : memref<640x64xf32, #tpu.memory_space<hbm>>) dst(%dma_wait3A_82 : memref<640x64xf32, #tpu.memory_space<vmem_shared>>)
        tpu.yield
      }) : () -> ()
    } else {
    }
    %barrier3A = arith.constant 0 : index
    tpu.barrier barrier_id(%barrier3A)
    %dma_start3A = arith.constant 0 : i32
    %dma_start3A_13 = arith.constant 0 : i32
    %dma_start3A_14 = arith.constant 0 : i32
    %dma_start3A_15 = tpu.memref_slice %arg8[%dma_start3A, %dma_start3A_13, %dma_start3A_14] : memref<5x200x64xf32, #tpu.memory_space<vmem>> -> memref<1x200x64xf32, #tpu.memory_space<vmem>>
    %dma_start3A_16 = tpu.memref_squeeze %dma_start3A_15 : memref<1x200x64xf32, #tpu.memory_space<vmem>> -> memref<200x64xf32, #tpu.memory_space<vmem>>
    %dma_start3A_17 = arith.constant 0 : i32
    %dma_start3A_18 = tpu.memref_slice %arg6[%dma_start3A_17] : memref<10000xi32, #tpu.memory_space<vmem>> -> memref<200xi32, #tpu.memory_space<vmem>>
    %dma_start3A_19 = arith.constant 0 : i32
    %dma_start3A_20 = arith.constant 0 : i32
    %dma_start3A_21 = tpu.memref_slice %arg2[%dma_start3A_19, %dma_start3A_20] : memref<10000x64xf32, #tpu.memory_space<hbm>> -> memref<10000x64xf32, #tpu.memory_space<hbm>>
    tpu.enqueue_indirect_dma source(%dma_start3A_21 : memref<10000x64xf32, #tpu.memory_space<hbm>>) target(%dma_start3A_16 : memref<200x64xf32, #tpu.memory_space<vmem>>) offsets(%dma_start3A_18 : memref<200xi32, #tpu.memory_space<vmem>>) semaphore(%arg10 : memref<!tpu.dma_semaphore, #tpu.memory_space<semaphore_mem>>)
    %dma_start3A_22 = arith.constant 1 : i32
    %dma_start3A_23 = arith.constant 0 : i32
    %dma_start3A_24 = arith.constant 0 : i32
    %dma_start3A_25 = tpu.memref_slice %arg8[%dma_start3A_22, %dma_start3A_23, %dma_start3A_24] : memref<5x200x64xf32, #tpu.memory_space<vmem>> -> memref<1x200x64xf32, #tpu.memory_space<vmem>>
    %dma_start3A_26 = tpu.memref_squeeze %dma_start3A_25 : memref<1x200x64xf32, #tpu.memory_space<vmem>> -> memref<200x64xf32, #tpu.memory_space<vmem>>
    %dma_start3A_27 = arith.constant 200 : i32
    %dma_start3A_28 = tpu.memref_slice %arg6[%dma_start3A_27] : memref<10000xi32, #tpu.memory_space<vmem>> -> memref<200xi32, #tpu.memory_space<vmem>>
    %dma_start3A_29 = arith.constant 0 : i32
    %dma_start3A_30 = arith.constant 0 : i32
    %dma_start3A_31 = tpu.memref_slice %arg2[%dma_start3A_29, %dma_start3A_30] : memref<10000x64xf32, #tpu.memory_space<hbm>> -> memref<10000x64xf32, #tpu.memory_space<hbm>>
    tpu.enqueue_indirect_dma source(%dma_start3A_31 : memref<10000x64xf32, #tpu.memory_space<hbm>>) target(%dma_start3A_26 : memref<200x64xf32, #tpu.memory_space<vmem>>) offsets(%dma_start3A_28 : memref<200xi32, #tpu.memory_space<vmem>>) semaphore(%arg11 : memref<!tpu.dma_semaphore, #tpu.memory_space<semaphore_mem>>)
    %dma_start3A_32 = arith.constant 2 : i32
    %dma_start3A_33 = arith.constant 0 : i32
    %dma_start3A_34 = arith.constant 0 : i32
    %dma_start3A_35 = tpu.memref_slice %arg8[%dma_start3A_32, %dma_start3A_33, %dma_start3A_34] : memref<5x200x64xf32, #tpu.memory_space<vmem>> -> memref<1x200x64xf32, #tpu.memory_space<vmem>>
    %dma_start3A_36 = tpu.memref_squeeze %dma_start3A_35 : memref<1x200x64xf32, #tpu.memory_space<vmem>> -> memref<200x64xf32, #tpu.memory_space<vmem>>
    %dma_start3A_37 = arith.constant 400 : i32
    %dma_start3A_38 = tpu.memref_slice %arg6[%dma_start3A_37] : memref<10000xi32, #tpu.memory_space<vmem>> -> memref<200xi32, #tpu.memory_space<vmem>>
    %dma_start3A_39 = arith.constant 0 : i32
    %dma_start3A_40 = arith.constant 0 : i32
    %dma_start3A_41 = tpu.memref_slice %arg2[%dma_start3A_39, %dma_start3A_40] : memref<10000x64xf32, #tpu.memory_space<hbm>> -> memref<10000x64xf32, #tpu.memory_space<hbm>>
    tpu.enqueue_indirect_dma source(%dma_start3A_41 : memref<10000x64xf32, #tpu.memory_space<hbm>>) target(%dma_start3A_36 : memref<200x64xf32, #tpu.memory_space<vmem>>) offsets(%dma_start3A_38 : memref<200xi32, #tpu.memory_space<vmem>>) semaphore(%arg12 : memref<!tpu.dma_semaphore, #tpu.memory_space<semaphore_mem>>)
    %dma_start3A_42 = arith.constant 3 : i32
    %dma_start3A_43 = arith.constant 0 : i32
    %dma_start3A_44 = arith.constant 0 : i32
    %dma_start3A_45 = tpu.memref_slice %arg8[%dma_start3A_42, %dma_start3A_43, %dma_start3A_44] : memref<5x200x64xf32, #tpu.memory_space<vmem>> -> memref<1x200x64xf32, #tpu.memory_space<vmem>>
    %dma_start3A_46 = tpu.memref_squeeze %dma_start3A_45 : memref<1x200x64xf32, #tpu.memory_space<vmem>> -> memref<200x64xf32, #tpu.memory_space<vmem>>
    %dma_start3A_47 = arith.constant 600 : i32
    %dma_start3A_48 = tpu.memref_slice %arg6[%dma_start3A_47] : memref<10000xi32, #tpu.memory_space<vmem>> -> memref<200xi32, #tpu.memory_space<vmem>>
    %dma_start3A_49 = arith.constant 0 : i32
    %dma_start3A_50 = arith.constant 0 : i32
    %dma_start3A_51 = tpu.memref_slice %arg2[%dma_start3A_49, %dma_start3A_50] : memref<10000x64xf32, #tpu.memory_space<hbm>> -> memref<10000x64xf32, #tpu.memory_space<hbm>>
    tpu.enqueue_indirect_dma source(%dma_start3A_51 : memref<10000x64xf32, #tpu.memory_space<hbm>>) target(%dma_start3A_46 : memref<200x64xf32, #tpu.memory_space<vmem>>) offsets(%dma_start3A_48 : memref<200xi32, #tpu.memory_space<vmem>>) semaphore(%arg13 : memref<!tpu.dma_semaphore, #tpu.memory_space<semaphore_mem>>)
    %dma_start3A_52 = arith.constant 4 : i32
    %dma_start3A_53 = arith.constant 0 : i32
    %dma_start3A_54 = arith.constant 0 : i32
    %dma_start3A_55 = tpu.memref_slice %arg8[%dma_start3A_52, %dma_start3A_53, %dma_start3A_54] : memref<5x200x64xf32, #tpu.memory_space<vmem>> -> memref<1x200x64xf32, #tpu.memory_space<vmem>>
    %dma_start3A_56 = tpu.memref_squeeze %dma_start3A_55 : memref<1x200x64xf32, #tpu.memory_space<vmem>> -> memref<200x64xf32, #tpu.memory_space<vmem>>
    %dma_start3A_57 = arith.constant 800 : i32
    %dma_start3A_58 = tpu.memref_slice %arg6[%dma_start3A_57] : memref<10000xi32, #tpu.memory_space<vmem>> -> memref<200xi32, #tpu.memory_space<vmem>>
    %dma_start3A_59 = arith.constant 0 : i32
    %dma_start3A_60 = arith.constant 0 : i32
    %dma_start3A_61 = tpu.memref_slice %arg2[%dma_start3A_59, %dma_start3A_60] : memref<10000x64xf32, #tpu.memory_space<hbm>> -> memref<10000x64xf32, #tpu.memory_space<hbm>>
    tpu.enqueue_indirect_dma source(%dma_start3A_61 : memref<10000x64xf32, #tpu.memory_space<hbm>>) target(%dma_start3A_56 : memref<200x64xf32, #tpu.memory_space<vmem>>) offsets(%dma_start3A_58 : memref<200xi32, #tpu.memory_space<vmem>>) semaphore(%arg14 : memref<!tpu.dma_semaphore, #tpu.memory_space<semaphore_mem>>)
    %scan3A = arith.constant 0 : i32
    %scan3A_62 = arith.constant 10 : i32
    %scan3A_63 = arith.addi %scan3A, %scan3A_62 : i32
    %scan3A_64 = arith.constant 1 : i32
    scf.for %scan3A_73 = %scan3A to %scan3A_63 step %scan3A_64  : i32 {
      %mul3A_74 = arith.constant 1 : i32
      %mul3A_75 = arith.muli %scan3A_73, %mul3A_74 : i32
      %add3A_76 = arith.constant 0 : i32
      %add3A_77 = arith.addi %add3A_76, %mul3A_75 : i32
      %mul3A_78 = arith.constant 5 : i32
      %mul3A_79 = arith.muli %add3A_77, %mul3A_78 : i32
      %add3A_80 = arith.constant 0 : i32
      %add3A_81 = arith.addi %mul3A_79, %add3A_80 : i32
      %mul3A_82 = arith.constant 200 : i32
      %mul3A_83 = arith.muli %add3A_81, %mul3A_82 : i32
      %dma_wait3A = arith.constant 0 : i32
      %dma_wait3A_84 = arith.constant 0 : i32
      %dma_wait3A_85 = arith.constant 0 : i32
      %dma_wait3A_86 = tpu.memref_slice %arg8[%dma_wait3A, %dma_wait3A_84, %dma_wait3A_85] : memref<5x200x64xf32, #tpu.memory_space<vmem>> -> memref<1x200x64xf32, #tpu.memory_space<vmem>>
      %dma_wait3A_87 = tpu.memref_squeeze %dma_wait3A_86 : memref<1x200x64xf32, #tpu.memory_space<vmem>> -> memref<200x64xf32, #tpu.memory_space<vmem>>
      %dma_wait3A_88 = tpu.memref_slice %arg6[%mul3A_83] : memref<10000xi32, #tpu.memory_space<vmem>> -> memref<200xi32, #tpu.memory_space<vmem>>
      %dma_wait3A_89 = arith.constant 0 : i32
      %dma_wait3A_90 = arith.constant 0 : i32
      %dma_wait3A_91 = tpu.memref_slice %arg2[%dma_wait3A_89, %dma_wait3A_90] : memref<10000x64xf32, #tpu.memory_space<hbm>> -> memref<10000x64xf32, #tpu.memory_space<hbm>>
      tpu.wait_indirect_dma semaphore(%arg10 : memref<!tpu.dma_semaphore, #tpu.memory_space<semaphore_mem>>) src(%dma_wait3A_91 : memref<10000x64xf32, #tpu.memory_space<hbm>>) dst(%dma_wait3A_87 : memref<200x64xf32, #tpu.memory_space<vmem>>)
      %add3A_92 = arith.constant 0 : i32
      %add3A_93 = arith.addi %mul3A_79, %add3A_92 : i32
      %mul3A_94 = arith.constant 200 : i32
      %mul3A_95 = arith.muli %add3A_93, %mul3A_94 : i32
      %dma_start3A_96 = arith.constant 0 : i32
      %dma_start3A_97 = arith.constant 0 : i32
      %dma_start3A_98 = arith.constant 0 : i32
      %dma_start3A_99 = tpu.memref_slice %arg8[%dma_start3A_96, %dma_start3A_97, %dma_start3A_98] : memref<5x200x64xf32, #tpu.memory_space<vmem>> -> memref<1x200x64xf32, #tpu.memory_space<vmem>>
      %dma_start3A_100 = tpu.memref_squeeze %dma_start3A_99 : memref<1x200x64xf32, #tpu.memory_space<vmem>> -> memref<200x64xf32, #tpu.memory_space<vmem>>
      %dma_start3A_101 = tpu.memref_slice %arg7[%mul3A_95] : memref<10000xi32, #tpu.memory_space<vmem>> -> memref<200xi32, #tpu.memory_space<vmem>>
      %dma_start3A_102 = arith.constant 0 : i32
      %dma_start3A_103 = arith.constant 0 : i32
      %dma_start3A_104 = tpu.memref_slice %arg9[%dma_start3A_102, %dma_start3A_103] : memref<10240x64xf32, #tpu.memory_space<vmem_shared>> -> memref<10240x64xf32, #tpu.memory_space<vmem_shared>>
      tpu.enqueue_indirect_dma source(%dma_start3A_100 : memref<200x64xf32, #tpu.memory_space<vmem>>) target(%dma_start3A_104 : memref<10240x64xf32, #tpu.memory_space<vmem_shared>>) offsets(%dma_start3A_101 : memref<200xi32, #tpu.memory_space<vmem>>) semaphore(%arg15 : memref<!tpu.dma_semaphore, #tpu.memory_space<semaphore_mem>>) {add = true}
      %add3A_105 = arith.constant 1 : i32
      %add3A_106 = arith.addi %mul3A_79, %add3A_105 : i32
      %mul3A_107 = arith.constant 200 : i32
      %mul3A_108 = arith.muli %add3A_106, %mul3A_107 : i32
      %dma_wait3A_109 = arith.constant 1 : i32
      %dma_wait3A_110 = arith.constant 0 : i32
      %dma_wait3A_111 = arith.constant 0 : i32
      %dma_wait3A_112 = tpu.memref_slice %arg8[%dma_wait3A_109, %dma_wait3A_110, %dma_wait3A_111] : memref<5x200x64xf32, #tpu.memory_space<vmem>> -> memref<1x200x64xf32, #tpu.memory_space<vmem>>
      %dma_wait3A_113 = tpu.memref_squeeze %dma_wait3A_112 : memref<1x200x64xf32, #tpu.memory_space<vmem>> -> memref<200x64xf32, #tpu.memory_space<vmem>>
      %dma_wait3A_114 = tpu.memref_slice %arg6[%mul3A_108] : memref<10000xi32, #tpu.memory_space<vmem>> -> memref<200xi32, #tpu.memory_space<vmem>>
      %dma_wait3A_115 = arith.constant 0 : i32
      %dma_wait3A_116 = arith.constant 0 : i32
      %dma_wait3A_117 = tpu.memref_slice %arg2[%dma_wait3A_115, %dma_wait3A_116] : memref<10000x64xf32, #tpu.memory_space<hbm>> -> memref<10000x64xf32, #tpu.memory_space<hbm>>
      tpu.wait_indirect_dma semaphore(%arg11 : memref<!tpu.dma_semaphore, #tpu.memory_space<semaphore_mem>>) src(%dma_wait3A_117 : memref<10000x64xf32, #tpu.memory_space<hbm>>) dst(%dma_wait3A_113 : memref<200x64xf32, #tpu.memory_space<vmem>>)
      %add3A_118 = arith.constant 1 : i32
      %add3A_119 = arith.addi %mul3A_79, %add3A_118 : i32
      %mul3A_120 = arith.constant 200 : i32
      %mul3A_121 = arith.muli %add3A_119, %mul3A_120 : i32
      %dma_start3A_122 = arith.constant 1 : i32
      %dma_start3A_123 = arith.constant 0 : i32
      %dma_start3A_124 = arith.constant 0 : i32
      %dma_start3A_125 = tpu.memref_slice %arg8[%dma_start3A_122, %dma_start3A_123, %dma_start3A_124] : memref<5x200x64xf32, #tpu.memory_space<vmem>> -> memref<1x200x64xf32, #tpu.memory_space<vmem>>
      %dma_start3A_126 = tpu.memref_squeeze %dma_start3A_125 : memref<1x200x64xf32, #tpu.memory_space<vmem>> -> memref<200x64xf32, #tpu.memory_space<vmem>>
      %dma_start3A_127 = tpu.memref_slice %arg7[%mul3A_121] : memref<10000xi32, #tpu.memory_space<vmem>> -> memref<200xi32, #tpu.memory_space<vmem>>
      %dma_start3A_128 = arith.constant 0 : i32
      %dma_start3A_129 = arith.constant 0 : i32
      %dma_start3A_130 = tpu.memref_slice %arg9[%dma_start3A_128, %dma_start3A_129] : memref<10240x64xf32, #tpu.memory_space<vmem_shared>> -> memref<10240x64xf32, #tpu.memory_space<vmem_shared>>
      tpu.enqueue_indirect_dma source(%dma_start3A_126 : memref<200x64xf32, #tpu.memory_space<vmem>>) target(%dma_start3A_130 : memref<10240x64xf32, #tpu.memory_space<vmem_shared>>) offsets(%dma_start3A_127 : memref<200xi32, #tpu.memory_space<vmem>>) semaphore(%arg16 : memref<!tpu.dma_semaphore, #tpu.memory_space<semaphore_mem>>) {add = true}
      %add3A_131 = arith.constant 2 : i32
      %add3A_132 = arith.addi %mul3A_79, %add3A_131 : i32
      %mul3A_133 = arith.constant 200 : i32
      %mul3A_134 = arith.muli %add3A_132, %mul3A_133 : i32
      %dma_wait3A_135 = arith.constant 2 : i32
      %dma_wait3A_136 = arith.constant 0 : i32
      %dma_wait3A_137 = arith.constant 0 : i32
      %dma_wait3A_138 = tpu.memref_slice %arg8[%dma_wait3A_135, %dma_wait3A_136, %dma_wait3A_137] : memref<5x200x64xf32, #tpu.memory_space<vmem>> -> memref<1x200x64xf32, #tpu.memory_space<vmem>>
      %dma_wait3A_139 = tpu.memref_squeeze %dma_wait3A_138 : memref<1x200x64xf32, #tpu.memory_space<vmem>> -> memref<200x64xf32, #tpu.memory_space<vmem>>
      %dma_wait3A_140 = tpu.memref_slice %arg6[%mul3A_134] : memref<10000xi32, #tpu.memory_space<vmem>> -> memref<200xi32, #tpu.memory_space<vmem>>
      %dma_wait3A_141 = arith.constant 0 : i32
      %dma_wait3A_142 = arith.constant 0 : i32
      %dma_wait3A_143 = tpu.memref_slice %arg2[%dma_wait3A_141, %dma_wait3A_142] : memref<10000x64xf32, #tpu.memory_space<hbm>> -> memref<10000x64xf32, #tpu.memory_space<hbm>>
      tpu.wait_indirect_dma semaphore(%arg12 : memref<!tpu.dma_semaphore, #tpu.memory_space<semaphore_mem>>) src(%dma_wait3A_143 : memref<10000x64xf32, #tpu.memory_space<hbm>>) dst(%dma_wait3A_139 : memref<200x64xf32, #tpu.memory_space<vmem>>)
      %add3A_144 = arith.constant 2 : i32
      %add3A_145 = arith.addi %mul3A_79, %add3A_144 : i32
      %mul3A_146 = arith.constant 200 : i32
      %mul3A_147 = arith.muli %add3A_145, %mul3A_146 : i32
      %dma_start3A_148 = arith.constant 2 : i32
      %dma_start3A_149 = arith.constant 0 : i32
      %dma_start3A_150 = arith.constant 0 : i32
      %dma_start3A_151 = tpu.memref_slice %arg8[%dma_start3A_148, %dma_start3A_149, %dma_start3A_150] : memref<5x200x64xf32, #tpu.memory_space<vmem>> -> memref<1x200x64xf32, #tpu.memory_space<vmem>>
      %dma_start3A_152 = tpu.memref_squeeze %dma_start3A_151 : memref<1x200x64xf32, #tpu.memory_space<vmem>> -> memref<200x64xf32, #tpu.memory_space<vmem>>
      %dma_start3A_153 = tpu.memref_slice %arg7[%mul3A_147] : memref<10000xi32, #tpu.memory_space<vmem>> -> memref<200xi32, #tpu.memory_space<vmem>>
      %dma_start3A_154 = arith.constant 0 : i32
      %dma_start3A_155 = arith.constant 0 : i32
      %dma_start3A_156 = tpu.memref_slice %arg9[%dma_start3A_154, %dma_start3A_155] : memref<10240x64xf32, #tpu.memory_space<vmem_shared>> -> memref<10240x64xf32, #tpu.memory_space<vmem_shared>>
      tpu.enqueue_indirect_dma source(%dma_start3A_152 : memref<200x64xf32, #tpu.memory_space<vmem>>) target(%dma_start3A_156 : memref<10240x64xf32, #tpu.memory_space<vmem_shared>>) offsets(%dma_start3A_153 : memref<200xi32, #tpu.memory_space<vmem>>) semaphore(%arg17 : memref<!tpu.dma_semaphore, #tpu.memory_space<semaphore_mem>>) {add = true}
      %add3A_157 = arith.constant 3 : i32
      %add3A_158 = arith.addi %mul3A_79, %add3A_157 : i32
      %mul3A_159 = arith.constant 200 : i32
      %mul3A_160 = arith.muli %add3A_158, %mul3A_159 : i32
      %dma_wait3A_161 = arith.constant 3 : i32
      %dma_wait3A_162 = arith.constant 0 : i32
      %dma_wait3A_163 = arith.constant 0 : i32
      %dma_wait3A_164 = tpu.memref_slice %arg8[%dma_wait3A_161, %dma_wait3A_162, %dma_wait3A_163] : memref<5x200x64xf32, #tpu.memory_space<vmem>> -> memref<1x200x64xf32, #tpu.memory_space<vmem>>
      %dma_wait3A_165 = tpu.memref_squeeze %dma_wait3A_164 : memref<1x200x64xf32, #tpu.memory_space<vmem>> -> memref<200x64xf32, #tpu.memory_space<vmem>>
      %dma_wait3A_166 = tpu.memref_slice %arg6[%mul3A_160] : memref<10000xi32, #tpu.memory_space<vmem>> -> memref<200xi32, #tpu.memory_space<vmem>>
      %dma_wait3A_167 = arith.constant 0 : i32
      %dma_wait3A_168 = arith.constant 0 : i32
      %dma_wait3A_169 = tpu.memref_slice %arg2[%dma_wait3A_167, %dma_wait3A_168] : memref<10000x64xf32, #tpu.memory_space<hbm>> -> memref<10000x64xf32, #tpu.memory_space<hbm>>
      tpu.wait_indirect_dma semaphore(%arg13 : memref<!tpu.dma_semaphore, #tpu.memory_space<semaphore_mem>>) src(%dma_wait3A_169 : memref<10000x64xf32, #tpu.memory_space<hbm>>) dst(%dma_wait3A_165 : memref<200x64xf32, #tpu.memory_space<vmem>>)
      %add3A_170 = arith.constant 3 : i32
      %add3A_171 = arith.addi %mul3A_79, %add3A_170 : i32
      %mul3A_172 = arith.constant 200 : i32
      %mul3A_173 = arith.muli %add3A_171, %mul3A_172 : i32
      %dma_start3A_174 = arith.constant 3 : i32
      %dma_start3A_175 = arith.constant 0 : i32
      %dma_start3A_176 = arith.constant 0 : i32
      %dma_start3A_177 = tpu.memref_slice %arg8[%dma_start3A_174, %dma_start3A_175, %dma_start3A_176] : memref<5x200x64xf32, #tpu.memory_space<vmem>> -> memref<1x200x64xf32, #tpu.memory_space<vmem>>
      %dma_start3A_178 = tpu.memref_squeeze %dma_start3A_177 : memref<1x200x64xf32, #tpu.memory_space<vmem>> -> memref<200x64xf32, #tpu.memory_space<vmem>>
      %dma_start3A_179 = tpu.memref_slice %arg7[%mul3A_173] : memref<10000xi32, #tpu.memory_space<vmem>> -> memref<200xi32, #tpu.memory_space<vmem>>
      %dma_start3A_180 = arith.constant 0 : i32
      %dma_start3A_181 = arith.constant 0 : i32
      %dma_start3A_182 = tpu.memref_slice %arg9[%dma_start3A_180, %dma_start3A_181] : memref<10240x64xf32, #tpu.memory_space<vmem_shared>> -> memref<10240x64xf32, #tpu.memory_space<vmem_shared>>
      tpu.enqueue_indirect_dma source(%dma_start3A_178 : memref<200x64xf32, #tpu.memory_space<vmem>>) target(%dma_start3A_182 : memref<10240x64xf32, #tpu.memory_space<vmem_shared>>) offsets(%dma_start3A_179 : memref<200xi32, #tpu.memory_space<vmem>>) semaphore(%arg18 : memref<!tpu.dma_semaphore, #tpu.memory_space<semaphore_mem>>) {add = true}
      %add3A_183 = arith.constant 4 : i32
      %add3A_184 = arith.addi %mul3A_79, %add3A_183 : i32
      %mul3A_185 = arith.constant 200 : i32
      %mul3A_186 = arith.muli %add3A_184, %mul3A_185 : i32
      %dma_wait3A_187 = arith.constant 4 : i32
      %dma_wait3A_188 = arith.constant 0 : i32
      %dma_wait3A_189 = arith.constant 0 : i32
      %dma_wait3A_190 = tpu.memref_slice %arg8[%dma_wait3A_187, %dma_wait3A_188, %dma_wait3A_189] : memref<5x200x64xf32, #tpu.memory_space<vmem>> -> memref<1x200x64xf32, #tpu.memory_space<vmem>>
      %dma_wait3A_191 = tpu.memref_squeeze %dma_wait3A_190 : memref<1x200x64xf32, #tpu.memory_space<vmem>> -> memref<200x64xf32, #tpu.memory_space<vmem>>
      %dma_wait3A_192 = tpu.memref_slice %arg6[%mul3A_186] : memref<10000xi32, #tpu.memory_space<vmem>> -> memref<200xi32, #tpu.memory_space<vmem>>
      %dma_wait3A_193 = arith.constant 0 : i32
      %dma_wait3A_194 = arith.constant 0 : i32
      %dma_wait3A_195 = tpu.memref_slice %arg2[%dma_wait3A_193, %dma_wait3A_194] : memref<10000x64xf32, #tpu.memory_space<hbm>> -> memref<10000x64xf32, #tpu.memory_space<hbm>>
      tpu.wait_indirect_dma semaphore(%arg14 : memref<!tpu.dma_semaphore, #tpu.memory_space<semaphore_mem>>) src(%dma_wait3A_195 : memref<10000x64xf32, #tpu.memory_space<hbm>>) dst(%dma_wait3A_191 : memref<200x64xf32, #tpu.memory_space<vmem>>)
      %add3A_196 = arith.constant 4 : i32
      %add3A_197 = arith.addi %mul3A_79, %add3A_196 : i32
      %mul3A_198 = arith.constant 200 : i32
      %mul3A_199 = arith.muli %add3A_197, %mul3A_198 : i32
      %dma_start3A_200 = arith.constant 4 : i32
      %dma_start3A_201 = arith.constant 0 : i32
      %dma_start3A_202 = arith.constant 0 : i32
      %dma_start3A_203 = tpu.memref_slice %arg8[%dma_start3A_200, %dma_start3A_201, %dma_start3A_202] : memref<5x200x64xf32, #tpu.memory_space<vmem>> -> memref<1x200x64xf32, #tpu.memory_space<vmem>>
      %dma_start3A_204 = tpu.memref_squeeze %dma_start3A_203 : memref<1x200x64xf32, #tpu.memory_space<vmem>> -> memref<200x64xf32, #tpu.memory_space<vmem>>
      %dma_start3A_205 = tpu.memref_slice %arg7[%mul3A_199] : memref<10000xi32, #tpu.memory_space<vmem>> -> memref<200xi32, #tpu.memory_space<vmem>>
      %dma_start3A_206 = arith.constant 0 : i32
      %dma_start3A_207 = arith.constant 0 : i32
      %dma_start3A_208 = tpu.memref_slice %arg9[%dma_start3A_206, %dma_start3A_207] : memref<10240x64xf32, #tpu.memory_space<vmem_shared>> -> memref<10240x64xf32, #tpu.memory_space<vmem_shared>>
      tpu.enqueue_indirect_dma source(%dma_start3A_204 : memref<200x64xf32, #tpu.memory_space<vmem>>) target(%dma_start3A_208 : memref<10240x64xf32, #tpu.memory_space<vmem_shared>>) offsets(%dma_start3A_205 : memref<200xi32, #tpu.memory_space<vmem>>) semaphore(%arg19 : memref<!tpu.dma_semaphore, #tpu.memory_space<semaphore_mem>>) {add = true}
      %dma_wait3A_209 = arith.constant 0 : i32
      %dma_wait3A_210 = arith.constant 0 : i32
      %dma_wait3A_211 = arith.constant 0 : i32
      %dma_wait3A_212 = tpu.memref_slice %arg8[%dma_wait3A_209, %dma_wait3A_210, %dma_wait3A_211] : memref<5x200x64xf32, #tpu.memory_space<vmem>> -> memref<1x200x64xf32, #tpu.memory_space<vmem>>
      %dma_wait3A_213 = tpu.memref_squeeze %dma_wait3A_212 : memref<1x200x64xf32, #tpu.memory_space<vmem>> -> memref<200x64xf32, #tpu.memory_space<vmem>>
      %dma_wait3A_214 = tpu.memref_slice %arg7[%mul3A_95] : memref<10000xi32, #tpu.memory_space<vmem>> -> memref<200xi32, #tpu.memory_space<vmem>>
      %dma_wait3A_215 = arith.constant 0 : i32
      %dma_wait3A_216 = arith.constant 0 : i32
      %dma_wait3A_217 = tpu.memref_slice %arg9[%dma_wait3A_215, %dma_wait3A_216] : memref<10240x64xf32, #tpu.memory_space<vmem_shared>> -> memref<10240x64xf32, #tpu.memory_space<vmem_shared>>
      tpu.wait_indirect_dma semaphore(%arg15 : memref<!tpu.dma_semaphore, #tpu.memory_space<semaphore_mem>>) src(%dma_wait3A_213 : memref<200x64xf32, #tpu.memory_space<vmem>>) dst(%dma_wait3A_217 : memref<10240x64xf32, #tpu.memory_space<vmem_shared>>)
      %add3A_218 = arith.constant 5 : i32
      %add3A_219 = arith.addi %mul3A_79, %add3A_218 : i32
      %add3A_220 = arith.constant 0 : i32
      %add3A_221 = arith.addi %add3A_219, %add3A_220 : i32
      %lt3A = arith.constant 50 : i32
      %lt3A_222 = arith.cmpi slt, %add3A_221, %lt3A : i32
      %convert_element_type3A_223 = arith.extui %lt3A_222 : i1 to i32
      %cond3A_224 = arith.constant 0 : i32
      %cond3A_225 = arith.cmpi ne, %convert_element_type3A_223, %cond3A_224 : i32
      scf.if %cond3A_225 {
        %add3A_298 = arith.constant 5 : i32
        %add3A_299 = arith.addi %mul3A_79, %add3A_298 : i32
        %add3A_300 = arith.constant 0 : i32
        %add3A_301 = arith.addi %add3A_299, %add3A_300 : i32
        %mul3A_302 = arith.constant 200 : i32
        %mul3A_303 = arith.muli %add3A_301, %mul3A_302 : i32
        %dma_start3A_304 = arith.constant 0 : i32
        %dma_start3A_305 = arith.constant 0 : i32
        %dma_start3A_306 = arith.constant 0 : i32
        %dma_start3A_307 = tpu.memref_slice %arg8[%dma_start3A_304, %dma_start3A_305, %dma_start3A_306] : memref<5x200x64xf32, #tpu.memory_space<vmem>> -> memref<1x200x64xf32, #tpu.memory_space<vmem>>
        %dma_start3A_308 = tpu.memref_squeeze %dma_start3A_307 : memref<1x200x64xf32, #tpu.memory_space<vmem>> -> memref<200x64xf32, #tpu.memory_space<vmem>>
        %dma_start3A_309 = tpu.memref_slice %arg6[%mul3A_303] : memref<10000xi32, #tpu.memory_space<vmem>> -> memref<200xi32, #tpu.memory_space<vmem>>
        %dma_start3A_310 = arith.constant 0 : i32
        %dma_start3A_311 = arith.constant 0 : i32
        %dma_start3A_312 = tpu.memref_slice %arg2[%dma_start3A_310, %dma_start3A_311] : memref<10000x64xf32, #tpu.memory_space<hbm>> -> memref<10000x64xf32, #tpu.memory_space<hbm>>
        tpu.enqueue_indirect_dma source(%dma_start3A_312 : memref<10000x64xf32, #tpu.memory_space<hbm>>) target(%dma_start3A_308 : memref<200x64xf32, #tpu.memory_space<vmem>>) offsets(%dma_start3A_309 : memref<200xi32, #tpu.memory_space<vmem>>) semaphore(%arg10 : memref<!tpu.dma_semaphore, #tpu.memory_space<semaphore_mem>>)
      } else {
      }
      %dma_wait3A_226 = arith.constant 1 : i32
      %dma_wait3A_227 = arith.constant 0 : i32
      %dma_wait3A_228 = arith.constant 0 : i32
      %dma_wait3A_229 = tpu.memref_slice %arg8[%dma_wait3A_226, %dma_wait3A_227, %dma_wait3A_228] : memref<5x200x64xf32, #tpu.memory_space<vmem>> -> memref<1x200x64xf32, #tpu.memory_space<vmem>>
      %dma_wait3A_230 = tpu.memref_squeeze %dma_wait3A_229 : memref<1x200x64xf32, #tpu.memory_space<vmem>> -> memref<200x64xf32, #tpu.memory_space<vmem>>
      %dma_wait3A_231 = tpu.memref_slice %arg7[%mul3A_121] : memref<10000xi32, #tpu.memory_space<vmem>> -> memref<200xi32, #tpu.memory_space<vmem>>
      %dma_wait3A_232 = arith.constant 0 : i32
      %dma_wait3A_233 = arith.constant 0 : i32
      %dma_wait3A_234 = tpu.memref_slice %arg9[%dma_wait3A_232, %dma_wait3A_233] : memref<10240x64xf32, #tpu.memory_space<vmem_shared>> -> memref<10240x64xf32, #tpu.memory_space<vmem_shared>>
      tpu.wait_indirect_dma semaphore(%arg16 : memref<!tpu.dma_semaphore, #tpu.memory_space<semaphore_mem>>) src(%dma_wait3A_230 : memref<200x64xf32, #tpu.memory_space<vmem>>) dst(%dma_wait3A_234 : memref<10240x64xf32, #tpu.memory_space<vmem_shared>>)
      %add3A_235 = arith.constant 5 : i32
      %add3A_236 = arith.addi %mul3A_79, %add3A_235 : i32
      %add3A_237 = arith.constant 1 : i32
      %add3A_238 = arith.addi %add3A_236, %add3A_237 : i32
      %lt3A_239 = arith.constant 50 : i32
      %lt3A_240 = arith.cmpi slt, %add3A_238, %lt3A_239 : i32
      %convert_element_type3A_241 = arith.extui %lt3A_240 : i1 to i32
      %cond3A_242 = arith.constant 0 : i32
      %cond3A_243 = arith.cmpi ne, %convert_element_type3A_241, %cond3A_242 : i32
      scf.if %cond3A_243 {
        %add3A_298 = arith.constant 5 : i32
        %add3A_299 = arith.addi %mul3A_79, %add3A_298 : i32
        %add3A_300 = arith.constant 1 : i32
        %add3A_301 = arith.addi %add3A_299, %add3A_300 : i32
        %mul3A_302 = arith.constant 200 : i32
        %mul3A_303 = arith.muli %add3A_301, %mul3A_302 : i32
        %dma_start3A_304 = arith.constant 1 : i32
        %dma_start3A_305 = arith.constant 0 : i32
        %dma_start3A_306 = arith.constant 0 : i32
        %dma_start3A_307 = tpu.memref_slice %arg8[%dma_start3A_304, %dma_start3A_305, %dma_start3A_306] : memref<5x200x64xf32, #tpu.memory_space<vmem>> -> memref<1x200x64xf32, #tpu.memory_space<vmem>>
        %dma_start3A_308 = tpu.memref_squeeze %dma_start3A_307 : memref<1x200x64xf32, #tpu.memory_space<vmem>> -> memref<200x64xf32, #tpu.memory_space<vmem>>
        %dma_start3A_309 = tpu.memref_slice %arg6[%mul3A_303] : memref<10000xi32, #tpu.memory_space<vmem>> -> memref<200xi32, #tpu.memory_space<vmem>>
        %dma_start3A_310 = arith.constant 0 : i32
        %dma_start3A_311 = arith.constant 0 : i32
        %dma_start3A_312 = tpu.memref_slice %arg2[%dma_start3A_310, %dma_start3A_311] : memref<10000x64xf32, #tpu.memory_space<hbm>> -> memref<10000x64xf32, #tpu.memory_space<hbm>>
        tpu.enqueue_indirect_dma source(%dma_start3A_312 : memref<10000x64xf32, #tpu.memory_space<hbm>>) target(%dma_start3A_308 : memref<200x64xf32, #tpu.memory_space<vmem>>) offsets(%dma_start3A_309 : memref<200xi32, #tpu.memory_space<vmem>>) semaphore(%arg11 : memref<!tpu.dma_semaphore, #tpu.memory_space<semaphore_mem>>)
      } else {
      }
      %dma_wait3A_244 = arith.constant 2 : i32
      %dma_wait3A_245 = arith.constant 0 : i32
      %dma_wait3A_246 = arith.constant 0 : i32
      %dma_wait3A_247 = tpu.memref_slice %arg8[%dma_wait3A_244, %dma_wait3A_245, %dma_wait3A_246] : memref<5x200x64xf32, #tpu.memory_space<vmem>> -> memref<1x200x64xf32, #tpu.memory_space<vmem>>
      %dma_wait3A_248 = tpu.memref_squeeze %dma_wait3A_247 : memref<1x200x64xf32, #tpu.memory_space<vmem>> -> memref<200x64xf32, #tpu.memory_space<vmem>>
      %dma_wait3A_249 = tpu.memref_slice %arg7[%mul3A_147] : memref<10000xi32, #tpu.memory_space<vmem>> -> memref<200xi32, #tpu.memory_space<vmem>>
      %dma_wait3A_250 = arith.constant 0 : i32
      %dma_wait3A_251 = arith.constant 0 : i32
      %dma_wait3A_252 = tpu.memref_slice %arg9[%dma_wait3A_250, %dma_wait3A_251] : memref<10240x64xf32, #tpu.memory_space<vmem_shared>> -> memref<10240x64xf32, #tpu.memory_space<vmem_shared>>
      tpu.wait_indirect_dma semaphore(%arg17 : memref<!tpu.dma_semaphore, #tpu.memory_space<semaphore_mem>>) src(%dma_wait3A_248 : memref<200x64xf32, #tpu.memory_space<vmem>>) dst(%dma_wait3A_252 : memref<10240x64xf32, #tpu.memory_space<vmem_shared>>)
      %add3A_253 = arith.constant 5 : i32
      %add3A_254 = arith.addi %mul3A_79, %add3A_253 : i32
      %add3A_255 = arith.constant 2 : i32
      %add3A_256 = arith.addi %add3A_254, %add3A_255 : i32
      %lt3A_257 = arith.constant 50 : i32
      %lt3A_258 = arith.cmpi slt, %add3A_256, %lt3A_257 : i32
      %convert_element_type3A_259 = arith.extui %lt3A_258 : i1 to i32
      %cond3A_260 = arith.constant 0 : i32
      %cond3A_261 = arith.cmpi ne, %convert_element_type3A_259, %cond3A_260 : i32
      scf.if %cond3A_261 {
        %add3A_298 = arith.constant 5 : i32
        %add3A_299 = arith.addi %mul3A_79, %add3A_298 : i32
        %add3A_300 = arith.constant 2 : i32
        %add3A_301 = arith.addi %add3A_299, %add3A_300 : i32
        %mul3A_302 = arith.constant 200 : i32
        %mul3A_303 = arith.muli %add3A_301, %mul3A_302 : i32
        %dma_start3A_304 = arith.constant 2 : i32
        %dma_start3A_305 = arith.constant 0 : i32
        %dma_start3A_306 = arith.constant 0 : i32
        %dma_start3A_307 = tpu.memref_slice %arg8[%dma_start3A_304, %dma_start3A_305, %dma_start3A_306] : memref<5x200x64xf32, #tpu.memory_space<vmem>> -> memref<1x200x64xf32, #tpu.memory_space<vmem>>
        %dma_start3A_308 = tpu.memref_squeeze %dma_start3A_307 : memref<1x200x64xf32, #tpu.memory_space<vmem>> -> memref<200x64xf32, #tpu.memory_space<vmem>>
        %dma_start3A_309 = tpu.memref_slice %arg6[%mul3A_303] : memref<10000xi32, #tpu.memory_space<vmem>> -> memref<200xi32, #tpu.memory_space<vmem>>
        %dma_start3A_310 = arith.constant 0 : i32
        %dma_start3A_311 = arith.constant 0 : i32
        %dma_start3A_312 = tpu.memref_slice %arg2[%dma_start3A_310, %dma_start3A_311] : memref<10000x64xf32, #tpu.memory_space<hbm>> -> memref<10000x64xf32, #tpu.memory_space<hbm>>
        tpu.enqueue_indirect_dma source(%dma_start3A_312 : memref<10000x64xf32, #tpu.memory_space<hbm>>) target(%dma_start3A_308 : memref<200x64xf32, #tpu.memory_space<vmem>>) offsets(%dma_start3A_309 : memref<200xi32, #tpu.memory_space<vmem>>) semaphore(%arg12 : memref<!tpu.dma_semaphore, #tpu.memory_space<semaphore_mem>>)
      } else {
      }
      %dma_wait3A_262 = arith.constant 3 : i32
      %dma_wait3A_263 = arith.constant 0 : i32
      %dma_wait3A_264 = arith.constant 0 : i32
      %dma_wait3A_265 = tpu.memref_slice %arg8[%dma_wait3A_262, %dma_wait3A_263, %dma_wait3A_264] : memref<5x200x64xf32, #tpu.memory_space<vmem>> -> memref<1x200x64xf32, #tpu.memory_space<vmem>>
      %dma_wait3A_266 = tpu.memref_squeeze %dma_wait3A_265 : memref<1x200x64xf32, #tpu.memory_space<vmem>> -> memref<200x64xf32, #tpu.memory_space<vmem>>
      %dma_wait3A_267 = tpu.memref_slice %arg7[%mul3A_173] : memref<10000xi32, #tpu.memory_space<vmem>> -> memref<200xi32, #tpu.memory_space<vmem>>
      %dma_wait3A_268 = arith.constant 0 : i32
      %dma_wait3A_269 = arith.constant 0 : i32
      %dma_wait3A_270 = tpu.memref_slice %arg9[%dma_wait3A_268, %dma_wait3A_269] : memref<10240x64xf32, #tpu.memory_space<vmem_shared>> -> memref<10240x64xf32, #tpu.memory_space<vmem_shared>>
      tpu.wait_indirect_dma semaphore(%arg18 : memref<!tpu.dma_semaphore, #tpu.memory_space<semaphore_mem>>) src(%dma_wait3A_266 : memref<200x64xf32, #tpu.memory_space<vmem>>) dst(%dma_wait3A_270 : memref<10240x64xf32, #tpu.memory_space<vmem_shared>>)
      %add3A_271 = arith.constant 5 : i32
      %add3A_272 = arith.addi %mul3A_79, %add3A_271 : i32
      %add3A_273 = arith.constant 3 : i32
      %add3A_274 = arith.addi %add3A_272, %add3A_273 : i32
      %lt3A_275 = arith.constant 50 : i32
      %lt3A_276 = arith.cmpi slt, %add3A_274, %lt3A_275 : i32
      %convert_element_type3A_277 = arith.extui %lt3A_276 : i1 to i32
      %cond3A_278 = arith.constant 0 : i32
      %cond3A_279 = arith.cmpi ne, %convert_element_type3A_277, %cond3A_278 : i32
      scf.if %cond3A_279 {
        %add3A_298 = arith.constant 5 : i32
        %add3A_299 = arith.addi %mul3A_79, %add3A_298 : i32
        %add3A_300 = arith.constant 3 : i32
        %add3A_301 = arith.addi %add3A_299, %add3A_300 : i32
        %mul3A_302 = arith.constant 200 : i32
        %mul3A_303 = arith.muli %add3A_301, %mul3A_302 : i32
        %dma_start3A_304 = arith.constant 3 : i32
        %dma_start3A_305 = arith.constant 0 : i32
        %dma_start3A_306 = arith.constant 0 : i32
        %dma_start3A_307 = tpu.memref_slice %arg8[%dma_start3A_304, %dma_start3A_305, %dma_start3A_306] : memref<5x200x64xf32, #tpu.memory_space<vmem>> -> memref<1x200x64xf32, #tpu.memory_space<vmem>>
        %dma_start3A_308 = tpu.memref_squeeze %dma_start3A_307 : memref<1x200x64xf32, #tpu.memory_space<vmem>> -> memref<200x64xf32, #tpu.memory_space<vmem>>
        %dma_start3A_309 = tpu.memref_slice %arg6[%mul3A_303] : memref<10000xi32, #tpu.memory_space<vmem>> -> memref<200xi32, #tpu.memory_space<vmem>>
        %dma_start3A_310 = arith.constant 0 : i32
        %dma_start3A_311 = arith.constant 0 : i32
        %dma_start3A_312 = tpu.memref_slice %arg2[%dma_start3A_310, %dma_start3A_311] : memref<10000x64xf32, #tpu.memory_space<hbm>> -> memref<10000x64xf32, #tpu.memory_space<hbm>>
        tpu.enqueue_indirect_dma source(%dma_start3A_312 : memref<10000x64xf32, #tpu.memory_space<hbm>>) target(%dma_start3A_308 : memref<200x64xf32, #tpu.memory_space<vmem>>) offsets(%dma_start3A_309 : memref<200xi32, #tpu.memory_space<vmem>>) semaphore(%arg13 : memref<!tpu.dma_semaphore, #tpu.memory_space<semaphore_mem>>)
      } else {
      }
      %dma_wait3A_280 = arith.constant 4 : i32
      %dma_wait3A_281 = arith.constant 0 : i32
      %dma_wait3A_282 = arith.constant 0 : i32
      %dma_wait3A_283 = tpu.memref_slice %arg8[%dma_wait3A_280, %dma_wait3A_281, %dma_wait3A_282] : memref<5x200x64xf32, #tpu.memory_space<vmem>> -> memref<1x200x64xf32, #tpu.memory_space<vmem>>
      %dma_wait3A_284 = tpu.memref_squeeze %dma_wait3A_283 : memref<1x200x64xf32, #tpu.memory_space<vmem>> -> memref<200x64xf32, #tpu.memory_space<vmem>>
      %dma_wait3A_285 = tpu.memref_slice %arg7[%mul3A_199] : memref<10000xi32, #tpu.memory_space<vmem>> -> memref<200xi32, #tpu.memory_space<vmem>>
      %dma_wait3A_286 = arith.constant 0 : i32
      %dma_wait3A_287 = arith.constant 0 : i32
      %dma_wait3A_288 = tpu.memref_slice %arg9[%dma_wait3A_286, %dma_wait3A_287] : memref<10240x64xf32, #tpu.memory_space<vmem_shared>> -> memref<10240x64xf32, #tpu.memory_space<vmem_shared>>
      tpu.wait_indirect_dma semaphore(%arg19 : memref<!tpu.dma_semaphore, #tpu.memory_space<semaphore_mem>>) src(%dma_wait3A_284 : memref<200x64xf32, #tpu.memory_space<vmem>>) dst(%dma_wait3A_288 : memref<10240x64xf32, #tpu.memory_space<vmem_shared>>)
      %add3A_289 = arith.constant 5 : i32
      %add3A_290 = arith.addi %mul3A_79, %add3A_289 : i32
      %add3A_291 = arith.constant 4 : i32
      %add3A_292 = arith.addi %add3A_290, %add3A_291 : i32
      %lt3A_293 = arith.constant 50 : i32
      %lt3A_294 = arith.cmpi slt, %add3A_292, %lt3A_293 : i32
      %convert_element_type3A_295 = arith.extui %lt3A_294 : i1 to i32
      %cond3A_296 = arith.constant 0 : i32
      %cond3A_297 = arith.cmpi ne, %convert_element_type3A_295, %cond3A_296 : i32
      scf.if %cond3A_297 {
        %add3A_298 = arith.constant 5 : i32
        %add3A_299 = arith.addi %mul3A_79, %add3A_298 : i32
        %add3A_300 = arith.constant 4 : i32
        %add3A_301 = arith.addi %add3A_299, %add3A_300 : i32
        %mul3A_302 = arith.constant 200 : i32
        %mul3A_303 = arith.muli %add3A_301, %mul3A_302 : i32
        %dma_start3A_304 = arith.constant 4 : i32
        %dma_start3A_305 = arith.constant 0 : i32
        %dma_start3A_306 = arith.constant 0 : i32
        %dma_start3A_307 = tpu.memref_slice %arg8[%dma_start3A_304, %dma_start3A_305, %dma_start3A_306] : memref<5x200x64xf32, #tpu.memory_space<vmem>> -> memref<1x200x64xf32, #tpu.memory_space<vmem>>
        %dma_start3A_308 = tpu.memref_squeeze %dma_start3A_307 : memref<1x200x64xf32, #tpu.memory_space<vmem>> -> memref<200x64xf32, #tpu.memory_space<vmem>>
        %dma_start3A_309 = tpu.memref_slice %arg6[%mul3A_303] : memref<10000xi32, #tpu.memory_space<vmem>> -> memref<200xi32, #tpu.memory_space<vmem>>
        %dma_start3A_310 = arith.constant 0 : i32
        %dma_start3A_311 = arith.constant 0 : i32
        %dma_start3A_312 = tpu.memref_slice %arg2[%dma_start3A_310, %dma_start3A_311] : memref<10000x64xf32, #tpu.memory_space<hbm>> -> memref<10000x64xf32, #tpu.memory_space<hbm>>
        tpu.enqueue_indirect_dma source(%dma_start3A_312 : memref<10000x64xf32, #tpu.memory_space<hbm>>) target(%dma_start3A_308 : memref<200x64xf32, #tpu.memory_space<vmem>>) offsets(%dma_start3A_309 : memref<200xi32, #tpu.memory_space<vmem>>) semaphore(%arg14 : memref<!tpu.dma_semaphore, #tpu.memory_space<semaphore_mem>>)
      } else {
      }
    }
    %scan3A_65 = arith.constant 10 : i32
    %barrier3A_66 = arith.constant 0 : index
    tpu.barrier barrier_id(%barrier3A_66)
    %mul3A_67 = arith.constant 640 : i32
    %mul3A_68 = arith.muli %arg1, %mul3A_67 : i32
    %mul3A_69 = arith.constant 640 : i32
    %mul3A_70 = arith.muli %arg1, %mul3A_69 : i32
    %mul3A_71 = arith.constant 64 : i32
    %mul3A_72 = arith.muli %arg0, %mul3A_71 : i32
    "tpu.region"() ({
      %run_scoped3A_73 = tpu.sem_alloc : memref<!tpu.dma_semaphore, #tpu.memory_space<semaphore_mem>>
      %dma_start3A_74 = tpu.memref_slice %arg5[%mul3A_70, %mul3A_72] : memref<10240x128xf32, #tpu.memory_space<hbm>> -> memref<640x64xf32, #tpu.memory_space<hbm>>
      %dma_start3A_75 = arith.constant 0 : i32
      %dma_start3A_76 = tpu.memref_slice %arg9[%mul3A_68, %dma_start3A_75] : memref<10240x64xf32, #tpu.memory_space<vmem_shared>> -> memref<640x64xf32, #tpu.memory_space<vmem_shared>>
      tpu.enqueue_dma source(%dma_start3A_76 : memref<640x64xf32, #tpu.memory_space<vmem_shared>>) target(%dma_start3A_74 : memref<640x64xf32, #tpu.memory_space<hbm>>) target_semaphore(%run_scoped3A_73 : memref<!tpu.dma_semaphore, #tpu.memory_space<semaphore_mem>>)
      %dma_wait3A = tpu.memref_slice %arg5[%mul3A_70, %mul3A_72] : memref<10240x128xf32, #tpu.memory_space<hbm>> -> memref<640x64xf32, #tpu.memory_space<hbm>>
      %dma_wait3A_77 = arith.constant 0 : i32
      %dma_wait3A_78 = tpu.memref_slice %arg9[%mul3A_68, %dma_wait3A_77] : memref<10240x64xf32, #tpu.memory_space<vmem_shared>> -> memref<640x64xf32, #tpu.memory_space<vmem_shared>>
      tpu.wait_dma2 semaphore(%run_scoped3A_73 : memref<!tpu.dma_semaphore, #tpu.memory_space<semaphore_mem>>) src(%dma_wait3A_78 : memref<640x64xf32, #tpu.memory_space<vmem_shared>>) dst(%dma_wait3A : memref<640x64xf32, #tpu.memory_space<hbm>>)
      tpu.yield
    }) : () -> ()
    return
  }
}

module attributes {stable_mosaic.version = 14 : i64} {
  func.func @_tc_a_body(%arg0: i32, %arg1: memref<5000x128xf32, #tpu.memory_space<vmem>>, %arg2: memref<5000x128xf32, #tpu.memory_space<vmem>>, %arg3: memref<128x64xf32, #tpu.memory_space<vmem>>, %arg4: memref<5000x64xf32, #tpu.memory_space<vmem>>, %arg5: memref<5000x1xf32, #tpu.memory_space<vmem>>) attributes {dimension_semantics = [#tpu.dimension_semantics<arbitrary>], iteration_bounds = array<i64: 2>, scalar_prefetch = 0 : i64, scratch_operands = 0 : i64, tpu.core_type = #tpu.core_type<tc>, window_params = [{transform_indices = @transform_0, window_bounds = array<i64: 5000, 128>}, {transform_indices = @transform_1, window_bounds = array<i64: 5000, 128>}, {pipeline_mode = #tpu.pipeline_mode<synchronous>, transform_indices = @transform_2, window_bounds = array<i64: 128, 64>}, {transform_indices = @transform_3, window_bounds = array<i64: 5000, 64>}, {transform_indices = @transform_4, window_bounds = array<i64: 5000, 1>}]} {
    %get3A = arith.constant 0 : index
    %get3A_0 = arith.constant 0 : index
    %get3A_1 = vector.load %arg1[%get3A, %get3A_0] : memref<5000x128xf32, #tpu.memory_space<vmem>>, vector<5000x1xf32>
    %get3A_2 = arith.constant 0 : index
    %get3A_3 = arith.constant 64 : index
    %get3A_4 = vector.load %arg1[%get3A_2, %get3A_3] : memref<5000x128xf32, #tpu.memory_space<vmem>>, vector<5000x1xf32>
    %add3A = arith.addf %get3A_1, %get3A_4 : vector<5000x1xf32>
    %add3A_5 = arith.constant 1.000000e+00 : f32
    %add3A_6 = vector.broadcast %add3A_5 : f32 to vector<5000x1xf32>
    %add3A_7 = arith.addf %add3A, %add3A_6 : vector<5000x1xf32>
    %rsqrt3A = math.rsqrt %add3A_7 : vector<5000x1xf32>
    %swap3A = arith.constant 0 : index
    %swap3A_8 = arith.constant 0 : index
    %swap3A_9 = vector.load %arg5[%swap3A, %swap3A_8] : memref<5000x1xf32, #tpu.memory_space<vmem>>, vector<5000x1xf32>
    tpu.vector_store %arg5[%swap3A, %swap3A_8], %rsqrt3A {strides = array<i32>} : memref<5000x1xf32, #tpu.memory_space<vmem>>, vector<5000x1xf32>,
    %get3A_10 = arith.constant 0 : index
    %get3A_11 = arith.constant 0 : index
    %get3A_12 = vector.load %arg2[%get3A_10, %get3A_11] : memref<5000x128xf32, #tpu.memory_space<vmem>>, vector<5000x128xf32>
    %mul3A = vector.broadcast %rsqrt3A : vector<5000x1xf32> to vector<5000x128xf32>
    %mul3A_13 = arith.mulf %get3A_12, %mul3A : vector<5000x128xf32>
    %get3A_14 = arith.constant 0 : index
    %get3A_15 = arith.constant 0 : index
    %get3A_16 = vector.load %arg3[%get3A_14, %get3A_15] : memref<128x64xf32, #tpu.memory_space<vmem>>, vector<128x64xf32>
    %dot_general3A = arith.constant dense<0.000000e+00> : vector<5000x64xf32>
    %dot_general3A_17 = tpu.matmul %mul3A_13, %get3A_16, %dot_general3A {dimension_numbers = #tpu.dot_dimension_numbers<[1], [0], [0], [1], [0, 0, 1, 1], [], []>, transpose_lhs_hint = false} : vector<5000x128xf32>, vector<128x64xf32>, vector<5000x64xf32> -> vector<5000x64xf32>
    %swap3A_18 = arith.constant 0 : index
    %swap3A_19 = arith.constant 0 : index
    %swap3A_20 = vector.load %arg4[%swap3A_18, %swap3A_19] : memref<5000x64xf32, #tpu.memory_space<vmem>>, vector<5000x64xf32>
    tpu.vector_store %arg4[%swap3A_18, %swap3A_19], %dot_general3A_17 {strides = array<i32>} : memref<5000x64xf32, #tpu.memory_space<vmem>>, vector<5000x64xf32>,
    return
  }
  func.func @transform_0(%arg0: i32) -> (i32, i32) {
    %c0_i32 = arith.constant 0 : i32
    %c0_i32_0 = arith.constant 0 : i32
    return %arg0, %c0_i32 : i32, i32
  }
  func.func @transform_1(%arg0: i32) -> (i32, i32) {
    %c0_i32 = arith.constant 0 : i32
    %c0_i32_0 = arith.constant 0 : i32
    return %arg0, %c0_i32 : i32, i32
  }
  func.func @transform_2(%arg0: i32) -> (i32, i32) {
    %c0_i32 = arith.constant 0 : i32
    %c0_i32_0 = arith.constant 0 : i32
    %c0_i32_1 = arith.constant 0 : i32
    return %c0_i32, %c0_i32_0 : i32, i32
  }
  func.func @transform_3(%arg0: i32) -> (i32, i32) {
    %c0_i32 = arith.constant 0 : i32
    %c0_i32_0 = arith.constant 0 : i32
    return %arg0, %c0_i32 : i32, i32
  }
  func.func @transform_4(%arg0: i32) -> (i32, i32) {
    %c0_i32 = arith.constant 0 : i32
    %c0_i32_0 = arith.constant 0 : i32
    return %arg0, %c0_i32 : i32, i32
  }
}

module attributes {stable_mosaic.version = 14 : i64} {
  func.func @_tc_mid_body(%arg0: i32, %arg1: memref<5000x128xf32, #tpu.memory_space<vmem>>, %arg2: memref<5000x1xf32, #tpu.memory_space<vmem>>, %arg3: memref<1x64xf32, #tpu.memory_space<vmem>>, %arg4: memref<64x64xf32, #tpu.memory_space<vmem>>, %arg5: memref<5000x64xf32, #tpu.memory_space<vmem>>) attributes {dimension_semantics = [#tpu.dimension_semantics<arbitrary>], iteration_bounds = array<i64: 2>, scalar_prefetch = 0 : i64, scratch_operands = 0 : i64, tpu.core_type = #tpu.core_type<tc>, window_params = [{transform_indices = @transform_0, window_bounds = array<i64: 5000, 128>}, {transform_indices = @transform_1, window_bounds = array<i64: 5000, 1>}, {pipeline_mode = #tpu.pipeline_mode<synchronous>, transform_indices = @transform_2, window_bounds = array<i64: 1, 64>}, {pipeline_mode = #tpu.pipeline_mode<synchronous>, transform_indices = @transform_3, window_bounds = array<i64: 64, 64>}, {transform_indices = @transform_4, window_bounds = array<i64: 5000, 64>}]} {
    %get3A = arith.constant 0 : index
    %get3A_0 = arith.constant 0 : index
    %get3A_1 = vector.load %arg2[%get3A, %get3A_0] : memref<5000x1xf32, #tpu.memory_space<vmem>>, vector<5000x1xf32>
    %get3A_2 = arith.constant 0 : index
    %get3A_3 = arith.constant 0 : index
    %get3A_4 = vector.load %arg1[%get3A_2, %get3A_3] : memref<5000x128xf32, #tpu.memory_space<vmem>>, vector<5000x64xf32>
    %get3A_5 = arith.constant 0 : index
    %get3A_6 = arith.constant 64 : index
    %get3A_7 = vector.load %arg1[%get3A_5, %get3A_6] : memref<5000x128xf32, #tpu.memory_space<vmem>>, vector<5000x64xf32>
    %add3A = arith.addf %get3A_4, %get3A_7 : vector<5000x64xf32>
    %mul3A = vector.broadcast %get3A_1 : vector<5000x1xf32> to vector<5000x64xf32>
    %mul3A_8 = arith.mulf %add3A, %mul3A : vector<5000x64xf32>
    %get3A_9 = arith.constant 0 : index
    %get3A_10 = arith.constant 0 : index
    %get3A_11 = vector.load %arg3[%get3A_9, %get3A_10] : memref<1x64xf32, #tpu.memory_space<vmem>>, vector<1x64xf32>
    %add3A_12 = vector.broadcast %get3A_11 : vector<1x64xf32> to vector<5000x64xf32>
    %add3A_13 = arith.addf %mul3A_8, %add3A_12 : vector<5000x64xf32>
    %max3A = arith.constant 0.000000e+00 : f32
    %max3A_14 = vector.broadcast %max3A : f32 to vector<5000x64xf32>
    %max3A_15 = arith.maximumf %add3A_13, %max3A_14 : vector<5000x64xf32>
    %mul3A_16 = vector.broadcast %get3A_1 : vector<5000x1xf32> to vector<5000x64xf32>
    %mul3A_17 = arith.mulf %max3A_15, %mul3A_16 : vector<5000x64xf32>
    %get3A_18 = arith.constant 0 : index
    %get3A_19 = arith.constant 0 : index
    %get3A_20 = vector.load %arg4[%get3A_18, %get3A_19] : memref<64x64xf32, #tpu.memory_space<vmem>>, vector<64x64xf32>
    %dot_general3A = arith.constant dense<0.000000e+00> : vector<5000x64xf32>
    %dot_general3A_21 = tpu.matmul %mul3A_17, %get3A_20, %dot_general3A {dimension_numbers = #tpu.dot_dimension_numbers<[1], [0], [0], [1], [0, 0, 1, 1], [], []>, transpose_lhs_hint = false} : vector<5000x64xf32>, vector<64x64xf32>, vector<5000x64xf32> -> vector<5000x64xf32>
    %swap3A = arith.constant 0 : index
    %swap3A_22 = arith.constant 0 : index
    %swap3A_23 = vector.load %arg5[%swap3A, %swap3A_22] : memref<5000x64xf32, #tpu.memory_space<vmem>>, vector<5000x64xf32>
    tpu.vector_store %arg5[%swap3A, %swap3A_22], %dot_general3A_21 {strides = array<i32>} : memref<5000x64xf32, #tpu.memory_space<vmem>>, vector<5000x64xf32>,
    return
  }
  func.func @transform_0(%arg0: i32) -> (i32, i32) {
    %c0_i32 = arith.constant 0 : i32
    %c0_i32_0 = arith.constant 0 : i32
    return %arg0, %c0_i32 : i32, i32
  }
  func.func @transform_1(%arg0: i32) -> (i32, i32) {
    %c0_i32 = arith.constant 0 : i32
    %c0_i32_0 = arith.constant 0 : i32
    return %arg0, %c0_i32 : i32, i32
  }
  func.func @transform_2(%arg0: i32) -> (i32, i32) {
    %c0_i32 = arith.constant 0 : i32
    %c0_i32_0 = arith.constant 0 : i32
    %c0_i32_1 = arith.constant 0 : i32
    return %c0_i32, %c0_i32_0 : i32, i32
  }
  func.func @transform_3(%arg0: i32) -> (i32, i32) {
    %c0_i32 = arith.constant 0 : i32
    %c0_i32_0 = arith.constant 0 : i32
    %c0_i32_1 = arith.constant 0 : i32
    return %c0_i32, %c0_i32_0 : i32, i32
  }
  func.func @transform_4(%arg0: i32) -> (i32, i32) {
    %c0_i32 = arith.constant 0 : i32
    %c0_i32_0 = arith.constant 0 : i32
    return %arg0, %c0_i32 : i32, i32
  }
}

module attributes {stable_mosaic.version = 14 : i64} {
  func.func @_tc_mid_body(%arg0: i32, %arg1: memref<5000x128xf32, #tpu.memory_space<vmem>>, %arg2: memref<5000x1xf32, #tpu.memory_space<vmem>>, %arg3: memref<1x64xf32, #tpu.memory_space<vmem>>, %arg4: memref<64x8xf32, #tpu.memory_space<vmem>>, %arg5: memref<5000x8xf32, #tpu.memory_space<vmem>>) attributes {dimension_semantics = [#tpu.dimension_semantics<arbitrary>], iteration_bounds = array<i64: 2>, scalar_prefetch = 0 : i64, scratch_operands = 0 : i64, tpu.core_type = #tpu.core_type<tc>, window_params = [{transform_indices = @transform_0, window_bounds = array<i64: 5000, 128>}, {transform_indices = @transform_1, window_bounds = array<i64: 5000, 1>}, {pipeline_mode = #tpu.pipeline_mode<synchronous>, transform_indices = @transform_2, window_bounds = array<i64: 1, 64>}, {pipeline_mode = #tpu.pipeline_mode<synchronous>, transform_indices = @transform_3, window_bounds = array<i64: 64, 8>}, {transform_indices = @transform_4, window_bounds = array<i64: 5000, 8>}]} {
    %get3A = arith.constant 0 : index
    %get3A_0 = arith.constant 0 : index
    %get3A_1 = vector.load %arg2[%get3A, %get3A_0] : memref<5000x1xf32, #tpu.memory_space<vmem>>, vector<5000x1xf32>
    %get3A_2 = arith.constant 0 : index
    %get3A_3 = arith.constant 0 : index
    %get3A_4 = vector.load %arg1[%get3A_2, %get3A_3] : memref<5000x128xf32, #tpu.memory_space<vmem>>, vector<5000x64xf32>
    %get3A_5 = arith.constant 0 : index
    %get3A_6 = arith.constant 64 : index
    %get3A_7 = vector.load %arg1[%get3A_5, %get3A_6] : memref<5000x128xf32, #tpu.memory_space<vmem>>, vector<5000x64xf32>
    %add3A = arith.addf %get3A_4, %get3A_7 : vector<5000x64xf32>
    %mul3A = vector.broadcast %get3A_1 : vector<5000x1xf32> to vector<5000x64xf32>
    %mul3A_8 = arith.mulf %add3A, %mul3A : vector<5000x64xf32>
    %get3A_9 = arith.constant 0 : index
    %get3A_10 = arith.constant 0 : index
    %get3A_11 = vector.load %arg3[%get3A_9, %get3A_10] : memref<1x64xf32, #tpu.memory_space<vmem>>, vector<1x64xf32>
    %add3A_12 = vector.broadcast %get3A_11 : vector<1x64xf32> to vector<5000x64xf32>
    %add3A_13 = arith.addf %mul3A_8, %add3A_12 : vector<5000x64xf32>
    %max3A = arith.constant 0.000000e+00 : f32
    %max3A_14 = vector.broadcast %max3A : f32 to vector<5000x64xf32>
    %max3A_15 = arith.maximumf %add3A_13, %max3A_14 : vector<5000x64xf32>
    %mul3A_16 = vector.broadcast %get3A_1 : vector<5000x1xf32> to vector<5000x64xf32>
    %mul3A_17 = arith.mulf %max3A_15, %mul3A_16 : vector<5000x64xf32>
    %get3A_18 = arith.constant 0 : index
    %get3A_19 = arith.constant 0 : index
    %get3A_20 = vector.load %arg4[%get3A_18, %get3A_19] : memref<64x8xf32, #tpu.memory_space<vmem>>, vector<64x8xf32>
    %dot_general3A = arith.constant dense<0.000000e+00> : vector<5000x8xf32>
    %dot_general3A_21 = tpu.matmul %mul3A_17, %get3A_20, %dot_general3A {dimension_numbers = #tpu.dot_dimension_numbers<[1], [0], [0], [1], [0, 0, 1, 1], [], []>, transpose_lhs_hint = false} : vector<5000x64xf32>, vector<64x8xf32>, vector<5000x8xf32> -> vector<5000x8xf32>
    %swap3A = arith.constant 0 : index
    %swap3A_22 = arith.constant 0 : index
    %swap3A_23 = vector.load %arg5[%swap3A, %swap3A_22] : memref<5000x8xf32, #tpu.memory_space<vmem>>, vector<5000x8xf32>
    tpu.vector_store %arg5[%swap3A, %swap3A_22], %dot_general3A_21 {strides = array<i32>} : memref<5000x8xf32, #tpu.memory_space<vmem>>, vector<5000x8xf32>,
    return
  }
  func.func @transform_0(%arg0: i32) -> (i32, i32) {
    %c0_i32 = arith.constant 0 : i32
    %c0_i32_0 = arith.constant 0 : i32
    return %arg0, %c0_i32 : i32, i32
  }
  func.func @transform_1(%arg0: i32) -> (i32, i32) {
    %c0_i32 = arith.constant 0 : i32
    %c0_i32_0 = arith.constant 0 : i32
    return %arg0, %c0_i32 : i32, i32
  }
  func.func @transform_2(%arg0: i32) -> (i32, i32) {
    %c0_i32 = arith.constant 0 : i32
    %c0_i32_0 = arith.constant 0 : i32
    %c0_i32_1 = arith.constant 0 : i32
    return %c0_i32, %c0_i32_0 : i32, i32
  }
  func.func @transform_3(%arg0: i32) -> (i32, i32) {
    %c0_i32 = arith.constant 0 : i32
    %c0_i32_0 = arith.constant 0 : i32
    %c0_i32_1 = arith.constant 0 : i32
    return %c0_i32, %c0_i32_0 : i32, i32
  }
  func.func @transform_4(%arg0: i32) -> (i32, i32) {
    %c0_i32 = arith.constant 0 : i32
    %c0_i32_0 = arith.constant 0 : i32
    return %arg0, %c0_i32 : i32, i32
  }
}

module attributes {stable_mosaic.version = 14 : i64} {
  func.func @_tc_d_body(%arg0: i32, %arg1: memref<5000x128xf32, #tpu.memory_space<vmem>>, %arg2: memref<5000x1xf32, #tpu.memory_space<vmem>>, %arg3: memref<1x1xf32, #tpu.memory_space<vmem>>, %arg4: memref<5000x1xf32, #tpu.memory_space<vmem>>) attributes {dimension_semantics = [#tpu.dimension_semantics<arbitrary>], iteration_bounds = array<i64: 2>, scalar_prefetch = 0 : i64, scratch_operands = 0 : i64, tpu.core_type = #tpu.core_type<tc>, window_params = [{transform_indices = @transform_0, window_bounds = array<i64: 5000, 128>}, {transform_indices = @transform_1, window_bounds = array<i64: 5000, 1>}, {pipeline_mode = #tpu.pipeline_mode<synchronous>, transform_indices = @transform_2, window_bounds = array<i64: 1, 1>}, {transform_indices = @transform_3, window_bounds = array<i64: 5000, 1>}]} {
    %get3A = arith.constant 0 : index
    %get3A_0 = arith.constant 0 : index
    %get3A_1 = vector.load %arg1[%get3A, %get3A_0] : memref<5000x128xf32, #tpu.memory_space<vmem>>, vector<5000x1xf32>
    %get3A_2 = arith.constant 0 : index
    %get3A_3 = arith.constant 64 : index
    %get3A_4 = vector.load %arg1[%get3A_2, %get3A_3] : memref<5000x128xf32, #tpu.memory_space<vmem>>, vector<5000x1xf32>
    %add3A = arith.addf %get3A_1, %get3A_4 : vector<5000x1xf32>
    %get3A_5 = arith.constant 0 : index
    %get3A_6 = arith.constant 0 : index
    %get3A_7 = vector.load %arg2[%get3A_5, %get3A_6] : memref<5000x1xf32, #tpu.memory_space<vmem>>, vector<5000x1xf32>
    %mul3A = arith.mulf %add3A, %get3A_7 : vector<5000x1xf32>
    %get3A_8 = arith.constant 0 : index
    %get3A_9 = arith.constant 0 : index
    %get3A_10 = vector.load %arg3[%get3A_8, %get3A_9] : memref<1x1xf32, #tpu.memory_space<vmem>>, vector<1x1xf32>
    %add3A_11 = vector.broadcast %get3A_10 : vector<1x1xf32> to vector<5000x1xf32>
    %add3A_12 = arith.addf %mul3A, %add3A_11 : vector<5000x1xf32>
    %swap3A = arith.constant 0 : index
    %swap3A_13 = arith.constant 0 : index
    %swap3A_14 = vector.load %arg4[%swap3A, %swap3A_13] : memref<5000x1xf32, #tpu.memory_space<vmem>>, vector<5000x1xf32>
    tpu.vector_store %arg4[%swap3A, %swap3A_13], %add3A_12 {strides = array<i32>} : memref<5000x1xf32, #tpu.memory_space<vmem>>, vector<5000x1xf32>,
    return
  }
  func.func @transform_0(%arg0: i32) -> (i32, i32) {
    %c0_i32 = arith.constant 0 : i32
    %c0_i32_0 = arith.constant 0 : i32
    return %arg0, %c0_i32 : i32, i32
  }
  func.func @transform_1(%arg0: i32) -> (i32, i32) {
    %c0_i32 = arith.constant 0 : i32
    %c0_i32_0 = arith.constant 0 : i32
    return %arg0, %c0_i32 : i32, i32
  }
  func.func @transform_2(%arg0: i32) -> (i32, i32) {
    %c0_i32 = arith.constant 0 : i32
    %c0_i32_0 = arith.constant 0 : i32
    %c0_i32_1 = arith.constant 0 : i32
    return %c0_i32, %c0_i32_0 : i32, i32
  }
  func.func @transform_3(%arg0: i32) -> (i32, i32) {
    %c0_i32 = arith.constant 0 : i32
    %c0_i32_0 = arith.constant 0 : i32
    return %arg0, %c0_i32 : i32, i32
  }
}

</mosaic_0001>

<sc_bundles>
// kernel: kernel.10.cloned.1.call-start
scs
__scs_entry_jumppad:
0x0: {  	(pc) =	sbr.rel $0x88, $3  }
0x1: {  	(tag) =	ssettag $0x0;
	lr =	simm.s32 $0x1  }
0x2: {  	[smem:$0x3F99] =	sst lr;
	_ =	strace $0xD0000000  }
0x3: {  	_ = 	snop  }
0x4: {  	_ = 	snop  }
0x5: {  	_ = 	snop  }
0x6: {  	_ = 	snop  }
0x7: {  	_ = 	snop  }
__scs_overlays_trampoline_lowered:
0x8: {  	[smem:$0x3FA8] =	sst s0  }
0x9: {  	[smem:$0x3FA9] =	sst s1  }
0xa: {  	[smem:$0x3FAA] =	sst s2  }
0xb: {  	[smem:$0x3FAB] =	sst s3  }
0xc: {  	[smem:$0x3FAC] =	sst s4  }
0xd: {  	[smem:$0x3FAD] =	sst s5  }
0xe: {  	[smem:$0x3FAE] =	sst s6  }
0xf: {  	[smem:$0x3FAF] =	sst s7  }
0x10: {  	[smem:$0x3FB0] =	sst s8  }
0x11: {  	[smem:$0x3FB1] =	sst s9;
	s0 =	simm.s32 @!p0 $0x0  }
0x12: {  	s1 =	sld [smem:$0x3F97];
	s0 =	simm.s32 @p0 $0x1  }
0x13: {  	[smem:$0x3FB2] =	sst s0;
	s0 =	simm.s32 @!p1 $0x0  }
0x14: {  	s2 =	sld [smem:$0x3F96];
	s0 =	simm.s32 @p1 $0x1  }
0x15: {  	[smem:$0x3FB3] =	sst s0;
	s0 =	simm.s32 @!p2 $0x0  }
0x16: {  	s3 =	sld [smem:$0x3FDB];
	s0 =	simm.s32 @p2 $0x1  }
0x17: {  	s4 =	simm.s32 $0x1BF5;
	[smem:$0x3FB5] =	sst s0  }
0x18: {  	s0 =	sld [smem:$0x3F98];
	_ =	swait.ge [sflag:s4], $0x0  }
0x19: {  	s7 =	sld [smem:$0x3F99]  }
0x1a: {  	s8 =	sadd.s32 $0xFFFFE003, lr  }
0x1b: {  	s9 =	sadd.s32 $0xFFFFFEF7, lr;
	s5 =	simm.s32 $0xFFFFFFFF;
	p2 =	slt.u32 s8, $0xFFFFF086  }
0x1c: {  	p1 =	slt.u32 s9, $0xF7A;
	s5 =	simm.s32 @!p2 $0x0  }
0x1d: {  	s5 =	simm.s32 @p1 $0x1;
	p0 =	seq.s32 s7, s2  }
0x1e: {  	s7 =	smul.u32 @!p0 $0xF7A, s2;
	p2 =	seq.s32 @!p0 s5, $0x0  }
0x1f: {  	s9 =	smul.u32 $0xF7A, s1;
	s8 =	simm.s32 @!p0 $0x1BF5;
	p2 =	por !p2, p0  }
0x20: {  	[sflag:s8] =	ssyncset.s32 @!p0 $0xFFFFF086;
	s6 =	sadd.s32 @!p0 s3, s7;
	s7 =	simm.s32 @!p0 $0x108  }
0x21: {  	s3 =	sadd.s32 s3, s9;
	s6 =	sadd.s32 @!p0 $0x88, s6;
	s7 =	simm.s32 @p2 $0x1082  }
0x22: {  	[simem:s7], [sflag:s8] =	dma.local @!p0 [hbm:s6], $0xF7A  }
0x23: {  	s9 =	sor.u32 $0xD0000000, s2;
	s6 =	simm.s32 $0x108;
	_ =	swait.ge @!p0 [sflag:s8], $0x0  }
0x24: {  	s3 =	sadd.s32 $0x88, s3;
	s6 =	simm.s32 @!p1 $0x1082;
	[sflag:s4] =	ssyncset.s32 $0xFFFFF086  }
0x25: {  	[simem:s6], [sflag:s4] =	dma.local [hbm:s3], $0xF7A  }
0x26: {  	[smem:$0x3F99] =	sst s1;
	(tag) =	ssettag s2;
	_ =	strace s9  }
0x27: {  	s1 =	sld [smem:$0x3FA9]  }
0x28: {  	s2 =	sld [smem:$0x3FAA]  }
0x29: {  	s4 =	sld [smem:$0x3FAC]  }
0x2a: {  	p0 =	seq.s32 s5, $0x0;
	s5 =	sld [smem:$0x3FAD]  }
0x2b: {  	s6 =	sld [smem:$0x3FAE]  }
0x2c: {  	s7 =	sld [smem:$0x3FAF]  }
0x2d: {  	s3 =	simm.s32 $0x108;
	s8 =	sld [smem:$0x3FB0]  }
0x2e: {  	s3 =	simm.s32 @!p0 $0x1082;
	s9 =	sld [smem:$0x3FB1]  }
0x2f: {  	lr =	sadd.s32 s0, s3;
	s0 =	sld [smem:$0x3FA8]  }
0x30: {  	s3 =	sld [smem:$0x3FAB]  }
0x31: {  	[smem:$0x3FB4] =	sst s10  }
0x32: {  	s10 =	sld [smem:$0x3FB2];
	_ =	sdelay $0x3  }
0x33: {  	p0 =	seq.s32 s10, $0x1;
	s10 =	sld [smem:$0x3FB4];
	_ =	sdelay $0x3  }
0x34: {  	[smem:$0x3FB4] =	sst s10  }
0x35: {  	s10 =	sld [smem:$0x3FB3];
	_ =	sdelay $0x3  }
0x36: {  	p1 =	seq.s32 s10, $0x1;
	s10 =	sld [smem:$0x3FB4];
	_ =	sdelay $0x3  }
0x37: {  	[smem:$0x3FB4] =	sst s10  }
0x38: {  	s10 =	sld [smem:$0x3FB5]  }
0x39: {  	_ = 	snop;
	(pc) =	sbr.ind lr, $3  }
0x3a: {  	_ = 	snop  }
0x3b: {  	_ = 	snop  }
0x3c: {  	p2 =	seq.s32 s10, $0x1;
	s10 =	sld [smem:$0x3FB4]  }
0x3d: {  	_ =	shalt  }
0x3e: {  	_ =	shalt  }
0x3f: {  	_ =	shalt  }
0x40: {  	_ =	shalt  }
0x41: {  	_ =	shalt  }
0x42: {  	_ =	shalt  }
0x43: {  	_ =	shalt  }
0x44: {  	_ =	shalt  }
0x45: {  	_ =	shalt  }
0x46: {  	_ =	shalt  }
0x47: {  	_ =	shalt  }
0x48: {  	_ =	shalt  }
0x49: {  	_ =	shalt  }
0x4a: {  	_ =	shalt  }
0x4b: {  	_ =	shalt  }
0x4c: {  	_ =	shalt  }
0x4d: {  	_ =	shalt  }
0x4e: {  	_ =	shalt  }
0x4f: {  	_ =	shalt  }
0x50: {  	_ =	shalt  }
0x51: {  	_ =	shalt  }
0x52: {  	_ =	shalt  }
0x53: {  	_ =	shalt  }
0x54: {  	_ =	shalt  }
0x55: {  	_ =	shalt  }
0x56: {  	_ =	shalt  }
0x57: {  	_ =	shalt  }
0x58: {  	_ =	shalt  }
0x59: {  	_ =	shalt  }
0x5a: {  	_ =	shalt  }
0x5b: {  	_ =	shalt  }
0x5c: {  	_ =	shalt  }
0x5d: {  	_ =	shalt  }
0x5e: {  	_ =	shalt  }
0x5f: {  	_ =	shalt  }
0x60: {  	_ =	shalt  }
0x61: {  	_ =	shalt  }
0x62: {  	_ =	shalt  }
0x63: {  	_ =	shalt  }
0x64: {  	_ =	shalt  }
0x65: {  	_ =	shalt  }
0x66: {  	_ =	shalt  }
0x67: {  	_ =	shalt  }
0x68: {  	_ =	shalt  }
0x69: {  	_ =	shalt  }
0x6a: {  	_ =	shalt  }
0x6b: {  	_ =	shalt  }
0x6c: {  	_ =	shalt  }
0x6d: {  	_ =	shalt  }
0x6e: {  	_ =	shalt  }
0x6f: {  	_ =	shalt  }
0x70: {  	_ =	shalt  }
0x71: {  	_ =	shalt  }
0x72: {  	_ =	shalt  }
0x73: {  	_ =	shalt  }
0x74: {  	_ =	shalt  }
0x75: {  	_ =	shalt  }
0x76: {  	_ =	shalt  }
0x77: {  	_ =	shalt  }
0x78: {  	_ =	shalt  }
0x79: {  	_ =	shalt  }
0x7a: {  	_ =	shalt  }
0x7b: {  	_ =	shalt  }
0x7c: {  	_ =	shalt  }
0x7d: {  	_ =	shalt  }
0x7e: {  	_ =	shalt  }
0x7f: {  	_ =	shalt  }
0x80: {  	_ =	shalt  }
0x81: {  	_ =	shalt  }
0x82: {  	_ =	shalt  }
0x83: {  	_ =	shalt  }
0x84: {  	_ =	shalt  }
0x85: {  	_ =	shalt  }
0x86: {  	_ =	shalt  }
0x87: {  	_ =	shalt  }
.Lfunc_end0:
.L_simem_size_0:
called_computation_lowered:
.L_overlay_start_0:
0x88: {  	s2 =	sld [smem:$0x3FD9]  }
0x89: {  	s3 =	sld [smem:$0x3FFE];
	_ =	sdelay $0x1  }
0x8a: {  	s1 =	srdreg.scid  }
0x8b: {  	s0 =	sand.u32 $0x1, s1  }
0x8c: {  	s17 =	sshll.u32 s0, $0xA;
	s2 =	sadd.s32 s3, s2  }
0x8d: {  	s2 =	sadd.s32 s2, s17  }
0x8e: {  	[smem:$0x3FC0] =	sst s2  }
0x8f: {  	_ = 	snop  }
0x90: {  	s2 =	sld [smem:$0x3FD0];
	(tm) =	ssettm $0x1  }
0x91: {  	s18 =	sld [smem:$0x3FFB];
	_ =	sdelay $0x3  }
0x92: {  	_ =	strace s18  }
0x93: {  	s3 =	sld [smem:$0x3FFC];
	_ =	sdelay $0x3  }
0x94: {  	_ =	strace s3  }
0x95: {  	s3 =	sld [smem:$0x3FFD];
	_ =	sdelay $0x3  }
0x96: {  	_ =	strace s3  }
0x97: {  	_ =	strace $0x8FFFFFFF  }
0x98: {  	s19 =	sld [smem:$0x3FDB];
	_ =	sdelay $0x1  }
0x99: {  	s4 =	simm.s32 $_scs_section_size  }
0x9a: {  	s5 =	simm.s32 $_size__tile_overlayer_lowered;
	s6 =	simm.s32 $_tile_overlayer_lowered  }
0x9b: {  	s22 =	simm.s32 $0x1BFF;
	s21 =	sshll.u32 s6, $0x1;
	s3 =	sadd.s32 s4, s19  }
0x9c: {  	s7 =	simm.s32 $0x0;
	s20 =	sshll.u32 s5, $0x1;
	s5 =	sadd.s32 s21, s3  }
0x9d: {  	[timem:s7], [sflag:s22] =	dma.local [hbm:s5], s20  }
0x9e: {  	_ =	swait.ge [sflag:s22], s20  }
0x9f: {  	s4 =	ssub.s32 $0x0, s20;
	[sflag:s22] =	ssyncset.done $0x0  }
0xa0: {  	[sflag:s22] =	ssyncadd.s32 s4;
	_ =	sdelay $0x1  }
0xa1: {  	s23 =	simm.s32 $0x1B8B  }
0xa2: {  	_ =	swait.ge [sflag:s23], $0x1  }
0xa3: {  	[sflag:s23] =	ssyncset.done $0x0  }
0xa4: {  	s25 =	simm.s32 $0x1B8E;
	s24 =	sld [smem:$0x3FFE];
	[sflag:s23] =	ssyncadd.s32 $0xFFFFFFFF  }
0xa5: {  	s26 =	simm.s32 $execute0_lowered;
	[smem:$0x3FD2] =	sst s25  }
0xa6: {  	s5 =	sshll.u32 s26, $0x1;
	_ =	strace $0x80000046;
	[dreg:$0x1] =	wrdreg $0xFFFFFFFF  }
0xa7: {  	s28 =	simm.s32 $_size_execute0_lowered;
	s3 =	sadd.s32 s3, s5;
	[dreg:$0x0] =	wrdreg $0x0  }
0xa8: {  	s5 =	sshll.u32 s28, $0x1;
	[dreg:$0x2] =	wrdreg s3  }
0xa9: {  	[dreg:$0x3] =	wrdreg s5  }
0xaa: {  	[dreg:$0x4] =	wrdreg $0xC0  }
0xab: {  	_ =	task [dreg:s7], $0x5FFFF  }
0xac: {  	[dreg:$0x1] =	wrdreg $0xFFFFFFFF  }
0xad: {  	[dreg:$0x0] =	wrdreg $0x60  }
0xae: {  	[dreg:$0x2] =	wrdreg s2  }
0xaf: {  	[dreg:$0x3] =	wrdreg s24  }
0xb0: {  	[dreg:$0x4] =	wrdreg $0x46500  }
0xb1: {  	[dreg:$0x5] =	wrdreg $0x9  }
0xb2: {  	_ =	task.clear_ibuf [dreg:s7], $0x6FFFF;
	_ =	strace $0x90000046  }
0xb3: {  	s29 =	simm.s32 $0x9;
	_ =	strace $0x80000048  }
0xb4: {  	_ =	swait.ge [sflag:s29], $0x1  }
0xb5: {  	[sflag:s29] =	ssyncadd.s32 $0xFFFFFFFF  }
0xb6: {  	_ =	strace $0x90000048  }
0xb7: {  	_ =	sfence  }
0xb8: {  	s30 =	sld [smem:$0x0];
	_ =	sdelay $0x2  }
0xb9: {  	s31 =	sshll.u32 s1, $0xD;
	s1 =	sshrl.u32 s1, $0x2  }
0xba: {  	s3 =	sand.u32 $0x4000, s31;
	s1 =	sadd.s32 s1, s30  }
0xbb: {  	s0 =	sor.u32 s3, s0;
	s1 =	sshll.u32 s1, $0x11  }
0xbc: {  	s0 =	sor.u32 s1, s0  }
0xbd: {  	s0 =	sadd.s32 $0x8F2B, s0  }
0xbe: {  	[sflag:s0] =	ssyncadd.remote.s32 $0x1  }
0xbf: {  	_ =	sfence.sel $0xFFFF  }
0xc0: {  	[dreg:$0x0] =	wrdreg $0xFFFFFFFF;
	(pc) =	sbr.abs _section_cstart, $3  }
0xc1: {  	[dreg:$0x1] =	wrdreg $0xFFFFFFFF  }
0xc2: {  	_ =	task.clear_ibuf [dreg:s7], $0x2FFFF;
	_ =	strace $0x9FFFFFFF  }
0xc3: {  	(tm) =	ssettm $0x7FFFFFFF  }
tec
execute0_lowered:
.L_overlay_start_1:
0x0: {  	(tag) =	ssettag $0x1  }
0x1: {  	s1 =	rddreg [dreg:$0x0]  }
0x2: {  	s5 =	rddreg [dreg:$0x1]  }
0x3: {  	s3 =	rddreg [dreg:$0x2]  }
0x4: {  	s0 =	rddreg [dreg:$0x3];
	s6 =	srdreg.scid  }
0x5: {  	s4 =	simm.s32 $0x0;
	s2 =	stileid.u32;
	s13 =	simm.s32 $0xC8  }
0x6: {  	s14 =	simm.s32 $0x1;
	s15 =	simm.s32 $0x2;
	s16 =	simm.s32 $0x3  }
0x7: {  	s17 =	simm.s32 $0x4;
	s18 =	simm.s32 $0x5;
	s19 =	simm.s32 $0x10  }
0x8: {  	s20 =	simm.s32 $0x0;
	s6 =	sand.u32 $0x1, s6;
	s7 =	smul.u32 $0x1400, s2  }
0x9: {  	[smem:$0x7FF] =	sst s4;
	s9 =	smul.u32 $0x14000, s2;
	s31 =	sshll.u32 s2, $0x6  }
0xa: {  	s8 =	sshll.u32 s6, $0x4;
	_ =	strace $0x80000047;
	s11 =	sshll.u32 s6, $0x6  }
0xb: {  	s6 =	ssub.s32 $0x2, s6;
	s8 =	sor.u32 s2, s8;
	s10 =	sshrl.u32 s7, $0x3  }
0xc: {  	s9 =	sor.u32 s11, s9;
	s30 =	sshrl.u32 s6, $0x1;
	s12 =	sadd.s32 s7, s3  }
0xd: {  	s8 =	smul.u32 $0x2710, s8;
	s10 =	sadd.s32 s10, s5;
	s9 =	sshrl.u32 s9, $0x3  }
0xe: {  	s11 =	ssub.s32 s6, s30;
	s12 =	sshrl.u32 s12, $0x3;
	s9 =	sadd.s32 s9, s5  }
0xf: {  	s6 =	sadd.s32 $0x16600, s10;
	s10 =	simm.s32 $0x6;
	s8 =	sshrl.u32 s8, $0x3  }
0x10: {  	s7 =	sadd.s32 $0x18E00, s9;
	s9 =	simm.s32 $0x2710;
	s5 =	sadd.s32 s5, s8  }
0x11: {  	s8 =	smax.u32 s11, $0x1;
	s11 =	sor.u32 $0x1C06, s31;
	s5 =	sadd.s32 $0xC840, s5  }
.LBB2_1:
0x12: {  	[tilespmem:s9], [sflag:$0x6] =	stream.linear.gather [hbm4b:s1+s4], $0x640, $0x38;
	[tilespmem:$0x5A50] =	vst v63  }
0x13: {  	_ =	swait.ge [sflag:s10], $0x640  }
0x14: {  	[sflag:s10] =	ssyncset.done $0x0  }
0x15: {  	[sflag:s10] =	ssyncadd.s32 $0xFFFFF9C0  }
0x16: {  	[tilespmem:s4], [sflag:$0x6] =	stream.linear.gather [hbm4b:s5+s4], $0x2710, $0x38;
	[tilespmem:$0x5A50] =	vst v63  }
0x17: {  	_ =	swait.ge [sflag:s10], $0x2710  }
0x18: {  	[sflag:s10] =	ssyncset.done $0x0  }
0x19: {  	[sflag:s10] =	ssyncadd.s32 $0xFFFFD8F0  }
0x1a: {  	[spmem:s12], [sflag:s11] =	dma.local [hbm:s6], $0x280  }
0x1b: {  	_ =	swait.ge [sflag:s10], $0x280  }
0x1c: {  	[sflag:s10] =	ssyncset.done $0x0  }
0x1d: {  	[sflag:s10] =	ssyncadd.s32 $0xFFFFFD80  }
0x1e: {  	s21 =	simm.s32 $0x0;
	[bflag:$0x0] =	sbarrier.arrive $0xFFFF  }
0x1f: {  	[spmem:s3] =	stream.indirect.scatter.add.f32 [tilespmem:s9], [sflag:$0x1], $0x8, s21, s13, $0xb8;
	[tilespmem:$0x5A50] =	vst v63  }
0x20: {  	s28 =	simm.s32 $0xC8  }
0x21: {  	[spmem:s3] =	stream.indirect.scatter.add.f32 [tilespmem:s9], [sflag:$0x2], $0x8, s28, s13, $0xb8;
	[tilespmem:$0x5A50] =	vst v63  }
0x22: {  	s29 =	simm.s32 $0x190  }
0x23: {  	[spmem:s3] =	stream.indirect.scatter.add.f32 [tilespmem:s9], [sflag:$0x3], $0x8, s29, s13, $0xb8;
	[tilespmem:$0x5A50] =	vst v63  }
0x24: {  	s30 =	simm.s32 $0x258  }
0x25: {  	[spmem:s3] =	stream.indirect.scatter.add.f32 [tilespmem:s9], [sflag:$0x4], $0x8, s30, s13, $0xb8;
	[tilespmem:$0x5A50] =	vst v63  }
0x26: {  	s31 =	simm.s32 $0x320  }
0x27: {  	[spmem:s3] =	stream.indirect.scatter.add.f32 [tilespmem:s9], [sflag:$0x5], $0x8, s31, s13, $0xb8;
	[tilespmem:$0x5A50] =	vst v63  }
0x28: {  	_ =	swait.ge [sflag:s14], $0x640  }
0x29: {  	[sflag:s14] =	ssyncset.done $0x0  }
0x2a: {  	[sflag:s14] =	ssyncadd.s32 $0xFFFFF9C0  }
0x2b: {  	_ =	swait.ge [sflag:s15], $0x640  }
0x2c: {  	[sflag:s15] =	ssyncset.done $0x0  }
0x2d: {  	[sflag:s15] =	ssyncadd.s32 $0xFFFFF9C0  }
0x2e: {  	_ =	swait.ge [sflag:s16], $0x640  }
0x2f: {  	[sflag:s16] =	ssyncset.done $0x0  }
0x30: {  	[sflag:s16] =	ssyncadd.s32 $0xFFFFF9C0  }
0x31: {  	_ =	swait.ge [sflag:s17], $0x640  }
0x32: {  	[sflag:s17] =	ssyncset.done $0x0  }
0x33: {  	[sflag:s17] =	ssyncadd.s32 $0xFFFFF9C0  }
0x34: {  	_ =	swait.ge [sflag:s18], $0x640  }
0x35: {  	s22 =	simm.s32 $0x1F40;
	s21 =	simm.s32 $0xFA0;
	[sflag:s18] =	ssyncset.done $0x0  }
.LBB2_2:
0x36: {  	s23 =	sshra.s32 s21, $0x2  }
0x37: {  	[sflag:s18] =	ssyncadd.s32 $0xFFFFF9C0;
	s21 =	smov.u32 s22;
	s24 =	sadd.s32 $0xFA0, s22  }
0x38: {  	[spmem:s3] =	stream.indirect.scatter.add.f32 [tilespmem:s9], [sflag:$0x1], $0x8, s23, s13, $0xb8;
	[tilespmem:$0x5A50] =	vst v63  }
0x39: {  	p0 =	sne.s32 s22, $0x8CA0;
	s22 =	sadd.s32 $0xC8, s23  }
0x3a: {  	[spmem:s3] =	stream.indirect.scatter.add.f32 [tilespmem:s9], [sflag:$0x2], $0x8, s22, s13, $0xb8;
	[tilespmem:$0x5A50] =	vst v63  }
0x3b: {  	s22 =	sadd.s32 $0x190, s23  }
0x3c: {  	[spmem:s3] =	stream.indirect.scatter.add.f32 [tilespmem:s9], [sflag:$0x3], $0x8, s22, s13, $0xb8;
	[tilespmem:$0x5A50] =	vst v63  }
0x3d: {  	s22 =	sadd.s32 $0x258, s23  }
0x3e: {  	[spmem:s3] =	stream.indirect.scatter.add.f32 [tilespmem:s9], [sflag:$0x4], $0x8, s22, s13, $0xb8;
	[tilespmem:$0x5A50] =	vst v63  }
0x3f: {  	s22 =	sadd.s32 $0x320, s23  }
0x40: {  	[spmem:s3] =	stream.indirect.scatter.add.f32 [tilespmem:s9], [sflag:$0x5], $0x8, s22, s13, $0xb8;
	[tilespmem:$0x5A50] =	vst v63  }
0x41: {  	_ =	swait.ge [sflag:s14], $0x640  }
0x42: {  	[sflag:s14] =	ssyncset.done $0x0  }
0x43: {  	[sflag:s14] =	ssyncadd.s32 $0xFFFFF9C0  }
0x44: {  	_ =	swait.ge [sflag:s15], $0x640  }
0x45: {  	[sflag:s15] =	ssyncset.done $0x0  }
0x46: {  	[sflag:s15] =	ssyncadd.s32 $0xFFFFF9C0  }
0x47: {  	_ =	swait.ge [sflag:s16], $0x640  }
0x48: {  	[sflag:s16] =	ssyncset.done $0x0  }
0x49: {  	[sflag:s16] =	ssyncadd.s32 $0xFFFFF9C0  }
.Ltmp0:
0x4a: {  	_ =	swait.ge [sflag:s17], $0x640;
	(pc) =	sbr.rel @p0 .LBB2_2-.Ltmp0, $4  }
0x4b: {  	[sflag:s17] =	ssyncset.done $0x0  }
0x4c: {  	[sflag:s17] =	ssyncadd.s32 $0xFFFFF9C0  }
0x4d: {  	_ =	swait.ge [sflag:s18], $0x640  }
0x4e: {  	s22 =	smov.u32 s24;
	[sflag:s18] =	ssyncset.done $0x0  }
0x4f: {  	s21 =	sshra.s32 s21, $0x2;
	[sflag:s18] =	ssyncadd.s32 $0xFFFFF9C0  }
0x50: {  	[spmem:s3] =	stream.indirect.scatter.add.f32 [tilespmem:s9], [sflag:$0x1], $0x8, s21, s13, $0xb8;
	[tilespmem:$0x5A50] =	vst v63  }
0x51: {  	s22 =	sadd.s32 $0xC8, s21  }
0x52: {  	[spmem:s3] =	stream.indirect.scatter.add.f32 [tilespmem:s9], [sflag:$0x2], $0x8, s22, s13, $0xb8;
	[tilespmem:$0x5A50] =	vst v63  }
0x53: {  	s30 =	sadd.s32 $0x190, s21  }
0x54: {  	[spmem:s3] =	stream.indirect.scatter.add.f32 [tilespmem:s9], [sflag:$0x3], $0x8, s30, s13, $0xb8;
	[tilespmem:$0x5A50] =	vst v63  }
0x55: {  	s31 =	sadd.s32 $0x258, s21  }
0x56: {  	[spmem:s3] =	stream.indirect.scatter.add.f32 [tilespmem:s9], [sflag:$0x4], $0x8, s31, s13, $0xb8;
	[tilespmem:$0x5A50] =	vst v63  }
0x57: {  	s21 =	sadd.s32 $0x320, s21  }
0x58: {  	[spmem:s3] =	stream.indirect.scatter.add.f32 [tilespmem:s9], [sflag:$0x5], $0x8, s21, s13, $0xb8;
	[tilespmem:$0x5A50] =	vst v63  }
0x59: {  	_ =	swait.ge [sflag:s14], $0x640  }
0x5a: {  	[sflag:s14] =	ssyncset.done $0x0  }
0x5b: {  	[sflag:s14] =	ssyncadd.s32 $0xFFFFF9C0  }
0x5c: {  	_ =	swait.ge [sflag:s15], $0x640  }
0x5d: {  	[sflag:s15] =	ssyncset.done $0x0  }
0x5e: {  	[sflag:s15] =	ssyncadd.s32 $0xFFFFF9C0  }
0x5f: {  	_ =	swait.ge [sflag:s16], $0x640  }
0x60: {  	[sflag:s16] =	ssyncset.done $0x0  }
0x61: {  	[sflag:s16] =	ssyncadd.s32 $0xFFFFF9C0  }
0x62: {  	_ =	swait.ge [sflag:s17], $0x640  }
0x63: {  	[sflag:s17] =	ssyncset.done $0x0  }
0x64: {  	[sflag:s17] =	ssyncadd.s32 $0xFFFFF9C0  }
0x65: {  	_ =	swait.ge [sflag:s18], $0x640  }
0x66: {  	s20 =	sadd.s32 $0x1, s20;
	[sflag:s18] =	ssyncset.done $0x0  }
0x67: {  	p0 =	sne.s32 s20, s8;
	[sflag:s18] =	ssyncadd.s32 $0xFFFFF9C0  }
.Ltmp1:
0x68: {  	[bflag:$0x0] =	sbarrier.arrive $0xFFFF;
	(pc) =	sbr.rel @p0 .LBB2_1-.Ltmp1, $4  }
0x69: {  	[hbm:s7@s19], [sflag:s11] =	dma.strided [spmem:s12@s14], $0x280, s14, $0x1   }
0x6a: {  	_ =	swait.ge [sflag:s10], $0x280  }
0x6b: {  	[sflag:s10] =	ssyncset.done $0x0  }
0x6c: {  	[sflag:s10] =	ssyncadd.s32 $0xFFFFFD80  }
0x6d: {  	_ =	sfence.sel $0x180000  }
0x6e: {  	[bflag:$0x0] =	sbarrier.arrive $0xFFFF  }
0x6f: {  	p0 =	sne.s32 s2, $0x0;
	_ =	strace $0x90000047  }
0x70: {  	s0 =	sadd.s32 @!p0 $0x100000, s0;
	[bflag:$0x2] =	sbarrier.arrive $0xFFFF  }
0x71: {  	[sflag:s0] =	ssyncadd.tile.s32 @!p0 $0x1;
	_ =	shalt  }
.Lfunc_end2:
_tile_overlayer_lowered:
.L_overlay_start_2:
0x72: {  	(tag) =	ssettag $0x2  }
0x73: {  	s0 =	rddreg [dreg:$0x0];
	s2 =	stileid.u32  }
0x74: {  	s1 =	rddreg [dreg:$0x1];
	p0 =	sne.s32 s2, $0x0  }
0x75: {  	s3 =	rddreg [dreg:$0x2];
	[bflag:$0x3] =	sbarrier.arrive $0xFFFF;
	s2 =	simm.s32 @!p0 $0x1C06  }
0x76: {  	[timem:s3], [sflag:s2] =	dma.local @!p0 [hbm:s0], s1  }
0x77: {  	s0 =	simm.s32 @!p0 $0x6  }
0x78: {  	_ =	swait.ge @!p0 [sflag:s0], s1  }
0x79: {  	s1 =	ssub.s32 @!p0 $0x0, s1;
	[sflag:s0] =	ssyncset.done @!p0 $0x0  }
0x7a: {  	[sflag:s0] =	ssyncadd.s32 @!p0 s1  }
0x7b: {  	[bflag:$0x3] =	sbarrier.arrive $0xFFFF  }
0x7c: {  	_ =	shalt  }

// kernel: kernel.13.cloned.1.call-start
scs
__scs_entry_jumppad:
0x0: {  	(pc) =	sbr.rel $0x88, $3  }
0x1: {  	(tag) =	ssettag $0x0;
	lr =	simm.s32 $0x1  }
0x2: {  	[smem:$0x3F99] =	sst lr;
	_ =	strace $0xD0000000  }
0x3: {  	_ = 	snop  }
0x4: {  	_ = 	snop  }
0x5: {  	_ = 	snop  }
0x6: {  	_ = 	snop  }
0x7: {  	_ = 	snop  }
__scs_overlays_trampoline_lowered:
0x8: {  	[smem:$0x3FA8] =	sst s0  }
0x9: {  	[smem:$0x3FA9] =	sst s1  }
0xa: {  	[smem:$0x3FAA] =	sst s2  }
0xb: {  	[smem:$0x3FAB] =	sst s3  }
0xc: {  	[smem:$0x3FAC] =	sst s4  }
0xd: {  	[smem:$0x3FAD] =	sst s5  }
0xe: {  	[smem:$0x3FAE] =	sst s6  }
0xf: {  	[smem:$0x3FAF] =	sst s7  }
0x10: {  	[smem:$0x3FB0] =	sst s8  }
0x11: {  	[smem:$0x3FB1] =	sst s9;
	s0 =	simm.s32 @!p0 $0x0  }
0x12: {  	s1 =	sld [smem:$0x3F97];
	s0 =	simm.s32 @p0 $0x1  }
0x13: {  	[smem:$0x3FB2] =	sst s0;
	s0 =	simm.s32 @!p1 $0x0  }
0x14: {  	s2 =	sld [smem:$0x3F96];
	s0 =	simm.s32 @p1 $0x1  }
0x15: {  	[smem:$0x3FB3] =	sst s0;
	s0 =	simm.s32 @!p2 $0x0  }
0x16: {  	s3 =	sld [smem:$0x3FDB];
	s0 =	simm.s32 @p2 $0x1  }
0x17: {  	s4 =	simm.s32 $0x1BF5;
	[smem:$0x3FB5] =	sst s0  }
0x18: {  	s0 =	sld [smem:$0x3F98];
	_ =	swait.ge [sflag:s4], $0x0  }
0x19: {  	s7 =	sld [smem:$0x3F99]  }
0x1a: {  	s8 =	sadd.s32 $0xFFFFE003, lr  }
0x1b: {  	s9 =	sadd.s32 $0xFFFFFEF7, lr;
	s5 =	simm.s32 $0xFFFFFFFF;
	p2 =	slt.u32 s8, $0xFFFFF086  }
0x1c: {  	p1 =	slt.u32 s9, $0xF7A;
	s5 =	simm.s32 @!p2 $0x0  }
0x1d: {  	s5 =	simm.s32 @p1 $0x1;
	p0 =	seq.s32 s7, s2  }
0x1e: {  	s7 =	smul.u32 @!p0 $0xF7A, s2;
	p2 =	seq.s32 @!p0 s5, $0x0  }
0x1f: {  	s9 =	smul.u32 $0xF7A, s1;
	s8 =	simm.s32 @!p0 $0x1BF5;
	p2 =	por !p2, p0  }
0x20: {  	[sflag:s8] =	ssyncset.s32 @!p0 $0xFFFFF086;
	s6 =	sadd.s32 @!p0 s3, s7;
	s7 =	simm.s32 @!p0 $0x108  }
0x21: {  	s3 =	sadd.s32 s3, s9;
	s6 =	sadd.s32 @!p0 $0x88, s6;
	s7 =	simm.s32 @p2 $0x1082  }
0x22: {  	[simem:s7], [sflag:s8] =	dma.local @!p0 [hbm:s6], $0xF7A  }
0x23: {  	s9 =	sor.u32 $0xD0000000, s2;
	s6 =	simm.s32 $0x108;
	_ =	swait.ge @!p0 [sflag:s8], $0x0  }
0x24: {  	s3 =	sadd.s32 $0x88, s3;
	s6 =	simm.s32 @!p1 $0x1082;
	[sflag:s4] =	ssyncset.s32 $0xFFFFF086  }
0x25: {  	[simem:s6], [sflag:s4] =	dma.local [hbm:s3], $0xF7A  }
0x26: {  	[smem:$0x3F99] =	sst s1;
	(tag) =	ssettag s2;
	_ =	strace s9  }
0x27: {  	s1 =	sld [smem:$0x3FA9]  }
0x28: {  	s2 =	sld [smem:$0x3FAA]  }
0x29: {  	s4 =	sld [smem:$0x3FAC]  }
0x2a: {  	p0 =	seq.s32 s5, $0x0;
	s5 =	sld [smem:$0x3FAD]  }
0x2b: {  	s6 =	sld [smem:$0x3FAE]  }
0x2c: {  	s7 =	sld [smem:$0x3FAF]  }
0x2d: {  	s3 =	simm.s32 $0x108;
	s8 =	sld [smem:$0x3FB0]  }
0x2e: {  	s3 =	simm.s32 @!p0 $0x1082;
	s9 =	sld [smem:$0x3FB1]  }
0x2f: {  	lr =	sadd.s32 s0, s3;
	s0 =	sld [smem:$0x3FA8]  }
0x30: {  	s3 =	sld [smem:$0x3FAB]  }
0x31: {  	[smem:$0x3FB4] =	sst s10  }
0x32: {  	s10 =	sld [smem:$0x3FB2];
	_ =	sdelay $0x3  }
0x33: {  	p0 =	seq.s32 s10, $0x1;
	s10 =	sld [smem:$0x3FB4];
	_ =	sdelay $0x3  }
0x34: {  	[smem:$0x3FB4] =	sst s10  }
0x35: {  	s10 =	sld [smem:$0x3FB3];
	_ =	sdelay $0x3  }
0x36: {  	p1 =	seq.s32 s10, $0x1;
	s10 =	sld [smem:$0x3FB4];
	_ =	sdelay $0x3  }
0x37: {  	[smem:$0x3FB4] =	sst s10  }
0x38: {  	s10 =	sld [smem:$0x3FB5]  }
0x39: {  	_ = 	snop;
	(pc) =	sbr.ind lr, $3  }
0x3a: {  	_ = 	snop  }
0x3b: {  	_ = 	snop  }
0x3c: {  	p2 =	seq.s32 s10, $0x1;
	s10 =	sld [smem:$0x3FB4]  }
0x3d: {  	_ =	shalt  }
0x3e: {  	_ =	shalt  }
0x3f: {  	_ =	shalt  }
0x40: {  	_ =	shalt  }
0x41: {  	_ =	shalt  }
0x42: {  	_ =	shalt  }
0x43: {  	_ =	shalt  }
0x44: {  	_ =	shalt  }
0x45: {  	_ =	shalt  }
0x46: {  	_ =	shalt  }
0x47: {  	_ =	shalt  }
0x48: {  	_ =	shalt  }
0x49: {  	_ =	shalt  }
0x4a: {  	_ =	shalt  }
0x4b: {  	_ =	shalt  }
0x4c: {  	_ =	shalt  }
0x4d: {  	_ =	shalt  }
0x4e: {  	_ =	shalt  }
0x4f: {  	_ =	shalt  }
0x50: {  	_ =	shalt  }
0x51: {  	_ =	shalt  }
0x52: {  	_ =	shalt  }
0x53: {  	_ =	shalt  }
0x54: {  	_ =	shalt  }
0x55: {  	_ =	shalt  }
0x56: {  	_ =	shalt  }
0x57: {  	_ =	shalt  }
0x58: {  	_ =	shalt  }
0x59: {  	_ =	shalt  }
0x5a: {  	_ =	shalt  }
0x5b: {  	_ =	shalt  }
0x5c: {  	_ =	shalt  }
0x5d: {  	_ =	shalt  }
0x5e: {  	_ =	shalt  }
0x5f: {  	_ =	shalt  }
0x60: {  	_ =	shalt  }
0x61: {  	_ =	shalt  }
0x62: {  	_ =	shalt  }
0x63: {  	_ =	shalt  }
0x64: {  	_ =	shalt  }
0x65: {  	_ =	shalt  }
0x66: {  	_ =	shalt  }
0x67: {  	_ =	shalt  }
0x68: {  	_ =	shalt  }
0x69: {  	_ =	shalt  }
0x6a: {  	_ =	shalt  }
0x6b: {  	_ =	shalt  }
0x6c: {  	_ =	shalt  }
0x6d: {  	_ =	shalt  }
0x6e: {  	_ =	shalt  }
0x6f: {  	_ =	shalt  }
0x70: {  	_ =	shalt  }
0x71: {  	_ =	shalt  }
0x72: {  	_ =	shalt  }
0x73: {  	_ =	shalt  }
0x74: {  	_ =	shalt  }
0x75: {  	_ =	shalt  }
0x76: {  	_ =	shalt  }
0x77: {  	_ =	shalt  }
0x78: {  	_ =	shalt  }
0x79: {  	_ =	shalt  }
0x7a: {  	_ =	shalt  }
0x7b: {  	_ =	shalt  }
0x7c: {  	_ =	shalt  }
0x7d: {  	_ =	shalt  }
0x7e: {  	_ =	shalt  }
0x7f: {  	_ =	shalt  }
0x80: {  	_ =	shalt  }
0x81: {  	_ =	shalt  }
0x82: {  	_ =	shalt  }
0x83: {  	_ =	shalt  }
0x84: {  	_ =	shalt  }
0x85: {  	_ =	shalt  }
0x86: {  	_ =	shalt  }
0x87: {  	_ =	shalt  }
.Lfunc_end0:
.L_simem_size_0:
called_computation.1_lowered:
.L_overlay_start_0:
0x88: {  	s2 =	sld [smem:$0x3FD9]  }
0x89: {  	s3 =	sld [smem:$0x3FFE];
	_ =	sdelay $0x1  }
0x8a: {  	s1 =	srdreg.scid  }
0x8b: {  	s0 =	sand.u32 $0x1, s1  }
0x8c: {  	s16 =	sshll.u32 s0, $0xA;
	s2 =	sadd.s32 s3, s2  }
0x8d: {  	s2 =	sadd.s32 s2, s16  }
0x8e: {  	[smem:$0x3FC0] =	sst s2  }
0x8f: {  	_ = 	snop  }
0x90: {  	(tm) =	ssettm $0x1  }
0x91: {  	s17 =	sld [smem:$0x3FFB];
	_ =	sdelay $0x3  }
0x92: {  	_ =	strace s17  }
0x93: {  	s2 =	sld [smem:$0x3FFC];
	_ =	sdelay $0x3  }
0x94: {  	_ =	strace s2  }
0x95: {  	s2 =	sld [smem:$0x3FFD];
	_ =	sdelay $0x3  }
0x96: {  	_ =	strace s2  }
0x97: {  	_ =	strace $0x8FFFFFFF  }
0x98: {  	s18 =	sld [smem:$0x3FDB];
	_ =	sdelay $0x1  }
0x99: {  	s19 =	simm.s32 $_scs_section_size  }
0x9a: {  	s4 =	simm.s32 $_size__tile_overlayer_lowered;
	s5 =	simm.s32 $_tile_overlayer_lowered  }
0x9b: {  	s22 =	simm.s32 $0x1BFF;
	s21 =	sshll.u32 s5, $0x1;
	s2 =	sadd.s32 s19, s18  }
0x9c: {  	s6 =	simm.s32 $0x0;
	s20 =	sshll.u32 s4, $0x1;
	s4 =	sadd.s32 s21, s2  }
0x9d: {  	[timem:s6], [sflag:s22] =	dma.local [hbm:s4], s20  }
0x9e: {  	_ =	swait.ge [sflag:s22], s20  }
0x9f: {  	s3 =	ssub.s32 $0x0, s20;
	[sflag:s22] =	ssyncset.done $0x0  }
0xa0: {  	[sflag:s22] =	ssyncadd.s32 s3;
	_ =	sdelay $0x1  }
0xa1: {  	s23 =	simm.s32 $0x1B8B  }
0xa2: {  	_ =	swait.ge [sflag:s23], $0x1  }
0xa3: {  	[sflag:s23] =	ssyncset.done $0x0  }
0xa4: {  	s25 =	simm.s32 $0x1B8E;
	s24 =	sld [smem:$0x3FFE];
	[sflag:s23] =	ssyncadd.s32 $0xFFFFFFFF  }
0xa5: {  	s26 =	simm.s32 $execute0_lowered;
	[smem:$0x3FD2] =	sst s25  }
0xa6: {  	s4 =	sshll.u32 s26, $0x1;
	_ =	strace $0x80000049;
	[dreg:$0x1] =	wrdreg $0xFFFFFFFF  }
0xa7: {  	s28 =	simm.s32 $_size_execute0_lowered;
	s2 =	sadd.s32 s2, s4;
	[dreg:$0x0] =	wrdreg $0x0  }
0xa8: {  	s4 =	sshll.u32 s28, $0x1;
	[dreg:$0x2] =	wrdreg s2  }
0xa9: {  	[dreg:$0x3] =	wrdreg s4  }
0xaa: {  	[dreg:$0x4] =	wrdreg $0xC0  }
0xab: {  	_ =	task [dreg:s6], $0x5FFFF  }
0xac: {  	[dreg:$0x1] =	wrdreg $0xFFFFFFFF  }
0xad: {  	[dreg:$0x0] =	wrdreg $0x60  }
0xae: {  	[dreg:$0x2] =	wrdreg s24  }
0xaf: {  	[dreg:$0x3] =	wrdreg $0x148200  }
0xb0: {  	[dreg:$0x4] =	wrdreg $0x9  }
0xb1: {  	_ =	task.clear_ibuf [dreg:s6], $0x5FFFF;
	_ =	strace $0x90000049  }
0xb2: {  	s29 =	simm.s32 $0x9;
	_ =	strace $0x8000004B  }
0xb3: {  	_ =	swait.ge [sflag:s29], $0x1  }
0xb4: {  	[sflag:s29] =	ssyncadd.s32 $0xFFFFFFFF  }
0xb5: {  	_ =	strace $0x9000004B  }
0xb6: {  	_ =	sfence  }
0xb7: {  	s30 =	sld [smem:$0x0];
	_ =	sdelay $0x2  }
0xb8: {  	s31 =	sshll.u32 s1, $0xD;
	s1 =	sshrl.u32 s1, $0x2  }
0xb9: {  	s3 =	sand.u32 $0x4000, s31;
	s1 =	sadd.s32 s1, s30  }
0xba: {  	s0 =	sor.u32 s3, s0;
	s1 =	sshll.u32 s1, $0x11  }
0xbb: {  	s0 =	sor.u32 s1, s0  }
0xbc: {  	s0 =	sadd.s32 $0x8F2B, s0  }
0xbd: {  	[sflag:s0] =	ssyncadd.remote.s32 $0x1  }
0xbe: {  	_ =	sfence.sel $0xFFFF  }
0xbf: {  	[dreg:$0x0] =	wrdreg $0xFFFFFFFF;
	(pc) =	sbr.abs _section_cstart, $3  }
0xc0: {  	[dreg:$0x1] =	wrdreg $0xFFFFFFFF  }
0xc1: {  	_ =	task.clear_ibuf [dreg:s6], $0x2FFFF;
	_ =	strace $0x9FFFFFFF  }
0xc2: {  	(tm) =	ssettm $0x7FFFFFFF  }
0xc3: {  	_ =	shalt  }
tec
execute0_lowered:
.L_overlay_start_1:
0x0: {  	(tag) =	ssettag $0x1  }
0x1: {  	s0 =	srdreg.scid  }
0x2: {  	s1 =	rddreg [dreg:$0x0];
	s12 =	stileid.u32  }
0x3: {  	s2 =	rddreg [dreg:$0x1];
	s13 =	simm.s32 $0xB;
	s29 =	simm.s32 $0xE420  }
0x4: {  	s31 =	simm.s32 $0x11620;
	s14 =	simm.s32 $0x2;
	s5 =	smul.u32 $0xA000, s12  }
0x5: {  	s28 =	simm.s32 $0x4;
	s30 =	simm.s32 $0x5;
	s7 =	smul.u32 $0x14000, s12  }
0x6: {  	s0 =	sand.u32 $0x1, s0;
	s21 =	smul.u32 $0x28000, s12;
	s22 =	sadd.s32 $0x2BA00, s1  }
0x7: {  	s3 =	sshll.u32 s0, $0x4;
	s8 =	sshll.u32 s0, $0x6;
	s18 =	ssub.s32 $0x2, s0  }
0x8: {  	p0 =	seq.s32 s0, $0x1;
	s4 =	sor.u32 s12, s3;
	s3 =	simm.s32 $0x0  }
0x9: {  	s9 =	sshrl.u32 s5, $0x3;
	s7 =	sor.u32 s8, s7;
	s11 =	sshrl.u32 s18, $0x1  }
0xa: {  	s0 =	sadd.s32 s5, s2;
	s5 =	sadd.s32 $0x96000, s2;
	s25 =	sshrl.u32 s21, $0x2  }
0xb: {  	p2 =	seq.s32 @!p0 s12, $0xF;
	s21 =	simm.s32 $0xC8;
	s4 =	smul.u32 $0x2710, s4  }
0xc: {  	[smem:$0x7FF] =	sst s3;
	s10 =	sadd.s32 s9, s1;
	s7 =	sshrl.u32 s7, $0x3  }
0xd: {  	s8 =	ssub.s32 s18, s11;
	p1 =	por !p2, p0;
	p2 =	por p2, p0  }
0xe: {  	s16 =	sshrl.u32 @p0 s0, $0x3;
	_ =	strace $0x8000004A;
	s7 =	sadd.s32 s7, s1  }
0xf: {  	[dreg:$0x6] =	wrdreg s22;
	s23 =	sadd.s32 $0x2C800, s10;
	s26 =	smax.u32 s8, $0x1  }
0x10: {  	s17 =	sshrl.u32 @!p1 s5, $0x3;
	s5 =	sshll.u32 @!p2 s12, $0x6;
	s22 =	simm.s32 $0x4E20  }
0x11: {  	s8 =	simm.s32 $0xA;
	s6 =	sshrl.u32 s4, $0x3;
	[dreg:$0x8] =	wrdreg s23  }
0x12: {  	s4 =	sadd.s32 $0x18E00, s1;
	s24 =	sadd.s32 $0x40800, s7;
	[dreg:$0xa] =	wrdreg s26  }
0x13: {  	s23 =	simm.s32 $0x8020;
	s26 =	simm.s32 $0xB220;
	s7 =	simm.s32 $0x9  }
0x14: {  	s6 =	sadd.s32 s6, s1;
	s20 =	sadd.s32 s4, s9;
	s9 =	sadd.s32 $0x9C400, s2  }
0x15: {  	s1 =	sadd.s32 $0x40080, s1;
	[dreg:$0x9] =	wrdreg s24;
	s24 =	simm.s32 $0x3  }
0x16: {  	s19 =	sadd.s32 $0x2C00, s6;
	s6 =	sadd.s32 $0xC840, s6;
	[dreg:$0x5] =	wrdreg s20  }
0x17: {  	[dreg:$0x7] =	wrdreg s1;
	s1 =	sadd.s32 s25, s2;
	s18 =	sshrl.u32 @!p1 s9, $0x3  }
0x18: {  	s20 =	sshrl.u32 @!p2 s0, $0x3;
	s0 =	simm.s32 $0x6;
	[dreg:$0x3] =	wrdreg s19  }
0x19: {  	s9 =	simm.s32 $0x0;
	[dreg:$0x4] =	wrdreg s6;
	s6 =	sshll.u32 @p0 s12, $0x6  }
0x1a: {  	s19 =	sor.u32 @!p2 $0x1C0B, s5;
	s25 =	sshrl.u32 s1, $0x3;
	s1 =	simm.s32 $0x1  }
0x1b: {  	s5 =	simm.s32 $0x7;
	s15 =	sor.u32 @p0 $0x1C0B, s6;
	s6 =	simm.s32 $0x8  }
.LBB2_1:
0x1c: {  	s10 =	rddreg [dreg:$0x3]  }
0x1d: {  	[tilespmem:s3], [sflag:$0xB] =	stream.linear.gather [hbm4b:s10+s3], $0x2710, $0x38;
	[tilespmem:$0x1E820] =	vst v63  }
0x1e: {  	_ =	swait.ge [sflag:s13], $0x2710  }
0x1f: {  	[sflag:s13] =	ssyncset.done $0x0  }
0x20: {  	s11 =	simm.s32 $0x2710;
	s12 =	rddreg [dreg:$0x4];
	[sflag:s13] =	ssyncadd.s32 $0xFFFFD8F0  }
0x21: {  	[tilespmem:s11], [sflag:$0xB] =	stream.linear.gather [hbm4b:s12+s3], $0x2710, $0x38;
	[tilespmem:$0x1E820] =	vst v63  }
0x22: {  	_ =	swait.ge [sflag:s13], $0x2710  }
0x23: {  	[sflag:s13] =	ssyncset.done $0x0  }
0x24: {  	s10 =	rddreg [dreg:$0x8];
	[sflag:s13] =	ssyncadd.s32 $0xFFFFD8F0  }
0x25: {  	[spmem:s16], [sflag:s15] =	dma.local @p0 [hbm:s10], $0x1400  }
0x26: {  	s10 =	simm.s32 @p0 $0xB  }
0x27: {  	_ =	swait.ge @p0 [sflag:s10], $0x1400  }
0x28: {  	[sflag:s10] =	ssyncset.done @p0 $0x0  }
0x29: {  	s11 =	rddreg [dreg:$0x6];
	[sflag:s10] =	ssyncadd.s32 @p0 $0xFFFFEC00;
	s10 =	simm.s32 @!p1 $0x1FCB  }
0x2a: {  	[spmem:s17], [sflag:s10] =	dma.local @!p1 [hbm:s11], $0xC80  }
0x2b: {  	s11 =	simm.s32 @!p1 $0xB  }
0x2c: {  	_ =	swait.ge @!p1 [sflag:s11], $0xC80  }
0x2d: {  	[sflag:s11] =	ssyncset.done @!p1 $0x0  }
0x2e: {  	s12 =	rddreg [dreg:$0x7];
	[sflag:s11] =	ssyncadd.s32 @!p1 $0xFFFFF380  }
0x2f: {  	[spmem:s18], [sflag:s10] =	dma.local @!p1 [hbm:s12], $0x780  }
0x30: {  	_ =	swait.ge @!p1 [sflag:s11], $0x780  }
0x31: {  	[sflag:s11] =	ssyncset.done @!p1 $0x0  }
0x32: {  	s10 =	rddreg [dreg:$0x5];
	[sflag:s11] =	ssyncadd.s32 @!p1 $0xFFFFF880  }
0x33: {  	[spmem:s20], [sflag:s19] =	dma.local @!p2 [hbm:s10], $0x1400  }
0x34: {  	s10 =	simm.s32 @!p2 $0xB  }
0x35: {  	_ =	swait.ge @!p2 [sflag:s10], $0x1400  }
0x36: {  	[sflag:s10] =	ssyncset.done @!p2 $0x0  }
0x37: {  	[sflag:s10] =	ssyncadd.s32 @!p2 $0xFFFFEC00  }
0x38: {  	[bflag:$0x0] =	sbarrier.arrive $0xFFFF  }
0x39: {  	[tilespmem:s22], [sflag:$0x1] =	stream.indirect.gather [hbm4b:s4+s21], $0x40, s3, s21, $0xb8;
	[tilespmem:$0x1E820] =	vst v63  }
0x3a: {  	_ = 	snop  }
0x3b: {  	[tilespmem:s23], [sflag:$0x2] =	stream.indirect.gather [hbm4b:s4+s21], $0x40, s21, s21, $0xb8;
	[tilespmem:$0x1E820] =	vst v63  }
0x3c: {  	s11 =	simm.s32 $0x190  }
0x3d: {  	[tilespmem:s26], [sflag:$0x3] =	stream.indirect.gather [hbm4b:s4+s21], $0x40, s11, s21, $0xb8;
	[tilespmem:$0x1E820] =	vst v63  }
0x3e: {  	s12 =	simm.s32 $0x258  }
0x3f: {  	[tilespmem:s29], [sflag:$0x4] =	stream.indirect.gather [hbm4b:s4+s21], $0x40, s12, s21, $0xb8;
	[tilespmem:$0x1E820] =	vst v63  }
0x40: {  	s11 =	simm.s32 $0x320  }
0x41: {  	[tilespmem:s31], [sflag:$0x5] =	stream.indirect.gather [hbm4b:s4+s21], $0x40, s11, s21, $0xb8;
	[tilespmem:$0x1E820] =	vst v63  }
0x42: {  	_ =	swait.ge [sflag:s1], $0x3200  }
0x43: {  	[sflag:s1] =	ssyncset.done $0x0  }
0x44: {  	s12 =	simm.s32 $0x2710;
	[sflag:s1] =	ssyncadd.s32 $0xFFFFCE00  }
0x45: {  	[spmem:s2] =	stream.indirect.scatter.add.f32 [tilespmem:s22], [sflag:$0x6], $0x40, s12, s21, $0xb8;
	[tilespmem:$0x1E820] =	vst v63  }
0x46: {  	_ =	swait.ge [sflag:s14], $0x3200  }
0x47: {  	[sflag:s14] =	ssyncset.done $0x0  }
0x48: {  	s11 =	simm.s32 $0x27D8;
	[sflag:s14] =	ssyncadd.s32 $0xFFFFCE00  }
0x49: {  	[spmem:s2] =	stream.indirect.scatter.add.f32 [tilespmem:s23], [sflag:$0x7], $0x40, s11, s21, $0xb8;
	[tilespmem:$0x1E820] =	vst v63  }
0x4a: {  	_ =	swait.ge [sflag:s24], $0x3200  }
0x4b: {  	[sflag:s24] =	ssyncset.done $0x0  }
0x4c: {  	s12 =	simm.s32 $0x28A0;
	[sflag:s24] =	ssyncadd.s32 $0xFFFFCE00  }
0x4d: {  	[spmem:s2] =	stream.indirect.scatter.add.f32 [tilespmem:s26], [sflag:$0x8], $0x40, s12, s21, $0xb8;
	[tilespmem:$0x1E820] =	vst v63  }
0x4e: {  	_ =	swait.ge [sflag:s28], $0x3200  }
0x4f: {  	[sflag:s28] =	ssyncset.done $0x0  }
0x50: {  	s11 =	simm.s32 $0x2968;
	[sflag:s28] =	ssyncadd.s32 $0xFFFFCE00  }
0x51: {  	[spmem:s2] =	stream.indirect.scatter.add.f32 [tilespmem:s29], [sflag:$0x9], $0x40, s11, s21, $0xb8;
	[tilespmem:$0x1E820] =	vst v63  }
0x52: {  	_ =	swait.ge [sflag:s30], $0x3200  }
0x53: {  	[sflag:s30] =	ssyncset.done $0x0  }
0x54: {  	s12 =	simm.s32 $0x2A30;
	[sflag:s30] =	ssyncadd.s32 $0xFFFFCE00  }
0x55: {  	[spmem:s2] =	stream.indirect.scatter.add.f32 [tilespmem:s31], [sflag:$0xA], $0x40, s12, s21, $0xb8;
	[tilespmem:$0x1E820] =	vst v63  }
0x56: {  	_ =	swait.ge [sflag:s0], $0x3200  }
0x57: {  	[sflag:s0] =	ssyncset.done $0x0  }
0x58: {  	s11 =	simm.s32 $0x3E8;
	[sflag:s0] =	ssyncadd.s32 $0xFFFFCE00  }
0x59: {  	[tilespmem:s22], [sflag:$0x1] =	stream.indirect.gather [hbm4b:s4+s21], $0x40, s11, s21, $0xb8;
	[tilespmem:$0x1E820] =	vst v63  }
0x5a: {  	_ =	swait.ge [sflag:s5], $0x3200  }
0x5b: {  	[sflag:s5] =	ssyncset.done $0x0  }
0x5c: {  	s12 =	simm.s32 $0x4B0;
	[sflag:s5] =	ssyncadd.s32 $0xFFFFCE00  }
0x5d: {  	[tilespmem:s23], [sflag:$0x2] =	stream.indirect.gather [hbm4b:s4+s21], $0x40, s12, s21, $0xb8;
	[tilespmem:$0x1E820] =	vst v63  }
0x5e: {  	_ =	swait.ge [sflag:s6], $0x3200  }
0x5f: {  	[sflag:s6] =	ssyncset.done $0x0  }
0x60: {  	s11 =	simm.s32 $0x578;
	[sflag:s6] =	ssyncadd.s32 $0xFFFFCE00  }
0x61: {  	[tilespmem:s26], [sflag:$0x3] =	stream.indirect.gather [hbm4b:s4+s21], $0x40, s11, s21, $0xb8;
	[tilespmem:$0x1E820] =	vst v63  }
0x62: {  	_ =	swait.ge [sflag:s7], $0x3200  }
0x63: {  	[sflag:s7] =	ssyncset.done $0x0  }
0x64: {  	s12 =	simm.s32 $0x640;
	[sflag:s7] =	ssyncadd.s32 $0xFFFFCE00  }
0x65: {  	[tilespmem:s29], [sflag:$0x4] =	stream.indirect.gather [hbm4b:s4+s21], $0x40, s12, s21, $0xb8;
	[tilespmem:$0x1E820] =	vst v63  }
0x66: {  	_ =	swait.ge [sflag:s8], $0x3200  }
0x67: {  	[sflag:s8] =	ssyncset.done $0x0  }
0x68: {  	s10 =	simm.s32 $0xFA0;
	s11 =	simm.s32 $0x708;
	[sflag:s8] =	ssyncadd.s32 $0xFFFFCE00  }
.LBB2_2:
0x69: {  	[tilespmem:s31], [sflag:$0x5] =	stream.indirect.gather [hbm4b:s4+s21], $0x40, s11, s21, $0xb8;
	[tilespmem:$0x1E820] =	vst v63  }
0x6a: {  	s11 =	smov.u32 s10  }
0x6b: {  	p3 =	sne.s32 s10, $0x7D00;
	s10 =	sadd.s32 $0xFA0, s10;
	_ =	swait.ge [sflag:s1], $0x3200  }
0x6c: {  	s11 =	sshra.s32 s11, $0x2;
	[sflag:s1] =	ssyncset.done $0x0  }
0x6d: {  	s12 =	sadd.s32 $0x2710, s11;
	[sflag:s1] =	ssyncadd.s32 $0xFFFFCE00  }
0x6e: {  	[spmem:s2] =	stream.indirect.scatter.add.f32 [tilespmem:s22], [sflag:$0x6], $0x40, s12, s21, $0xb8;
	[tilespmem:$0x1E820] =	vst v63  }
0x6f: {  	_ =	swait.ge [sflag:s14], $0x3200  }
0x70: {  	[sflag:s14] =	ssyncset.done $0x0  }
0x71: {  	s12 =	sadd.s32 $0x27D8, s11;
	[sflag:s14] =	ssyncadd.s32 $0xFFFFCE00  }
0x72: {  	[spmem:s2] =	stream.indirect.scatter.add.f32 [tilespmem:s23], [sflag:$0x7], $0x40, s12, s21, $0xb8;
	[tilespmem:$0x1E820] =	vst v63  }
0x73: {  	_ =	swait.ge [sflag:s24], $0x3200  }
0x74: {  	[sflag:s24] =	ssyncset.done $0x0  }
0x75: {  	s12 =	sadd.s32 $0x28A0, s11;
	[sflag:s24] =	ssyncadd.s32 $0xFFFFCE00  }
0x76: {  	[spmem:s2] =	stream.indirect.scatter.add.f32 [tilespmem:s26], [sflag:$0x8], $0x40, s12, s21, $0xb8;
	[tilespmem:$0x1E820] =	vst v63  }
0x77: {  	_ =	swait.ge [sflag:s28], $0x3200  }
0x78: {  	[sflag:s28] =	ssyncset.done $0x0  }
0x79: {  	s12 =	sadd.s32 $0x2968, s11;
	[sflag:s28] =	ssyncadd.s32 $0xFFFFCE00  }
0x7a: {  	[spmem:s2] =	stream.indirect.scatter.add.f32 [tilespmem:s29], [sflag:$0x9], $0x40, s12, s21, $0xb8;
	[tilespmem:$0x1E820] =	vst v63  }
0x7b: {  	_ =	swait.ge [sflag:s30], $0x3200  }
0x7c: {  	[sflag:s30] =	ssyncset.done $0x0  }
0x7d: {  	s12 =	sadd.s32 $0x2A30, s11;
	[sflag:s30] =	ssyncadd.s32 $0xFFFFCE00  }
0x7e: {  	[spmem:s2] =	stream.indirect.scatter.add.f32 [tilespmem:s31], [sflag:$0xA], $0x40, s12, s21, $0xb8;
	[tilespmem:$0x1E820] =	vst v63  }
0x7f: {  	_ =	swait.ge [sflag:s0], $0x3200  }
0x80: {  	[sflag:s0] =	ssyncset.done $0x0  }
0x81: {  	s12 =	sadd.s32 $0x3E8, s11;
	[sflag:s0] =	ssyncadd.s32 $0xFFFFCE00  }
0x82: {  	[tilespmem:s22], [sflag:$0x1] =	stream.indirect.gather [hbm4b:s4+s21], $0x40, s12, s21, $0xb8;
	[tilespmem:$0x1E820] =	vst v63  }
0x83: {  	_ =	swait.ge [sflag:s5], $0x3200  }
0x84: {  	[sflag:s5] =	ssyncset.done $0x0  }
0x85: {  	s12 =	sadd.s32 $0x4B0, s11;
	[sflag:s5] =	ssyncadd.s32 $0xFFFFCE00  }
0x86: {  	[tilespmem:s23], [sflag:$0x2] =	stream.indirect.gather [hbm4b:s4+s21], $0x40, s12, s21, $0xb8;
	[tilespmem:$0x1E820] =	vst v63  }
0x87: {  	_ =	swait.ge [sflag:s6], $0x3200  }
0x88: {  	[sflag:s6] =	ssyncset.done $0x0  }
0x89: {  	s12 =	sadd.s32 $0x578, s11;
	[sflag:s6] =	ssyncadd.s32 $0xFFFFCE00  }
0x8a: {  	[tilespmem:s26], [sflag:$0x3] =	stream.indirect.gather [hbm4b:s4+s21], $0x40, s12, s21, $0xb8;
	[tilespmem:$0x1E820] =	vst v63  }
0x8b: {  	_ =	swait.ge [sflag:s7], $0x3200  }
0x8c: {  	[sflag:s7] =	ssyncset.done $0x0  }
.Ltmp0:
0x8d: {  	s12 =	sadd.s32 $0x640, s11;
	[sflag:s7] =	ssyncadd.s32 $0xFFFFCE00;
	(pc) =	sbr.rel @p3 .LBB2_2-.Ltmp0, $4  }
0x8e: {  	[tilespmem:s29], [sflag:$0x4] =	stream.indirect.gather [hbm4b:s4+s21], $0x40, s12, s21, $0xb8;
	[tilespmem:$0x1E820] =	vst v63  }
0x8f: {  	_ =	swait.ge [sflag:s8], $0x3200  }
0x90: {  	[sflag:s8] =	ssyncset.done $0x0  }
0x91: {  	s11 =	sadd.s32 $0x708, s11;
	[sflag:s8] =	ssyncadd.s32 $0xFFFFCE00  }
0x92: {  	[tilespmem:s31], [sflag:$0x5] =	stream.indirect.gather [hbm4b:s4+s21], $0x40, s11, s21, $0xb8;
	[tilespmem:$0x1E820] =	vst v63  }
0x93: {  	_ =	swait.ge [sflag:s1], $0x3200  }
0x94: {  	[sflag:s1] =	ssyncset.done $0x0  }
0x95: {  	s10 =	simm.s32 $0x4A38;
	[sflag:s1] =	ssyncadd.s32 $0xFFFFCE00  }
0x96: {  	[spmem:s2] =	stream.indirect.scatter.add.f32 [tilespmem:s22], [sflag:$0x6], $0x40, s10, s21, $0xb8;
	[tilespmem:$0x1E820] =	vst v63  }
0x97: {  	_ =	swait.ge [sflag:s14], $0x3200  }
0x98: {  	[sflag:s14] =	ssyncset.done $0x0  }
0x99: {  	s11 =	simm.s32 $0x4B00;
	[sflag:s14] =	ssyncadd.s32 $0xFFFFCE00  }
0x9a: {  	[spmem:s2] =	stream.indirect.scatter.add.f32 [tilespmem:s23], [sflag:$0x7], $0x40, s11, s21, $0xb8;
	[tilespmem:$0x1E820] =	vst v63  }
0x9b: {  	_ =	swait.ge [sflag:s24], $0x3200  }
0x9c: {  	[sflag:s24] =	ssyncset.done $0x0  }
0x9d: {  	s12 =	simm.s32 $0x4BC8;
	[sflag:s24] =	ssyncadd.s32 $0xFFFFCE00  }
0x9e: {  	[spmem:s2] =	stream.indirect.scatter.add.f32 [tilespmem:s26], [sflag:$0x8], $0x40, s12, s21, $0xb8;
	[tilespmem:$0x1E820] =	vst v63  }
0x9f: {  	_ =	swait.ge [sflag:s28], $0x3200  }
0xa0: {  	[sflag:s28] =	ssyncset.done $0x0  }
0xa1: {  	s11 =	simm.s32 $0x4C90;
	[sflag:s28] =	ssyncadd.s32 $0xFFFFCE00  }
0xa2: {  	[spmem:s2] =	stream.indirect.scatter.add.f32 [tilespmem:s29], [sflag:$0x9], $0x40, s11, s21, $0xb8;
	[tilespmem:$0x1E820] =	vst v63  }
0xa3: {  	_ =	swait.ge [sflag:s30], $0x3200  }
0xa4: {  	[sflag:s30] =	ssyncset.done $0x0  }
0xa5: {  	s12 =	simm.s32 $0x4D58;
	[sflag:s30] =	ssyncadd.s32 $0xFFFFCE00  }
0xa6: {  	[spmem:s2] =	stream.indirect.scatter.add.f32 [tilespmem:s31], [sflag:$0xA], $0x40, s12, s21, $0xb8;
	[tilespmem:$0x1E820] =	vst v63  }
0xa7: {  	_ =	swait.ge [sflag:s0], $0x3200  }
0xa8: {  	[sflag:s0] =	ssyncset.done $0x0  }
0xa9: {  	[sflag:s0] =	ssyncadd.s32 $0xFFFFCE00  }
0xaa: {  	_ =	swait.ge [sflag:s5], $0x3200  }
0xab: {  	[sflag:s5] =	ssyncset.done $0x0  }
0xac: {  	[sflag:s5] =	ssyncadd.s32 $0xFFFFCE00  }
0xad: {  	_ =	swait.ge [sflag:s6], $0x3200  }
0xae: {  	[sflag:s6] =	ssyncset.done $0x0  }
0xaf: {  	[sflag:s6] =	ssyncadd.s32 $0xFFFFCE00  }
0xb0: {  	_ =	swait.ge [sflag:s7], $0x3200  }
0xb1: {  	[sflag:s7] =	ssyncset.done $0x0  }
0xb2: {  	[sflag:s7] =	ssyncadd.s32 $0xFFFFCE00  }
0xb3: {  	_ =	swait.ge [sflag:s8], $0x3200  }
0xb4: {  	[sflag:s8] =	ssyncset.done $0x0  }
0xb5: {  	s11 =	stileid.u32;
	[sflag:s8] =	ssyncadd.s32 $0xFFFFCE00  }
0xb6: {  	s10 =	sshll.u32 s11, $0x6;
	[bflag:$0x0] =	sbarrier.arrive $0xFFFF  }
0xb7: {  	s10 =	sor.u32 $0x1C0B, s10;
	s12 =	simm.s32 $0x10;
	s11 =	rddreg [dreg:$0x9]  }
0xb8: {  	[hbm:s11@s12], [sflag:s10] =	dma.strided [spmem:s25@s6], $0x1400, s1, $0x8   }
0xb9: {  	_ =	swait.ge [sflag:s13], $0x1400  }
0xba: {  	s9 =	sadd.s32 $0x1, s9;
	s12 =	rddreg [dreg:$0xa]  }
0xbb: {  	p3 =	sne.s32 s9, s12  }
.Ltmp1:
0xbc: {  	_ = 	snop;
	(pc) =	sbr.rel @p3 .LBB2_1-.Ltmp1, $3  }
0xbd: {  	_ =	sdelay $0x1  }
0xbe: {  	[sflag:s13] =	ssyncset.done $0x0  }
0xbf: {  	[sflag:s13] =	ssyncadd.s32 $0xFFFFEC00  }
0xc0: {  	_ =	sfence.sel $0x180000  }
0xc1: {  	[bflag:$0x0] =	sbarrier.arrive $0xFFFF  }
0xc2: {  	_ =	strace $0x9000004A  }
0xc3: {  	s0 =	stileid.u32;
	[bflag:$0x2] =	sbarrier.arrive $0xFFFF  }
0xc4: {  	p0 =	sne.s32 s0, $0x0;
	s0 =	rddreg [dreg:$0x2]  }
0xc5: {  	s0 =	sadd.s32 @!p0 $0x100000, s0  }
0xc6: {  	[sflag:s0] =	ssyncadd.tile.s32 @!p0 $0x1;
	_ =	shalt  }
.Lfunc_end2:
_tile_overlayer_lowered:
.L_overlay_start_2:
0xc7: {  	(tag) =	ssettag $0x2  }
0xc8: {  	s0 =	rddreg [dreg:$0x0];
	s2 =	stileid.u32  }
0xc9: {  	s1 =	rddreg [dreg:$0x1];
	p0 =	sne.s32 s2, $0x0  }
0xca: {  	s3 =	rddreg [dreg:$0x2];
	[bflag:$0x3] =	sbarrier.arrive $0xFFFF;
	s2 =	simm.s32 @!p0 $0x1C0B  }
0xcb: {  	[timem:s3], [sflag:s2] =	dma.local @!p0 [hbm:s0], s1  }
0xcc: {  	s0 =	simm.s32 @!p0 $0xB  }
0xcd: {  	_ =	swait.ge @!p0 [sflag:s0], s1  }
0xce: {  	s1 =	ssub.s32 @!p0 $0x0, s1;
	[sflag:s0] =	ssyncset.done @!p0 $0x0  }
0xcf: {  	[sflag:s0] =	ssyncadd.s32 @!p0 s1  }
0xd0: {  	[bflag:$0x3] =	sbarrier.arrive $0xFFFF  }
0xd1: {  	_ =	shalt  }

// kernel: kernel.16.cloned.1.call-start
scs
__scs_entry_jumppad:
0x0: {  	(pc) =	sbr.rel $0x88, $3  }
0x1: {  	(tag) =	ssettag $0x0;
	lr =	simm.s32 $0x1  }
0x2: {  	[smem:$0x3F99] =	sst lr;
	_ =	strace $0xD0000000  }
0x3: {  	_ = 	snop  }
0x4: {  	_ = 	snop  }
0x5: {  	_ = 	snop  }
0x6: {  	_ = 	snop  }
0x7: {  	_ = 	snop  }
__scs_overlays_trampoline_lowered:
0x8: {  	[smem:$0x3FA8] =	sst s0  }
0x9: {  	[smem:$0x3FA9] =	sst s1  }
0xa: {  	[smem:$0x3FAA] =	sst s2  }
0xb: {  	[smem:$0x3FAB] =	sst s3  }
0xc: {  	[smem:$0x3FAC] =	sst s4  }
0xd: {  	[smem:$0x3FAD] =	sst s5  }
0xe: {  	[smem:$0x3FAE] =	sst s6  }
0xf: {  	[smem:$0x3FAF] =	sst s7  }
0x10: {  	[smem:$0x3FB0] =	sst s8  }
0x11: {  	[smem:$0x3FB1] =	sst s9;
	s0 =	simm.s32 @!p0 $0x0  }
0x12: {  	s1 =	sld [smem:$0x3F97];
	s0 =	simm.s32 @p0 $0x1  }
0x13: {  	[smem:$0x3FB2] =	sst s0;
	s0 =	simm.s32 @!p1 $0x0  }
0x14: {  	s2 =	sld [smem:$0x3F96];
	s0 =	simm.s32 @p1 $0x1  }
0x15: {  	[smem:$0x3FB3] =	sst s0;
	s0 =	simm.s32 @!p2 $0x0  }
0x16: {  	s3 =	sld [smem:$0x3FDB];
	s0 =	simm.s32 @p2 $0x1  }
0x17: {  	s4 =	simm.s32 $0x1BF5;
	[smem:$0x3FB5] =	sst s0  }
0x18: {  	s0 =	sld [smem:$0x3F98];
	_ =	swait.ge [sflag:s4], $0x0  }
0x19: {  	s7 =	sld [smem:$0x3F99]  }
0x1a: {  	s8 =	sadd.s32 $0xFFFFE003, lr  }
0x1b: {  	s9 =	sadd.s32 $0xFFFFFEF7, lr;
	s5 =	simm.s32 $0xFFFFFFFF;
	p2 =	slt.u32 s8, $0xFFFFF086  }
0x1c: {  	p1 =	slt.u32 s9, $0xF7A;
	s5 =	simm.s32 @!p2 $0x0  }
0x1d: {  	s5 =	simm.s32 @p1 $0x1;
	p0 =	seq.s32 s7, s2  }
0x1e: {  	s7 =	smul.u32 @!p0 $0xF7A, s2;
	p2 =	seq.s32 @!p0 s5, $0x0  }
0x1f: {  	s9 =	smul.u32 $0xF7A, s1;
	s8 =	simm.s32 @!p0 $0x1BF5;
	p2 =	por !p2, p0  }
0x20: {  	[sflag:s8] =	ssyncset.s32 @!p0 $0xFFFFF086;
	s6 =	sadd.s32 @!p0 s3, s7;
	s7 =	simm.s32 @!p0 $0x108  }
0x21: {  	s3 =	sadd.s32 s3, s9;
	s6 =	sadd.s32 @!p0 $0x88, s6;
	s7 =	simm.s32 @p2 $0x1082  }
0x22: {  	[simem:s7], [sflag:s8] =	dma.local @!p0 [hbm:s6], $0xF7A  }
0x23: {  	s9 =	sor.u32 $0xD0000000, s2;
	s6 =	simm.s32 $0x108;
	_ =	swait.ge @!p0 [sflag:s8], $0x0  }
0x24: {  	s3 =	sadd.s32 $0x88, s3;
	s6 =	simm.s32 @!p1 $0x1082;
	[sflag:s4] =	ssyncset.s32 $0xFFFFF086  }
0x25: {  	[simem:s6], [sflag:s4] =	dma.local [hbm:s3], $0xF7A  }
0x26: {  	[smem:$0x3F99] =	sst s1;
	(tag) =	ssettag s2;
	_ =	strace s9  }
0x27: {  	s1 =	sld [smem:$0x3FA9]  }
0x28: {  	s2 =	sld [smem:$0x3FAA]  }
0x29: {  	s4 =	sld [smem:$0x3FAC]  }
0x2a: {  	p0 =	seq.s32 s5, $0x0;
	s5 =	sld [smem:$0x3FAD]  }
0x2b: {  	s6 =	sld [smem:$0x3FAE]  }
0x2c: {  	s7 =	sld [smem:$0x3FAF]  }
0x2d: {  	s3 =	simm.s32 $0x108;
	s8 =	sld [smem:$0x3FB0]  }
0x2e: {  	s3 =	simm.s32 @!p0 $0x1082;
	s9 =	sld [smem:$0x3FB1]  }
0x2f: {  	lr =	sadd.s32 s0, s3;
	s0 =	sld [smem:$0x3FA8]  }
0x30: {  	s3 =	sld [smem:$0x3FAB]  }
0x31: {  	[smem:$0x3FB4] =	sst s10  }
0x32: {  	s10 =	sld [smem:$0x3FB2];
	_ =	sdelay $0x3  }
0x33: {  	p0 =	seq.s32 s10, $0x1;
	s10 =	sld [smem:$0x3FB4];
	_ =	sdelay $0x3  }
0x34: {  	[smem:$0x3FB4] =	sst s10  }
0x35: {  	s10 =	sld [smem:$0x3FB3];
	_ =	sdelay $0x3  }
0x36: {  	p1 =	seq.s32 s10, $0x1;
	s10 =	sld [smem:$0x3FB4];
	_ =	sdelay $0x3  }
0x37: {  	[smem:$0x3FB4] =	sst s10  }
0x38: {  	s10 =	sld [smem:$0x3FB5]  }
0x39: {  	_ = 	snop;
	(pc) =	sbr.ind lr, $3  }
0x3a: {  	_ = 	snop  }
0x3b: {  	_ = 	snop  }
0x3c: {  	p2 =	seq.s32 s10, $0x1;
	s10 =	sld [smem:$0x3FB4]  }
0x3d: {  	_ =	shalt  }
0x3e: {  	_ =	shalt  }
0x3f: {  	_ =	shalt  }
0x40: {  	_ =	shalt  }
0x41: {  	_ =	shalt  }
0x42: {  	_ =	shalt  }
0x43: {  	_ =	shalt  }
0x44: {  	_ =	shalt  }
0x45: {  	_ =	shalt  }
0x46: {  	_ =	shalt  }
0x47: {  	_ =	shalt  }
0x48: {  	_ =	shalt  }
0x49: {  	_ =	shalt  }
0x4a: {  	_ =	shalt  }
0x4b: {  	_ =	shalt  }
0x4c: {  	_ =	shalt  }
0x4d: {  	_ =	shalt  }
0x4e: {  	_ =	shalt  }
0x4f: {  	_ =	shalt  }
0x50: {  	_ =	shalt  }
0x51: {  	_ =	shalt  }
0x52: {  	_ =	shalt  }
0x53: {  	_ =	shalt  }
0x54: {  	_ =	shalt  }
0x55: {  	_ =	shalt  }
0x56: {  	_ =	shalt  }
0x57: {  	_ =	shalt  }
0x58: {  	_ =	shalt  }
0x59: {  	_ =	shalt  }
0x5a: {  	_ =	shalt  }
0x5b: {  	_ =	shalt  }
0x5c: {  	_ =	shalt  }
0x5d: {  	_ =	shalt  }
0x5e: {  	_ =	shalt  }
0x5f: {  	_ =	shalt  }
0x60: {  	_ =	shalt  }
0x61: {  	_ =	shalt  }
0x62: {  	_ =	shalt  }
0x63: {  	_ =	shalt  }
0x64: {  	_ =	shalt  }
0x65: {  	_ =	shalt  }
0x66: {  	_ =	shalt  }
0x67: {  	_ =	shalt  }
0x68: {  	_ =	shalt  }
0x69: {  	_ =	shalt  }
0x6a: {  	_ =	shalt  }
0x6b: {  	_ =	shalt  }
0x6c: {  	_ =	shalt  }
0x6d: {  	_ =	shalt  }
0x6e: {  	_ =	shalt  }
0x6f: {  	_ =	shalt  }
0x70: {  	_ =	shalt  }
0x71: {  	_ =	shalt  }
0x72: {  	_ =	shalt  }
0x73: {  	_ =	shalt  }
0x74: {  	_ =	shalt  }
0x75: {  	_ =	shalt  }
0x76: {  	_ =	shalt  }
0x77: {  	_ =	shalt  }
0x78: {  	_ =	shalt  }
0x79: {  	_ =	shalt  }
0x7a: {  	_ =	shalt  }
0x7b: {  	_ =	shalt  }
0x7c: {  	_ =	shalt  }
0x7d: {  	_ =	shalt  }
0x7e: {  	_ =	shalt  }
0x7f: {  	_ =	shalt  }
0x80: {  	_ =	shalt  }
0x81: {  	_ =	shalt  }
0x82: {  	_ =	shalt  }
0x83: {  	_ =	shalt  }
0x84: {  	_ =	shalt  }
0x85: {  	_ =	shalt  }
0x86: {  	_ =	shalt  }
0x87: {  	_ =	shalt  }
.Lfunc_end0:
.L_simem_size_0:
called_computation.2_lowered:
.L_overlay_start_0:
0x88: {  	s2 =	sld [smem:$0x3FD9]  }
0x89: {  	s3 =	sld [smem:$0x3FFE];
	_ =	sdelay $0x1  }
0x8a: {  	s1 =	srdreg.scid  }
0x8b: {  	s0 =	sand.u32 $0x1, s1  }
0x8c: {  	s16 =	sshll.u32 s0, $0xA;
	s2 =	sadd.s32 s3, s2  }
0x8d: {  	s2 =	sadd.s32 s2, s16  }
0x8e: {  	[smem:$0x3FC0] =	sst s2  }
0x8f: {  	_ = 	snop  }
0x90: {  	(tm) =	ssettm $0x1  }
0x91: {  	s17 =	sld [smem:$0x3FFB];
	_ =	sdelay $0x3  }
0x92: {  	_ =	strace s17  }
0x93: {  	s2 =	sld [smem:$0x3FFC];
	_ =	sdelay $0x3  }
0x94: {  	_ =	strace s2  }
0x95: {  	s2 =	sld [smem:$0x3FFD];
	_ =	sdelay $0x3  }
0x96: {  	_ =	strace s2  }
0x97: {  	_ =	strace $0x8FFFFFFF  }
0x98: {  	s18 =	sld [smem:$0x3FDB];
	_ =	sdelay $0x1  }
0x99: {  	s19 =	simm.s32 $_scs_section_size  }
0x9a: {  	s4 =	simm.s32 $_size__tile_overlayer_lowered;
	s5 =	simm.s32 $_tile_overlayer_lowered  }
0x9b: {  	s22 =	simm.s32 $0x1BFF;
	s21 =	sshll.u32 s5, $0x1;
	s2 =	sadd.s32 s19, s18  }
0x9c: {  	s6 =	simm.s32 $0x0;
	s20 =	sshll.u32 s4, $0x1;
	s4 =	sadd.s32 s21, s2  }
0x9d: {  	[timem:s6], [sflag:s22] =	dma.local [hbm:s4], s20  }
0x9e: {  	_ =	swait.ge [sflag:s22], s20  }
0x9f: {  	s3 =	ssub.s32 $0x0, s20;
	[sflag:s22] =	ssyncset.done $0x0  }
0xa0: {  	[sflag:s22] =	ssyncadd.s32 s3;
	_ =	sdelay $0x1  }
0xa1: {  	s23 =	simm.s32 $0x1B8B  }
0xa2: {  	_ =	swait.ge [sflag:s23], $0x1  }
0xa3: {  	[sflag:s23] =	ssyncset.done $0x0  }
0xa4: {  	s25 =	simm.s32 $0x1B8E;
	s24 =	sld [smem:$0x3FFE];
	[sflag:s23] =	ssyncadd.s32 $0xFFFFFFFF  }
0xa5: {  	s26 =	simm.s32 $execute0_lowered;
	[smem:$0x3FD2] =	sst s25  }
0xa6: {  	s4 =	sshll.u32 s26, $0x1;
	_ =	strace $0x8000004C;
	[dreg:$0x1] =	wrdreg $0xFFFFFFFF  }
0xa7: {  	s28 =	simm.s32 $_size_execute0_lowered;
	s2 =	sadd.s32 s2, s4;
	[dreg:$0x0] =	wrdreg $0x0  }
0xa8: {  	s4 =	sshll.u32 s28, $0x1;
	[dreg:$0x2] =	wrdreg s2  }
0xa9: {  	[dreg:$0x3] =	wrdreg s4  }
0xaa: {  	[dreg:$0x4] =	wrdreg $0xC0  }
0xab: {  	_ =	task [dreg:s6], $0x5FFFF  }
0xac: {  	[dreg:$0x1] =	wrdreg $0xFFFFFFFF  }
0xad: {  	[dreg:$0x0] =	wrdreg $0x60  }
0xae: {  	[dreg:$0x2] =	wrdreg s24  }
0xaf: {  	[dreg:$0x3] =	wrdreg $0x148200  }
0xb0: {  	[dreg:$0x4] =	wrdreg $0x9  }
0xb1: {  	_ =	task.clear_ibuf [dreg:s6], $0x5FFFF;
	_ =	strace $0x9000004C  }
0xb2: {  	s29 =	simm.s32 $0x9;
	_ =	strace $0x8000004E  }
0xb3: {  	_ =	swait.ge [sflag:s29], $0x1  }
0xb4: {  	[sflag:s29] =	ssyncadd.s32 $0xFFFFFFFF  }
0xb5: {  	_ =	strace $0x9000004E  }
0xb6: {  	_ =	sfence  }
0xb7: {  	s30 =	sld [smem:$0x0];
	_ =	sdelay $0x2  }
0xb8: {  	s31 =	sshll.u32 s1, $0xD;
	s1 =	sshrl.u32 s1, $0x2  }
0xb9: {  	s3 =	sand.u32 $0x4000, s31;
	s1 =	sadd.s32 s1, s30  }
0xba: {  	s0 =	sor.u32 s3, s0;
	s1 =	sshll.u32 s1, $0x11  }
0xbb: {  	s0 =	sor.u32 s1, s0  }
0xbc: {  	s0 =	sadd.s32 $0x8F2B, s0  }
0xbd: {  	[sflag:s0] =	ssyncadd.remote.s32 $0x1  }
0xbe: {  	_ =	sfence.sel $0xFFFF  }
0xbf: {  	[dreg:$0x0] =	wrdreg $0xFFFFFFFF;
	(pc) =	sbr.abs _section_cstart, $3  }
0xc0: {  	[dreg:$0x1] =	wrdreg $0xFFFFFFFF  }
0xc1: {  	_ =	task.clear_ibuf [dreg:s6], $0x2FFFF;
	_ =	strace $0x9FFFFFFF  }
0xc2: {  	(tm) =	ssettm $0x7FFFFFFF  }
0xc3: {  	_ =	shalt  }
tec
execute0_lowered:
.L_overlay_start_1:
0x0: {  	(tag) =	ssettag $0x1  }
0x1: {  	s0 =	srdreg.scid  }
0x2: {  	s1 =	rddreg [dreg:$0x0];
	s12 =	stileid.u32  }
0x3: {  	s2 =	rddreg [dreg:$0x1];
	s13 =	simm.s32 $0xB;
	s29 =	simm.s32 $0xE420  }
0x4: {  	s31 =	simm.s32 $0x11620;
	s14 =	simm.s32 $0x2;
	s5 =	smul.u32 $0xA000, s12  }
0x5: {  	s28 =	simm.s32 $0x4;
	s30 =	simm.s32 $0x5;
	s7 =	smul.u32 $0x14000, s12  }
0x6: {  	s0 =	sand.u32 $0x1, s0;
	s21 =	smul.u32 $0x28000, s12;
	s22 =	sadd.s32 $0x2BA00, s1  }
0x7: {  	s3 =	sshll.u32 s0, $0x4;
	s8 =	sshll.u32 s0, $0x6;
	s18 =	ssub.s32 $0x2, s0  }
0x8: {  	p0 =	seq.s32 s0, $0x1;
	s4 =	sor.u32 s12, s3;
	s3 =	simm.s32 $0x0  }
0x9: {  	s9 =	sshrl.u32 s5, $0x3;
	s7 =	sor.u32 s8, s7;
	s11 =	sshrl.u32 s18, $0x1  }
0xa: {  	s0 =	sadd.s32 s5, s2;
	s5 =	sadd.s32 $0x96000, s2;
	s25 =	sshrl.u32 s21, $0x2  }
0xb: {  	p2 =	seq.s32 @!p0 s12, $0xF;
	s21 =	simm.s32 $0xC8;
	s4 =	smul.u32 $0x2710, s4  }
0xc: {  	[smem:$0x7FF] =	sst s3;
	s10 =	sadd.s32 s9, s1;
	s7 =	sshrl.u32 s7, $0x3  }
0xd: {  	s8 =	ssub.s32 s18, s11;
	p1 =	por !p2, p0;
	p2 =	por p2, p0  }
0xe: {  	s16 =	sshrl.u32 @p0 s0, $0x3;
	_ =	strace $0x8000004D;
	s7 =	sadd.s32 s7, s1  }
0xf: {  	[dreg:$0x6] =	wrdreg s22;
	s23 =	sadd.s32 $0x2C800, s10;
	s26 =	smax.u32 s8, $0x1  }
0x10: {  	s17 =	sshrl.u32 @!p1 s5, $0x3;
	s5 =	sshll.u32 @!p2 s12, $0x6;
	s22 =	simm.s32 $0x4E20  }
0x11: {  	s8 =	simm.s32 $0xA;
	s6 =	sshrl.u32 s4, $0x3;
	[dreg:$0x8] =	wrdreg s23  }
0x12: {  	s4 =	sadd.s32 $0x18E00, s1;
	s24 =	sadd.s32 $0x40800, s7;
	[dreg:$0xa] =	wrdreg s26  }
0x13: {  	s23 =	simm.s32 $0x8020;
	s26 =	simm.s32 $0xB220;
	s7 =	simm.s32 $0x9  }
0x14: {  	s6 =	sadd.s32 s6, s1;
	s20 =	sadd.s32 s4, s9;
	s9 =	sadd.s32 $0x9C400, s2  }
0x15: {  	s1 =	sadd.s32 $0x40080, s1;
	[dreg:$0x9] =	wrdreg s24;
	s24 =	simm.s32 $0x3  }
0x16: {  	s19 =	sadd.s32 $0x2C00, s6;
	s6 =	sadd.s32 $0xC840, s6;
	[dreg:$0x5] =	wrdreg s20  }
0x17: {  	[dreg:$0x7] =	wrdreg s1;
	s1 =	sadd.s32 s25, s2;
	s18 =	sshrl.u32 @!p1 s9, $0x3  }
0x18: {  	s20 =	sshrl.u32 @!p2 s0, $0x3;
	s0 =	simm.s32 $0x6;
	[dreg:$0x3] =	wrdreg s19  }
0x19: {  	s9 =	simm.s32 $0x0;
	[dreg:$0x4] =	wrdreg s6;
	s6 =	sshll.u32 @p0 s12, $0x6  }
0x1a: {  	s19 =	sor.u32 @!p2 $0x1C0B, s5;
	s25 =	sshrl.u32 s1, $0x3;
	s1 =	simm.s32 $0x1  }
0x1b: {  	s5 =	simm.s32 $0x7;
	s15 =	sor.u32 @p0 $0x1C0B, s6;
	s6 =	simm.s32 $0x8  }
.LBB2_1:
0x1c: {  	s10 =	rddreg [dreg:$0x3]  }
0x1d: {  	[tilespmem:s3], [sflag:$0xB] =	stream.linear.gather [hbm4b:s10+s3], $0x2710, $0x38;
	[tilespmem:$0x1E820] =	vst v63  }
0x1e: {  	_ =	swait.ge [sflag:s13], $0x2710  }
0x1f: {  	[sflag:s13] =	ssyncset.done $0x0  }
0x20: {  	s11 =	simm.s32 $0x2710;
	s12 =	rddreg [dreg:$0x4];
	[sflag:s13] =	ssyncadd.s32 $0xFFFFD8F0  }
0x21: {  	[tilespmem:s11], [sflag:$0xB] =	stream.linear.gather [hbm4b:s12+s3], $0x2710, $0x38;
	[tilespmem:$0x1E820] =	vst v63  }
0x22: {  	_ =	swait.ge [sflag:s13], $0x2710  }
0x23: {  	[sflag:s13] =	ssyncset.done $0x0  }
0x24: {  	s10 =	rddreg [dreg:$0x8];
	[sflag:s13] =	ssyncadd.s32 $0xFFFFD8F0  }
0x25: {  	[spmem:s16], [sflag:s15] =	dma.local @p0 [hbm:s10], $0x1400  }
0x26: {  	s10 =	simm.s32 @p0 $0xB  }
0x27: {  	_ =	swait.ge @p0 [sflag:s10], $0x1400  }
0x28: {  	[sflag:s10] =	ssyncset.done @p0 $0x0  }
0x29: {  	s11 =	rddreg [dreg:$0x6];
	[sflag:s10] =	ssyncadd.s32 @p0 $0xFFFFEC00;
	s10 =	simm.s32 @!p1 $0x1FCB  }
0x2a: {  	[spmem:s17], [sflag:s10] =	dma.local @!p1 [hbm:s11], $0xC80  }
0x2b: {  	s11 =	simm.s32 @!p1 $0xB  }
0x2c: {  	_ =	swait.ge @!p1 [sflag:s11], $0xC80  }
0x2d: {  	[sflag:s11] =	ssyncset.done @!p1 $0x0  }
0x2e: {  	s12 =	rddreg [dreg:$0x7];
	[sflag:s11] =	ssyncadd.s32 @!p1 $0xFFFFF380  }
0x2f: {  	[spmem:s18], [sflag:s10] =	dma.local @!p1 [hbm:s12], $0x780  }
0x30: {  	_ =	swait.ge @!p1 [sflag:s11], $0x780  }
0x31: {  	[sflag:s11] =	ssyncset.done @!p1 $0x0  }
0x32: {  	s10 =	rddreg [dreg:$0x5];
	[sflag:s11] =	ssyncadd.s32 @!p1 $0xFFFFF880  }
0x33: {  	[spmem:s20], [sflag:s19] =	dma.local @!p2 [hbm:s10], $0x1400  }
0x34: {  	s10 =	simm.s32 @!p2 $0xB  }
0x35: {  	_ =	swait.ge @!p2 [sflag:s10], $0x1400  }
0x36: {  	[sflag:s10] =	ssyncset.done @!p2 $0x0  }
0x37: {  	[sflag:s10] =	ssyncadd.s32 @!p2 $0xFFFFEC00  }
0x38: {  	[bflag:$0x0] =	sbarrier.arrive $0xFFFF  }
0x39: {  	[tilespmem:s22], [sflag:$0x1] =	stream.indirect.gather [hbm4b:s4+s21], $0x40, s3, s21, $0xb8;
	[tilespmem:$0x1E820] =	vst v63  }
0x3a: {  	_ = 	snop  }
0x3b: {  	[tilespmem:s23], [sflag:$0x2] =	stream.indirect.gather [hbm4b:s4+s21], $0x40, s21, s21, $0xb8;
	[tilespmem:$0x1E820] =	vst v63  }
0x3c: {  	s11 =	simm.s32 $0x190  }
0x3d: {  	[tilespmem:s26], [sflag:$0x3] =	stream.indirect.gather [hbm4b:s4+s21], $0x40, s11, s21, $0xb8;
	[tilespmem:$0x1E820] =	vst v63  }
0x3e: {  	s12 =	simm.s32 $0x258  }
0x3f: {  	[tilespmem:s29], [sflag:$0x4] =	stream.indirect.gather [hbm4b:s4+s21], $0x40, s12, s21, $0xb8;
	[tilespmem:$0x1E820] =	vst v63  }
0x40: {  	s11 =	simm.s32 $0x320  }
0x41: {  	[tilespmem:s31], [sflag:$0x5] =	stream.indirect.gather [hbm4b:s4+s21], $0x40, s11, s21, $0xb8;
	[tilespmem:$0x1E820] =	vst v63  }
0x42: {  	_ =	swait.ge [sflag:s1], $0x3200  }
0x43: {  	[sflag:s1] =	ssyncset.done $0x0  }
0x44: {  	s12 =	simm.s32 $0x2710;
	[sflag:s1] =	ssyncadd.s32 $0xFFFFCE00  }
0x45: {  	[spmem:s2] =	stream.indirect.scatter.add.f32 [tilespmem:s22], [sflag:$0x6], $0x40, s12, s21, $0xb8;
	[tilespmem:$0x1E820] =	vst v63  }
0x46: {  	_ =	swait.ge [sflag:s14], $0x3200  }
0x47: {  	[sflag:s14] =	ssyncset.done $0x0  }
0x48: {  	s11 =	simm.s32 $0x27D8;
	[sflag:s14] =	ssyncadd.s32 $0xFFFFCE00  }
0x49: {  	[spmem:s2] =	stream.indirect.scatter.add.f32 [tilespmem:s23], [sflag:$0x7], $0x40, s11, s21, $0xb8;
	[tilespmem:$0x1E820] =	vst v63  }
0x4a: {  	_ =	swait.ge [sflag:s24], $0x3200  }
0x4b: {  	[sflag:s24] =	ssyncset.done $0x0  }
0x4c: {  	s12 =	simm.s32 $0x28A0;
	[sflag:s24] =	ssyncadd.s32 $0xFFFFCE00  }
0x4d: {  	[spmem:s2] =	stream.indirect.scatter.add.f32 [tilespmem:s26], [sflag:$0x8], $0x40, s12, s21, $0xb8;
	[tilespmem:$0x1E820] =	vst v63  }
0x4e: {  	_ =	swait.ge [sflag:s28], $0x3200  }
0x4f: {  	[sflag:s28] =	ssyncset.done $0x0  }
0x50: {  	s11 =	simm.s32 $0x2968;
	[sflag:s28] =	ssyncadd.s32 $0xFFFFCE00  }
0x51: {  	[spmem:s2] =	stream.indirect.scatter.add.f32 [tilespmem:s29], [sflag:$0x9], $0x40, s11, s21, $0xb8;
	[tilespmem:$0x1E820] =	vst v63  }
0x52: {  	_ =	swait.ge [sflag:s30], $0x3200  }
0x53: {  	[sflag:s30] =	ssyncset.done $0x0  }
0x54: {  	s12 =	simm.s32 $0x2A30;
	[sflag:s30] =	ssyncadd.s32 $0xFFFFCE00  }
0x55: {  	[spmem:s2] =	stream.indirect.scatter.add.f32 [tilespmem:s31], [sflag:$0xA], $0x40, s12, s21, $0xb8;
	[tilespmem:$0x1E820] =	vst v63  }
0x56: {  	_ =	swait.ge [sflag:s0], $0x3200  }
0x57: {  	[sflag:s0] =	ssyncset.done $0x0  }
0x58: {  	s11 =	simm.s32 $0x3E8;
	[sflag:s0] =	ssyncadd.s32 $0xFFFFCE00  }
0x59: {  	[tilespmem:s22], [sflag:$0x1] =	stream.indirect.gather [hbm4b:s4+s21], $0x40, s11, s21, $0xb8;
	[tilespmem:$0x1E820] =	vst v63  }
0x5a: {  	_ =	swait.ge [sflag:s5], $0x3200  }
0x5b: {  	[sflag:s5] =	ssyncset.done $0x0  }
0x5c: {  	s12 =	simm.s32 $0x4B0;
	[sflag:s5] =	ssyncadd.s32 $0xFFFFCE00  }
0x5d: {  	[tilespmem:s23], [sflag:$0x2] =	stream.indirect.gather [hbm4b:s4+s21], $0x40, s12, s21, $0xb8;
	[tilespmem:$0x1E820] =	vst v63  }
0x5e: {  	_ =	swait.ge [sflag:s6], $0x3200  }
0x5f: {  	[sflag:s6] =	ssyncset.done $0x0  }
0x60: {  	s11 =	simm.s32 $0x578;
	[sflag:s6] =	ssyncadd.s32 $0xFFFFCE00  }
0x61: {  	[tilespmem:s26], [sflag:$0x3] =	stream.indirect.gather [hbm4b:s4+s21], $0x40, s11, s21, $0xb8;
	[tilespmem:$0x1E820] =	vst v63  }
0x62: {  	_ =	swait.ge [sflag:s7], $0x3200  }
0x63: {  	[sflag:s7] =	ssyncset.done $0x0  }
0x64: {  	s12 =	simm.s32 $0x640;
	[sflag:s7] =	ssyncadd.s32 $0xFFFFCE00  }
0x65: {  	[tilespmem:s29], [sflag:$0x4] =	stream.indirect.gather [hbm4b:s4+s21], $0x40, s12, s21, $0xb8;
	[tilespmem:$0x1E820] =	vst v63  }
0x66: {  	_ =	swait.ge [sflag:s8], $0x3200  }
0x67: {  	[sflag:s8] =	ssyncset.done $0x0  }
0x68: {  	s10 =	simm.s32 $0xFA0;
	s11 =	simm.s32 $0x708;
	[sflag:s8] =	ssyncadd.s32 $0xFFFFCE00  }
.LBB2_2:
0x69: {  	[tilespmem:s31], [sflag:$0x5] =	stream.indirect.gather [hbm4b:s4+s21], $0x40, s11, s21, $0xb8;
	[tilespmem:$0x1E820] =	vst v63  }
0x6a: {  	s11 =	smov.u32 s10  }
0x6b: {  	p3 =	sne.s32 s10, $0x7D00;
	s10 =	sadd.s32 $0xFA0, s10;
	_ =	swait.ge [sflag:s1], $0x3200  }
0x6c: {  	s11 =	sshra.s32 s11, $0x2;
	[sflag:s1] =	ssyncset.done $0x0  }
0x6d: {  	s12 =	sadd.s32 $0x2710, s11;
	[sflag:s1] =	ssyncadd.s32 $0xFFFFCE00  }
0x6e: {  	[spmem:s2] =	stream.indirect.scatter.add.f32 [tilespmem:s22], [sflag:$0x6], $0x40, s12, s21, $0xb8;
	[tilespmem:$0x1E820] =	vst v63  }
0x6f: {  	_ =	swait.ge [sflag:s14], $0x3200  }
0x70: {  	[sflag:s14] =	ssyncset.done $0x0  }
0x71: {  	s12 =	sadd.s32 $0x27D8, s11;
	[sflag:s14] =	ssyncadd.s32 $0xFFFFCE00  }
0x72: {  	[spmem:s2] =	stream.indirect.scatter.add.f32 [tilespmem:s23], [sflag:$0x7], $0x40, s12, s21, $0xb8;
	[tilespmem:$0x1E820] =	vst v63  }
0x73: {  	_ =	swait.ge [sflag:s24], $0x3200  }
0x74: {  	[sflag:s24] =	ssyncset.done $0x0  }
0x75: {  	s12 =	sadd.s32 $0x28A0, s11;
	[sflag:s24] =	ssyncadd.s32 $0xFFFFCE00  }
0x76: {  	[spmem:s2] =	stream.indirect.scatter.add.f32 [tilespmem:s26], [sflag:$0x8], $0x40, s12, s21, $0xb8;
	[tilespmem:$0x1E820] =	vst v63  }
0x77: {  	_ =	swait.ge [sflag:s28], $0x3200  }
0x78: {  	[sflag:s28] =	ssyncset.done $0x0  }
0x79: {  	s12 =	sadd.s32 $0x2968, s11;
	[sflag:s28] =	ssyncadd.s32 $0xFFFFCE00  }
0x7a: {  	[spmem:s2] =	stream.indirect.scatter.add.f32 [tilespmem:s29], [sflag:$0x9], $0x40, s12, s21, $0xb8;
	[tilespmem:$0x1E820] =	vst v63  }
0x7b: {  	_ =	swait.ge [sflag:s30], $0x3200  }
0x7c: {  	[sflag:s30] =	ssyncset.done $0x0  }
0x7d: {  	s12 =	sadd.s32 $0x2A30, s11;
	[sflag:s30] =	ssyncadd.s32 $0xFFFFCE00  }
0x7e: {  	[spmem:s2] =	stream.indirect.scatter.add.f32 [tilespmem:s31], [sflag:$0xA], $0x40, s12, s21, $0xb8;
	[tilespmem:$0x1E820] =	vst v63  }
0x7f: {  	_ =	swait.ge [sflag:s0], $0x3200  }
0x80: {  	[sflag:s0] =	ssyncset.done $0x0  }
0x81: {  	s12 =	sadd.s32 $0x3E8, s11;
	[sflag:s0] =	ssyncadd.s32 $0xFFFFCE00  }
0x82: {  	[tilespmem:s22], [sflag:$0x1] =	stream.indirect.gather [hbm4b:s4+s21], $0x40, s12, s21, $0xb8;
	[tilespmem:$0x1E820] =	vst v63  }
0x83: {  	_ =	swait.ge [sflag:s5], $0x3200  }
0x84: {  	[sflag:s5] =	ssyncset.done $0x0  }
0x85: {  	s12 =	sadd.s32 $0x4B0, s11;
	[sflag:s5] =	ssyncadd.s32 $0xFFFFCE00  }
0x86: {  	[tilespmem:s23], [sflag:$0x2] =	stream.indirect.gather [hbm4b:s4+s21], $0x40, s12, s21, $0xb8;
	[tilespmem:$0x1E820] =	vst v63  }
0x87: {  	_ =	swait.ge [sflag:s6], $0x3200  }
0x88: {  	[sflag:s6] =	ssyncset.done $0x0  }
0x89: {  	s12 =	sadd.s32 $0x578, s11;
	[sflag:s6] =	ssyncadd.s32 $0xFFFFCE00  }
0x8a: {  	[tilespmem:s26], [sflag:$0x3] =	stream.indirect.gather [hbm4b:s4+s21], $0x40, s12, s21, $0xb8;
	[tilespmem:$0x1E820] =	vst v63  }
0x8b: {  	_ =	swait.ge [sflag:s7], $0x3200  }
0x8c: {  	[sflag:s7] =	ssyncset.done $0x0  }
.Ltmp0:
0x8d: {  	s12 =	sadd.s32 $0x640, s11;
	[sflag:s7] =	ssyncadd.s32 $0xFFFFCE00;
	(pc) =	sbr.rel @p3 .LBB2_2-.Ltmp0, $4  }
0x8e: {  	[tilespmem:s29], [sflag:$0x4] =	stream.indirect.gather [hbm4b:s4+s21], $0x40, s12, s21, $0xb8;
	[tilespmem:$0x1E820] =	vst v63  }
0x8f: {  	_ =	swait.ge [sflag:s8], $0x3200  }
0x90: {  	[sflag:s8] =	ssyncset.done $0x0  }
0x91: {  	s11 =	sadd.s32 $0x708, s11;
	[sflag:s8] =	ssyncadd.s32 $0xFFFFCE00  }
0x92: {  	[tilespmem:s31], [sflag:$0x5] =	stream.indirect.gather [hbm4b:s4+s21], $0x40, s11, s21, $0xb8;
	[tilespmem:$0x1E820] =	vst v63  }
0x93: {  	_ =	swait.ge [sflag:s1], $0x3200  }
0x94: {  	[sflag:s1] =	ssyncset.done $0x0  }
0x95: {  	s10 =	simm.s32 $0x4A38;
	[sflag:s1] =	ssyncadd.s32 $0xFFFFCE00  }
0x96: {  	[spmem:s2] =	stream.indirect.scatter.add.f32 [tilespmem:s22], [sflag:$0x6], $0x40, s10, s21, $0xb8;
	[tilespmem:$0x1E820] =	vst v63  }
0x97: {  	_ =	swait.ge [sflag:s14], $0x3200  }
0x98: {  	[sflag:s14] =	ssyncset.done $0x0  }
0x99: {  	s11 =	simm.s32 $0x4B00;
	[sflag:s14] =	ssyncadd.s32 $0xFFFFCE00  }
0x9a: {  	[spmem:s2] =	stream.indirect.scatter.add.f32 [tilespmem:s23], [sflag:$0x7], $0x40, s11, s21, $0xb8;
	[tilespmem:$0x1E820] =	vst v63  }
0x9b: {  	_ =	swait.ge [sflag:s24], $0x3200  }
0x9c: {  	[sflag:s24] =	ssyncset.done $0x0  }
0x9d: {  	s12 =	simm.s32 $0x4BC8;
	[sflag:s24] =	ssyncadd.s32 $0xFFFFCE00  }
0x9e: {  	[spmem:s2] =	stream.indirect.scatter.add.f32 [tilespmem:s26], [sflag:$0x8], $0x40, s12, s21, $0xb8;
	[tilespmem:$0x1E820] =	vst v63  }
0x9f: {  	_ =	swait.ge [sflag:s28], $0x3200  }
0xa0: {  	[sflag:s28] =	ssyncset.done $0x0  }
0xa1: {  	s11 =	simm.s32 $0x4C90;
	[sflag:s28] =	ssyncadd.s32 $0xFFFFCE00  }
0xa2: {  	[spmem:s2] =	stream.indirect.scatter.add.f32 [tilespmem:s29], [sflag:$0x9], $0x40, s11, s21, $0xb8;
	[tilespmem:$0x1E820] =	vst v63  }
0xa3: {  	_ =	swait.ge [sflag:s30], $0x3200  }
0xa4: {  	[sflag:s30] =	ssyncset.done $0x0  }
0xa5: {  	s12 =	simm.s32 $0x4D58;
	[sflag:s30] =	ssyncadd.s32 $0xFFFFCE00  }
0xa6: {  	[spmem:s2] =	stream.indirect.scatter.add.f32 [tilespmem:s31], [sflag:$0xA], $0x40, s12, s21, $0xb8;
	[tilespmem:$0x1E820] =	vst v63  }
0xa7: {  	_ =	swait.ge [sflag:s0], $0x3200  }
0xa8: {  	[sflag:s0] =	ssyncset.done $0x0  }
0xa9: {  	[sflag:s0] =	ssyncadd.s32 $0xFFFFCE00  }
0xaa: {  	_ =	swait.ge [sflag:s5], $0x3200  }
0xab: {  	[sflag:s5] =	ssyncset.done $0x0  }
0xac: {  	[sflag:s5] =	ssyncadd.s32 $0xFFFFCE00  }
0xad: {  	_ =	swait.ge [sflag:s6], $0x3200  }
0xae: {  	[sflag:s6] =	ssyncset.done $0x0  }
0xaf: {  	[sflag:s6] =	ssyncadd.s32 $0xFFFFCE00  }
0xb0: {  	_ =	swait.ge [sflag:s7], $0x3200  }
0xb1: {  	[sflag:s7] =	ssyncset.done $0x0  }
0xb2: {  	[sflag:s7] =	ssyncadd.s32 $0xFFFFCE00  }
0xb3: {  	_ =	swait.ge [sflag:s8], $0x3200  }
0xb4: {  	[sflag:s8] =	ssyncset.done $0x0  }
0xb5: {  	s11 =	stileid.u32;
	[sflag:s8] =	ssyncadd.s32 $0xFFFFCE00  }
0xb6: {  	s10 =	sshll.u32 s11, $0x6;
	[bflag:$0x0] =	sbarrier.arrive $0xFFFF  }
0xb7: {  	s10 =	sor.u32 $0x1C0B, s10;
	s12 =	simm.s32 $0x10;
	s11 =	rddreg [dreg:$0x9]  }
0xb8: {  	[hbm:s11@s12], [sflag:s10] =	dma.strided [spmem:s25@s6], $0x1400, s1, $0x8   }
0xb9: {  	_ =	swait.ge [sflag:s13], $0x1400  }
0xba: {  	s9 =	sadd.s32 $0x1, s9;
	s12 =	rddreg [dreg:$0xa]  }
0xbb: {  	p3 =	sne.s32 s9, s12  }
.Ltmp1:
0xbc: {  	_ = 	snop;
	(pc) =	sbr.rel @p3 .LBB2_1-.Ltmp1, $3  }
0xbd: {  	_ =	sdelay $0x1  }
0xbe: {  	[sflag:s13] =	ssyncset.done $0x0  }
0xbf: {  	[sflag:s13] =	ssyncadd.s32 $0xFFFFEC00  }
0xc0: {  	_ =	sfence.sel $0x180000  }
0xc1: {  	[bflag:$0x0] =	sbarrier.arrive $0xFFFF  }
0xc2: {  	_ =	strace $0x9000004D  }
0xc3: {  	s0 =	stileid.u32;
	[bflag:$0x2] =	sbarrier.arrive $0xFFFF  }
0xc4: {  	p0 =	sne.s32 s0, $0x0;
	s0 =	rddreg [dreg:$0x2]  }
0xc5: {  	s0 =	sadd.s32 @!p0 $0x100000, s0  }
0xc6: {  	[sflag:s0] =	ssyncadd.tile.s32 @!p0 $0x1;
	_ =	shalt  }
.Lfunc_end2:
_tile_overlayer_lowered:
.L_overlay_start_2:
0xc7: {  	(tag) =	ssettag $0x2  }
0xc8: {  	s0 =	rddreg [dreg:$0x0];
	s2 =	stileid.u32  }
0xc9: {  	s1 =	rddreg [dreg:$0x1];
	p0 =	sne.s32 s2, $0x0  }
0xca: {  	s3 =	rddreg [dreg:$0x2];
	[bflag:$0x3] =	sbarrier.arrive $0xFFFF;
	s2 =	simm.s32 @!p0 $0x1C0B  }
0xcb: {  	[timem:s3], [sflag:s2] =	dma.local @!p0 [hbm:s0], s1  }
0xcc: {  	s0 =	simm.s32 @!p0 $0xB  }
0xcd: {  	_ =	swait.ge @!p0 [sflag:s0], s1  }
0xce: {  	s1 =	ssub.s32 @!p0 $0x0, s1;
	[sflag:s0] =	ssyncset.done @!p0 $0x0  }
0xcf: {  	[sflag:s0] =	ssyncadd.s32 @!p0 s1  }
0xd0: {  	[bflag:$0x3] =	sbarrier.arrive $0xFFFF  }
0xd1: {  	_ =	shalt  }

// kernel: kernel.19.cloned.1.call-start
scs
__scs_entry_jumppad:
0x0: {  	(pc) =	sbr.rel $0x88, $3  }
0x1: {  	(tag) =	ssettag $0x0;
	lr =	simm.s32 $0x1  }
0x2: {  	[smem:$0x3F99] =	sst lr;
	_ =	strace $0xD0000000  }
0x3: {  	_ = 	snop  }
0x4: {  	_ = 	snop  }
0x5: {  	_ = 	snop  }
0x6: {  	_ = 	snop  }
0x7: {  	_ = 	snop  }
__scs_overlays_trampoline_lowered:
0x8: {  	[smem:$0x3FA8] =	sst s0  }
0x9: {  	[smem:$0x3FA9] =	sst s1  }
0xa: {  	[smem:$0x3FAA] =	sst s2  }
0xb: {  	[smem:$0x3FAB] =	sst s3  }
0xc: {  	[smem:$0x3FAC] =	sst s4  }
0xd: {  	[smem:$0x3FAD] =	sst s5  }
0xe: {  	[smem:$0x3FAE] =	sst s6  }
0xf: {  	[smem:$0x3FAF] =	sst s7  }
0x10: {  	[smem:$0x3FB0] =	sst s8  }
0x11: {  	[smem:$0x3FB1] =	sst s9;
	s0 =	simm.s32 @!p0 $0x0  }
0x12: {  	s1 =	sld [smem:$0x3F97];
	s0 =	simm.s32 @p0 $0x1  }
0x13: {  	[smem:$0x3FB2] =	sst s0;
	s0 =	simm.s32 @!p1 $0x0  }
0x14: {  	s2 =	sld [smem:$0x3F96];
	s0 =	simm.s32 @p1 $0x1  }
0x15: {  	[smem:$0x3FB3] =	sst s0;
	s0 =	simm.s32 @!p2 $0x0  }
0x16: {  	s3 =	sld [smem:$0x3FDB];
	s0 =	simm.s32 @p2 $0x1  }
0x17: {  	s4 =	simm.s32 $0x1BF5;
	[smem:$0x3FB5] =	sst s0  }
0x18: {  	s0 =	sld [smem:$0x3F98];
	_ =	swait.ge [sflag:s4], $0x0  }
0x19: {  	s7 =	sld [smem:$0x3F99]  }
0x1a: {  	s8 =	sadd.s32 $0xFFFFE003, lr  }
0x1b: {  	s9 =	sadd.s32 $0xFFFFFEF7, lr;
	s5 =	simm.s32 $0xFFFFFFFF;
	p2 =	slt.u32 s8, $0xFFFFF086  }
0x1c: {  	p1 =	slt.u32 s9, $0xF7A;
	s5 =	simm.s32 @!p2 $0x0  }
0x1d: {  	s5 =	simm.s32 @p1 $0x1;
	p0 =	seq.s32 s7, s2  }
0x1e: {  	s7 =	smul.u32 @!p0 $0xF7A, s2;
	p2 =	seq.s32 @!p0 s5, $0x0  }
0x1f: {  	s9 =	smul.u32 $0xF7A, s1;
	s8 =	simm.s32 @!p0 $0x1BF5;
	p2 =	por !p2, p0  }
0x20: {  	[sflag:s8] =	ssyncset.s32 @!p0 $0xFFFFF086;
	s6 =	sadd.s32 @!p0 s3, s7;
	s7 =	simm.s32 @!p0 $0x108  }
0x21: {  	s3 =	sadd.s32 s3, s9;
	s6 =	sadd.s32 @!p0 $0x88, s6;
	s7 =	simm.s32 @p2 $0x1082  }
0x22: {  	[simem:s7], [sflag:s8] =	dma.local @!p0 [hbm:s6], $0xF7A  }
0x23: {  	s9 =	sor.u32 $0xD0000000, s2;
	s6 =	simm.s32 $0x108;
	_ =	swait.ge @!p0 [sflag:s8], $0x0  }
0x24: {  	s3 =	sadd.s32 $0x88, s3;
	s6 =	simm.s32 @!p1 $0x1082;
	[sflag:s4] =	ssyncset.s32 $0xFFFFF086  }
0x25: {  	[simem:s6], [sflag:s4] =	dma.local [hbm:s3], $0xF7A  }
0x26: {  	[smem:$0x3F99] =	sst s1;
	(tag) =	ssettag s2;
	_ =	strace s9  }
0x27: {  	s1 =	sld [smem:$0x3FA9]  }
0x28: {  	s2 =	sld [smem:$0x3FAA]  }
0x29: {  	s4 =	sld [smem:$0x3FAC]  }
0x2a: {  	p0 =	seq.s32 s5, $0x0;
	s5 =	sld [smem:$0x3FAD]  }
0x2b: {  	s6 =	sld [smem:$0x3FAE]  }
0x2c: {  	s7 =	sld [smem:$0x3FAF]  }
0x2d: {  	s3 =	simm.s32 $0x108;
	s8 =	sld [smem:$0x3FB0]  }
0x2e: {  	s3 =	simm.s32 @!p0 $0x1082;
	s9 =	sld [smem:$0x3FB1]  }
0x2f: {  	lr =	sadd.s32 s0, s3;
	s0 =	sld [smem:$0x3FA8]  }
0x30: {  	s3 =	sld [smem:$0x3FAB]  }
0x31: {  	[smem:$0x3FB4] =	sst s10  }
0x32: {  	s10 =	sld [smem:$0x3FB2];
	_ =	sdelay $0x3  }
0x33: {  	p0 =	seq.s32 s10, $0x1;
	s10 =	sld [smem:$0x3FB4];
	_ =	sdelay $0x3  }
0x34: {  	[smem:$0x3FB4] =	sst s10  }
0x35: {  	s10 =	sld [smem:$0x3FB3];
	_ =	sdelay $0x3  }
0x36: {  	p1 =	seq.s32 s10, $0x1;
	s10 =	sld [smem:$0x3FB4];
	_ =	sdelay $0x3  }
0x37: {  	[smem:$0x3FB4] =	sst s10  }
0x38: {  	s10 =	sld [smem:$0x3FB5]  }
0x39: {  	_ = 	snop;
	(pc) =	sbr.ind lr, $3  }
0x3a: {  	_ = 	snop  }
0x3b: {  	_ = 	snop  }
0x3c: {  	p2 =	seq.s32 s10, $0x1;
	s10 =	sld [smem:$0x3FB4]  }
0x3d: {  	_ =	shalt  }
0x3e: {  	_ =	shalt  }
0x3f: {  	_ =	shalt  }
0x40: {  	_ =	shalt  }
0x41: {  	_ =	shalt  }
0x42: {  	_ =	shalt  }
0x43: {  	_ =	shalt  }
0x44: {  	_ =	shalt  }
0x45: {  	_ =	shalt  }
0x46: {  	_ =	shalt  }
0x47: {  	_ =	shalt  }
0x48: {  	_ =	shalt  }
0x49: {  	_ =	shalt  }
0x4a: {  	_ =	shalt  }
0x4b: {  	_ =	shalt  }
0x4c: {  	_ =	shalt  }
0x4d: {  	_ =	shalt  }
0x4e: {  	_ =	shalt  }
0x4f: {  	_ =	shalt  }
0x50: {  	_ =	shalt  }
0x51: {  	_ =	shalt  }
0x52: {  	_ =	shalt  }
0x53: {  	_ =	shalt  }
0x54: {  	_ =	shalt  }
0x55: {  	_ =	shalt  }
0x56: {  	_ =	shalt  }
0x57: {  	_ =	shalt  }
0x58: {  	_ =	shalt  }
0x59: {  	_ =	shalt  }
0x5a: {  	_ =	shalt  }
0x5b: {  	_ =	shalt  }
0x5c: {  	_ =	shalt  }
0x5d: {  	_ =	shalt  }
0x5e: {  	_ =	shalt  }
0x5f: {  	_ =	shalt  }
0x60: {  	_ =	shalt  }
0x61: {  	_ =	shalt  }
0x62: {  	_ =	shalt  }
0x63: {  	_ =	shalt  }
0x64: {  	_ =	shalt  }
0x65: {  	_ =	shalt  }
0x66: {  	_ =	shalt  }
0x67: {  	_ =	shalt  }
0x68: {  	_ =	shalt  }
0x69: {  	_ =	shalt  }
0x6a: {  	_ =	shalt  }
0x6b: {  	_ =	shalt  }
0x6c: {  	_ =	shalt  }
0x6d: {  	_ =	shalt  }
0x6e: {  	_ =	shalt  }
0x6f: {  	_ =	shalt  }
0x70: {  	_ =	shalt  }
0x71: {  	_ =	shalt  }
0x72: {  	_ =	shalt  }
0x73: {  	_ =	shalt  }
0x74: {  	_ =	shalt  }
0x75: {  	_ =	shalt  }
0x76: {  	_ =	shalt  }
0x77: {  	_ =	shalt  }
0x78: {  	_ =	shalt  }
0x79: {  	_ =	shalt  }
0x7a: {  	_ =	shalt  }
0x7b: {  	_ =	shalt  }
0x7c: {  	_ =	shalt  }
0x7d: {  	_ =	shalt  }
0x7e: {  	_ =	shalt  }
0x7f: {  	_ =	shalt  }
0x80: {  	_ =	shalt  }
0x81: {  	_ =	shalt  }
0x82: {  	_ =	shalt  }
0x83: {  	_ =	shalt  }
0x84: {  	_ =	shalt  }
0x85: {  	_ =	shalt  }
0x86: {  	_ =	shalt  }
0x87: {  	_ =	shalt  }
.Lfunc_end0:
.L_simem_size_0:
called_computation.3_lowered:
.L_overlay_start_0:
0x88: {  	s2 =	sld [smem:$0x3FD9]  }
0x89: {  	s3 =	sld [smem:$0x3FFE];
	_ =	sdelay $0x1  }
0x8a: {  	s1 =	srdreg.scid  }
0x8b: {  	s0 =	sand.u32 $0x1, s1  }
0x8c: {  	s16 =	sshll.u32 s0, $0xA;
	s2 =	sadd.s32 s3, s2  }
0x8d: {  	s2 =	sadd.s32 s2, s16  }
0x8e: {  	[smem:$0x3FC0] =	sst s2  }
0x8f: {  	_ = 	snop  }
0x90: {  	(tm) =	ssettm $0x1  }
0x91: {  	s17 =	sld [smem:$0x3FFB];
	_ =	sdelay $0x3  }
0x92: {  	_ =	strace s17  }
0x93: {  	s2 =	sld [smem:$0x3FFC];
	_ =	sdelay $0x3  }
0x94: {  	_ =	strace s2  }
0x95: {  	s2 =	sld [smem:$0x3FFD];
	_ =	sdelay $0x3  }
0x96: {  	_ =	strace s2  }
0x97: {  	_ =	strace $0x8FFFFFFF  }
0x98: {  	s18 =	sld [smem:$0x3FDB];
	_ =	sdelay $0x1  }
0x99: {  	s19 =	simm.s32 $_scs_section_size  }
0x9a: {  	s4 =	simm.s32 $_size__tile_overlayer_lowered;
	s5 =	simm.s32 $_tile_overlayer_lowered  }
0x9b: {  	s22 =	simm.s32 $0x1BFF;
	s21 =	sshll.u32 s5, $0x1;
	s2 =	sadd.s32 s19, s18  }
0x9c: {  	s6 =	simm.s32 $0x0;
	s20 =	sshll.u32 s4, $0x1;
	s4 =	sadd.s32 s21, s2  }
0x9d: {  	[timem:s6], [sflag:s22] =	dma.local [hbm:s4], s20  }
0x9e: {  	_ =	swait.ge [sflag:s22], s20  }
0x9f: {  	s3 =	ssub.s32 $0x0, s20;
	[sflag:s22] =	ssyncset.done $0x0  }
0xa0: {  	[sflag:s22] =	ssyncadd.s32 s3;
	_ =	sdelay $0x1  }
0xa1: {  	s23 =	simm.s32 $0x1B8B  }
0xa2: {  	_ =	swait.ge [sflag:s23], $0x1  }
0xa3: {  	[sflag:s23] =	ssyncset.done $0x0  }
0xa4: {  	s25 =	simm.s32 $0x1B8E;
	s24 =	sld [smem:$0x3FFE];
	[sflag:s23] =	ssyncadd.s32 $0xFFFFFFFF  }
0xa5: {  	s26 =	simm.s32 $execute0_lowered;
	[smem:$0x3FD2] =	sst s25  }
0xa6: {  	s4 =	sshll.u32 s26, $0x1;
	_ =	strace $0x8000004F;
	[dreg:$0x1] =	wrdreg $0xFFFFFFFF  }
0xa7: {  	s28 =	simm.s32 $_size_execute0_lowered;
	s2 =	sadd.s32 s2, s4;
	[dreg:$0x0] =	wrdreg $0x0  }
0xa8: {  	s4 =	sshll.u32 s28, $0x1;
	[dreg:$0x2] =	wrdreg s2  }
0xa9: {  	[dreg:$0x3] =	wrdreg s4  }
0xaa: {  	[dreg:$0x4] =	wrdreg $0xC0  }
0xab: {  	_ =	task [dreg:s6], $0x5FFFF  }
0xac: {  	[dreg:$0x1] =	wrdreg $0xFFFFFFFF  }
0xad: {  	[dreg:$0x0] =	wrdreg $0x60  }
0xae: {  	[dreg:$0x2] =	wrdreg s24  }
0xaf: {  	[dreg:$0x3] =	wrdreg $0x6D600  }
0xb0: {  	[dreg:$0x4] =	wrdreg $0x9  }
0xb1: {  	_ =	task.clear_ibuf [dreg:s6], $0x5FFFF;
	_ =	strace $0x9000004F  }
0xb2: {  	s29 =	simm.s32 $0x9;
	_ =	strace $0x80000051  }
0xb3: {  	_ =	swait.ge [sflag:s29], $0x1  }
0xb4: {  	[sflag:s29] =	ssyncadd.s32 $0xFFFFFFFF  }
0xb5: {  	_ =	strace $0x90000051  }
0xb6: {  	_ =	sfence  }
0xb7: {  	s30 =	sld [smem:$0x0];
	_ =	sdelay $0x2  }
0xb8: {  	s31 =	sshll.u32 s1, $0xD;
	s1 =	sshrl.u32 s1, $0x2  }
0xb9: {  	s3 =	sand.u32 $0x4000, s31;
	s1 =	sadd.s32 s1, s30  }
0xba: {  	s0 =	sor.u32 s3, s0;
	s1 =	sshll.u32 s1, $0x11  }
0xbb: {  	s0 =	sor.u32 s1, s0  }
0xbc: {  	s0 =	sadd.s32 $0x8F2B, s0  }
0xbd: {  	[sflag:s0] =	ssyncadd.remote.s32 $0x1  }
0xbe: {  	_ =	sfence.sel $0xFFFF  }
0xbf: {  	[dreg:$0x0] =	wrdreg $0xFFFFFFFF;
	(pc) =	sbr.abs _section_cstart, $3  }
0xc0: {  	[dreg:$0x1] =	wrdreg $0xFFFFFFFF  }
0xc1: {  	_ =	task.clear_ibuf [dreg:s6], $0x2FFFF;
	_ =	strace $0x9FFFFFFF  }
0xc2: {  	(tm) =	ssettm $0x7FFFFFFF  }
0xc3: {  	_ =	shalt  }
tec
execute0_lowered:
.L_overlay_start_1:
0x0: {  	(tag) =	ssettag $0x1  }
0x1: {  	s0 =	srdreg.scid  }
0x2: {  	s1 =	rddreg [dreg:$0x0];
	s12 =	stileid.u32  }
0x3: {  	s2 =	rddreg [dreg:$0x1];
	s13 =	simm.s32 $0xB;
	s29 =	simm.s32 $0x60E0  }
0x4: {  	s31 =	simm.s32 $0x6720;
	s14 =	simm.s32 $0x2;
	s5 =	smul.u32 $0x1400, s12  }
0x5: {  	s28 =	simm.s32 $0x4;
	s30 =	simm.s32 $0x5;
	s7 =	smul.u32 $0x14000, s12  }
0x6: {  	s0 =	sand.u32 $0x1, s0;
	s21 =	smul.u32 $0x5000, s12;
	s22 =	sadd.s32 $0x1B380, s1  }
0x7: {  	s3 =	sshll.u32 s0, $0x4;
	s8 =	sshll.u32 s0, $0x6;
	s18 =	ssub.s32 $0x2, s0  }
0x8: {  	p0 =	seq.s32 s0, $0x1;
	s4 =	sor.u32 s12, s3;
	s3 =	simm.s32 $0x0  }
0x9: {  	s9 =	sshrl.u32 s5, $0x3;
	s7 =	sor.u32 s8, s7;
	s11 =	sshrl.u32 s18, $0x1  }
0xa: {  	s0 =	sadd.s32 s5, s2;
	s5 =	sadd.s32 $0x12C00, s2;
	s25 =	sshrl.u32 s21, $0x2  }
0xb: {  	p2 =	seq.s32 @!p0 s12, $0xF;
	s21 =	simm.s32 $0xC8;
	s4 =	smul.u32 $0x2710, s4  }
0xc: {  	[smem:$0x7FF] =	sst s3;
	s10 =	sadd.s32 s9, s1;
	s7 =	sshrl.u32 s7, $0x3  }
0xd: {  	s8 =	ssub.s32 s18, s11;
	p1 =	por !p2, p0;
	p2 =	por p2, p0  }
0xe: {  	s16 =	sshrl.u32 @p0 s0, $0x3;
	_ =	strace $0x80000050;
	s7 =	sadd.s32 s7, s1  }
0xf: {  	[dreg:$0x6] =	wrdreg s22;
	s23 =	sadd.s32 $0x16600, s10;
	s26 =	smax.u32 s8, $0x1  }
0x10: {  	s17 =	sshrl.u32 @!p1 s5, $0x3;
	s5 =	sshll.u32 @!p2 s12, $0x6;
	s22 =	simm.s32 $0x4E20  }
0x11: {  	s8 =	simm.s32 $0xA;
	s6 =	sshrl.u32 s4, $0x3;
	[dreg:$0x8] =	wrdreg s23  }
0x12: {  	s4 =	sadd.s32 $0x18E00, s1;
	s24 =	sadd.s32 $0x1B600, s7;
	[dreg:$0xa] =	wrdreg s26  }
0x13: {  	s23 =	simm.s32 $0x5460;
	s26 =	simm.s32 $0x5AA0;
	s7 =	simm.s32 $0x9  }
0x14: {  	s6 =	sadd.s32 s6, s1;
	s20 =	sadd.s32 s4, s9;
	s9 =	sadd.s32 $0x13880, s2  }
0x15: {  	s1 =	sadd.s32 $0x18D10, s1;
	[dreg:$0x9] =	wrdreg s24;
	s24 =	simm.s32 $0x3  }
0x16: {  	s19 =	sadd.s32 $0x2C00, s6;
	s6 =	sadd.s32 $0xC840, s6;
	[dreg:$0x5] =	wrdreg s20  }
0x17: {  	[dreg:$0x7] =	wrdreg s1;
	s1 =	sadd.s32 s25, s2;
	s18 =	sshrl.u32 @!p1 s9, $0x3  }
0x18: {  	s20 =	sshrl.u32 @!p2 s0, $0x3;
	s0 =	simm.s32 $0x6;
	[dreg:$0x3] =	wrdreg s19  }
0x19: {  	s9 =	simm.s32 $0x0;
	[dreg:$0x4] =	wrdreg s6;
	s6 =	sshll.u32 @p0 s12, $0x6  }
0x1a: {  	s19 =	sor.u32 @!p2 $0x1C0B, s5;
	s25 =	sshrl.u32 s1, $0x3;
	s1 =	simm.s32 $0x1  }
0x1b: {  	s5 =	simm.s32 $0x7;
	s15 =	sor.u32 @p0 $0x1C0B, s6;
	s6 =	simm.s32 $0x8  }
.LBB2_1:
0x1c: {  	s10 =	rddreg [dreg:$0x3]  }
0x1d: {  	[tilespmem:s3], [sflag:$0xB] =	stream.linear.gather [hbm4b:s10+s3], $0x2710, $0x38;
	[tilespmem:$0x8160] =	vst v63  }
0x1e: {  	_ =	swait.ge [sflag:s13], $0x2710  }
0x1f: {  	[sflag:s13] =	ssyncset.done $0x0  }
0x20: {  	s11 =	simm.s32 $0x2710;
	s12 =	rddreg [dreg:$0x4];
	[sflag:s13] =	ssyncadd.s32 $0xFFFFD8F0  }
0x21: {  	[tilespmem:s11], [sflag:$0xB] =	stream.linear.gather [hbm4b:s12+s3], $0x2710, $0x38;
	[tilespmem:$0x8160] =	vst v63  }
0x22: {  	_ =	swait.ge [sflag:s13], $0x2710  }
0x23: {  	[sflag:s13] =	ssyncset.done $0x0  }
0x24: {  	s10 =	rddreg [dreg:$0x8];
	[sflag:s13] =	ssyncadd.s32 $0xFFFFD8F0  }
0x25: {  	[spmem:s16], [sflag:s15] =	dma.local @p0 [hbm:s10], $0x280  }
0x26: {  	s10 =	simm.s32 @p0 $0xB  }
0x27: {  	_ =	swait.ge @p0 [sflag:s10], $0x280  }
0x28: {  	[sflag:s10] =	ssyncset.done @p0 $0x0  }
0x29: {  	s11 =	rddreg [dreg:$0x6];
	[sflag:s10] =	ssyncadd.s32 @p0 $0xFFFFFD80;
	s10 =	simm.s32 @!p1 $0x1FCB  }
0x2a: {  	[spmem:s17], [sflag:s10] =	dma.local @!p1 [hbm:s11], $0x190  }
0x2b: {  	s11 =	simm.s32 @!p1 $0xB  }
0x2c: {  	_ =	swait.ge @!p1 [sflag:s11], $0x190  }
0x2d: {  	[sflag:s11] =	ssyncset.done @!p1 $0x0  }
0x2e: {  	s12 =	rddreg [dreg:$0x7];
	[sflag:s11] =	ssyncadd.s32 @!p1 $0xFFFFFE70  }
0x2f: {  	[spmem:s18], [sflag:s10] =	dma.local @!p1 [hbm:s12], $0xF0  }
0x30: {  	_ =	swait.ge @!p1 [sflag:s11], $0xF0  }
0x31: {  	[sflag:s11] =	ssyncset.done @!p1 $0x0  }
0x32: {  	s10 =	rddreg [dreg:$0x5];
	[sflag:s11] =	ssyncadd.s32 @!p1 $0xFFFFFF10  }
0x33: {  	[spmem:s20], [sflag:s19] =	dma.local @!p2 [hbm:s10], $0x280  }
0x34: {  	s10 =	simm.s32 @!p2 $0xB  }
0x35: {  	_ =	swait.ge @!p2 [sflag:s10], $0x280  }
0x36: {  	[sflag:s10] =	ssyncset.done @!p2 $0x0  }
0x37: {  	[sflag:s10] =	ssyncadd.s32 @!p2 $0xFFFFFD80  }
0x38: {  	[bflag:$0x0] =	sbarrier.arrive $0xFFFF  }
0x39: {  	[tilespmem:s22], [sflag:$0x1] =	stream.indirect.gather [hbm4b:s4+s21], $0x8, s3, s21, $0xb8;
	[tilespmem:$0x8160] =	vst v63  }
0x3a: {  	_ = 	snop  }
0x3b: {  	[tilespmem:s23], [sflag:$0x2] =	stream.indirect.gather [hbm4b:s4+s21], $0x8, s21, s21, $0xb8;
	[tilespmem:$0x8160] =	vst v63  }
0x3c: {  	s11 =	simm.s32 $0x190  }
0x3d: {  	[tilespmem:s26], [sflag:$0x3] =	stream.indirect.gather [hbm4b:s4+s21], $0x8, s11, s21, $0xb8;
	[tilespmem:$0x8160] =	vst v63  }
0x3e: {  	s12 =	simm.s32 $0x258  }
0x3f: {  	[tilespmem:s29], [sflag:$0x4] =	stream.indirect.gather [hbm4b:s4+s21], $0x8, s12, s21, $0xb8;
	[tilespmem:$0x8160] =	vst v63  }
0x40: {  	s11 =	simm.s32 $0x320  }
0x41: {  	[tilespmem:s31], [sflag:$0x5] =	stream.indirect.gather [hbm4b:s4+s21], $0x8, s11, s21, $0xb8;
	[tilespmem:$0x8160] =	vst v63  }
0x42: {  	_ =	swait.ge [sflag:s1], $0x640  }
0x43: {  	[sflag:s1] =	ssyncset.done $0x0  }
0x44: {  	s12 =	simm.s32 $0x2710;
	[sflag:s1] =	ssyncadd.s32 $0xFFFFF9C0  }
0x45: {  	[spmem:s2] =	stream.indirect.scatter.add.f32 [tilespmem:s22], [sflag:$0x6], $0x8, s12, s21, $0xb8;
	[tilespmem:$0x8160] =	vst v63  }
0x46: {  	_ =	swait.ge [sflag:s14], $0x640  }
0x47: {  	[sflag:s14] =	ssyncset.done $0x0  }
0x48: {  	s11 =	simm.s32 $0x27D8;
	[sflag:s14] =	ssyncadd.s32 $0xFFFFF9C0  }
0x49: {  	[spmem:s2] =	stream.indirect.scatter.add.f32 [tilespmem:s23], [sflag:$0x7], $0x8, s11, s21, $0xb8;
	[tilespmem:$0x8160] =	vst v63  }
0x4a: {  	_ =	swait.ge [sflag:s24], $0x640  }
0x4b: {  	[sflag:s24] =	ssyncset.done $0x0  }
0x4c: {  	s12 =	simm.s32 $0x28A0;
	[sflag:s24] =	ssyncadd.s32 $0xFFFFF9C0  }
0x4d: {  	[spmem:s2] =	stream.indirect.scatter.add.f32 [tilespmem:s26], [sflag:$0x8], $0x8, s12, s21, $0xb8;
	[tilespmem:$0x8160] =	vst v63  }
0x4e: {  	_ =	swait.ge [sflag:s28], $0x640  }
0x4f: {  	[sflag:s28] =	ssyncset.done $0x0  }
0x50: {  	s11 =	simm.s32 $0x2968;
	[sflag:s28] =	ssyncadd.s32 $0xFFFFF9C0  }
0x51: {  	[spmem:s2] =	stream.indirect.scatter.add.f32 [tilespmem:s29], [sflag:$0x9], $0x8, s11, s21, $0xb8;
	[tilespmem:$0x8160] =	vst v63  }
0x52: {  	_ =	swait.ge [sflag:s30], $0x640  }
0x53: {  	[sflag:s30] =	ssyncset.done $0x0  }
0x54: {  	s12 =	simm.s32 $0x2A30;
	[sflag:s30] =	ssyncadd.s32 $0xFFFFF9C0  }
0x55: {  	[spmem:s2] =	stream.indirect.scatter.add.f32 [tilespmem:s31], [sflag:$0xA], $0x8, s12, s21, $0xb8;
	[tilespmem:$0x8160] =	vst v63  }
0x56: {  	_ =	swait.ge [sflag:s0], $0x640  }
0x57: {  	[sflag:s0] =	ssyncset.done $0x0  }
0x58: {  	s11 =	simm.s32 $0x3E8;
	[sflag:s0] =	ssyncadd.s32 $0xFFFFF9C0  }
0x59: {  	[tilespmem:s22], [sflag:$0x1] =	stream.indirect.gather [hbm4b:s4+s21], $0x8, s11, s21, $0xb8;
	[tilespmem:$0x8160] =	vst v63  }
0x5a: {  	_ =	swait.ge [sflag:s5], $0x640  }
0x5b: {  	[sflag:s5] =	ssyncset.done $0x0  }
0x5c: {  	s12 =	simm.s32 $0x4B0;
	[sflag:s5] =	ssyncadd.s32 $0xFFFFF9C0  }
0x5d: {  	[tilespmem:s23], [sflag:$0x2] =	stream.indirect.gather [hbm4b:s4+s21], $0x8, s12, s21, $0xb8;
	[tilespmem:$0x8160] =	vst v63  }
0x5e: {  	_ =	swait.ge [sflag:s6], $0x640  }
0x5f: {  	[sflag:s6] =	ssyncset.done $0x0  }
0x60: {  	s11 =	simm.s32 $0x578;
	[sflag:s6] =	ssyncadd.s32 $0xFFFFF9C0  }
0x61: {  	[tilespmem:s26], [sflag:$0x3] =	stream.indirect.gather [hbm4b:s4+s21], $0x8, s11, s21, $0xb8;
	[tilespmem:$0x8160] =	vst v63  }
0x62: {  	_ =	swait.ge [sflag:s7], $0x640  }
0x63: {  	[sflag:s7] =	ssyncset.done $0x0  }
0x64: {  	s12 =	simm.s32 $0x640;
	[sflag:s7] =	ssyncadd.s32 $0xFFFFF9C0  }
0x65: {  	[tilespmem:s29], [sflag:$0x4] =	stream.indirect.gather [hbm4b:s4+s21], $0x8, s12, s21, $0xb8;
	[tilespmem:$0x8160] =	vst v63  }
0x66: {  	_ =	swait.ge [sflag:s8], $0x640  }
0x67: {  	[sflag:s8] =	ssyncset.done $0x0  }
0x68: {  	s10 =	simm.s32 $0xFA0;
	s11 =	simm.s32 $0x708;
	[sflag:s8] =	ssyncadd.s32 $0xFFFFF9C0  }
.LBB2_2:
0x69: {  	[tilespmem:s31], [sflag:$0x5] =	stream.indirect.gather [hbm4b:s4+s21], $0x8, s11, s21, $0xb8;
	[tilespmem:$0x8160] =	vst v63  }
0x6a: {  	s11 =	smov.u32 s10  }
0x6b: {  	p3 =	sne.s32 s10, $0x7D00;
	s10 =	sadd.s32 $0xFA0, s10;
	_ =	swait.ge [sflag:s1], $0x640  }
0x6c: {  	s11 =	sshra.s32 s11, $0x2;
	[sflag:s1] =	ssyncset.done $0x0  }
0x6d: {  	s12 =	sadd.s32 $0x2710, s11;
	[sflag:s1] =	ssyncadd.s32 $0xFFFFF9C0  }
0x6e: {  	[spmem:s2] =	stream.indirect.scatter.add.f32 [tilespmem:s22], [sflag:$0x6], $0x8, s12, s21, $0xb8;
	[tilespmem:$0x8160] =	vst v63  }
0x6f: {  	_ =	swait.ge [sflag:s14], $0x640  }
0x70: {  	[sflag:s14] =	ssyncset.done $0x0  }
0x71: {  	s12 =	sadd.s32 $0x27D8, s11;
	[sflag:s14] =	ssyncadd.s32 $0xFFFFF9C0  }
0x72: {  	[spmem:s2] =	stream.indirect.scatter.add.f32 [tilespmem:s23], [sflag:$0x7], $0x8, s12, s21, $0xb8;
	[tilespmem:$0x8160] =	vst v63  }
0x73: {  	_ =	swait.ge [sflag:s24], $0x640  }
0x74: {  	[sflag:s24] =	ssyncset.done $0x0  }
0x75: {  	s12 =	sadd.s32 $0x28A0, s11;
	[sflag:s24] =	ssyncadd.s32 $0xFFFFF9C0  }
0x76: {  	[spmem:s2] =	stream.indirect.scatter.add.f32 [tilespmem:s26], [sflag:$0x8], $0x8, s12, s21, $0xb8;
	[tilespmem:$0x8160] =	vst v63  }
0x77: {  	_ =	swait.ge [sflag:s28], $0x640  }
0x78: {  	[sflag:s28] =	ssyncset.done $0x0  }
0x79: {  	s12 =	sadd.s32 $0x2968, s11;
	[sflag:s28] =	ssyncadd.s32 $0xFFFFF9C0  }
0x7a: {  	[spmem:s2] =	stream.indirect.scatter.add.f32 [tilespmem:s29], [sflag:$0x9], $0x8, s12, s21, $0xb8;
	[tilespmem:$0x8160] =	vst v63  }
0x7b: {  	_ =	swait.ge [sflag:s30], $0x640  }
0x7c: {  	[sflag:s30] =	ssyncset.done $0x0  }
0x7d: {  	s12 =	sadd.s32 $0x2A30, s11;
	[sflag:s30] =	ssyncadd.s32 $0xFFFFF9C0  }
0x7e: {  	[spmem:s2] =	stream.indirect.scatter.add.f32 [tilespmem:s31], [sflag:$0xA], $0x8, s12, s21, $0xb8;
	[tilespmem:$0x8160] =	vst v63  }
0x7f: {  	_ =	swait.ge [sflag:s0], $0x640  }
0x80: {  	[sflag:s0] =	ssyncset.done $0x0  }
0x81: {  	s12 =	sadd.s32 $0x3E8, s11;
	[sflag:s0] =	ssyncadd.s32 $0xFFFFF9C0  }
0x82: {  	[tilespmem:s22], [sflag:$0x1] =	stream.indirect.gather [hbm4b:s4+s21], $0x8, s12, s21, $0xb8;
	[tilespmem:$0x8160] =	vst v63  }
0x83: {  	_ =	swait.ge [sflag:s5], $0x640  }
0x84: {  	[sflag:s5] =	ssyncset.done $0x0  }
0x85: {  	s12 =	sadd.s32 $0x4B0, s11;
	[sflag:s5] =	ssyncadd.s32 $0xFFFFF9C0  }
0x86: {  	[tilespmem:s23], [sflag:$0x2] =	stream.indirect.gather [hbm4b:s4+s21], $0x8, s12, s21, $0xb8;
	[tilespmem:$0x8160] =	vst v63  }
0x87: {  	_ =	swait.ge [sflag:s6], $0x640  }
0x88: {  	[sflag:s6] =	ssyncset.done $0x0  }
0x89: {  	s12 =	sadd.s32 $0x578, s11;
	[sflag:s6] =	ssyncadd.s32 $0xFFFFF9C0  }
0x8a: {  	[tilespmem:s26], [sflag:$0x3] =	stream.indirect.gather [hbm4b:s4+s21], $0x8, s12, s21, $0xb8;
	[tilespmem:$0x8160] =	vst v63  }
0x8b: {  	_ =	swait.ge [sflag:s7], $0x640  }
0x8c: {  	[sflag:s7] =	ssyncset.done $0x0  }
.Ltmp0:
0x8d: {  	s12 =	sadd.s32 $0x640, s11;
	[sflag:s7] =	ssyncadd.s32 $0xFFFFF9C0;
	(pc) =	sbr.rel @p3 .LBB2_2-.Ltmp0, $4  }
0x8e: {  	[tilespmem:s29], [sflag:$0x4] =	stream.indirect.gather [hbm4b:s4+s21], $0x8, s12, s21, $0xb8;
	[tilespmem:$0x8160] =	vst v63  }
0x8f: {  	_ =	swait.ge [sflag:s8], $0x640  }
0x90: {  	[sflag:s8] =	ssyncset.done $0x0  }
0x91: {  	s11 =	sadd.s32 $0x708, s11;
	[sflag:s8] =	ssyncadd.s32 $0xFFFFF9C0  }
0x92: {  	[tilespmem:s31], [sflag:$0x5] =	stream.indirect.gather [hbm4b:s4+s21], $0x8, s11, s21, $0xb8;
	[tilespmem:$0x8160] =	vst v63  }
0x93: {  	_ =	swait.ge [sflag:s1], $0x640  }
0x94: {  	[sflag:s1] =	ssyncset.done $0x0  }
0x95: {  	s10 =	simm.s32 $0x4A38;
	[sflag:s1] =	ssyncadd.s32 $0xFFFFF9C0  }
0x96: {  	[spmem:s2] =	stream.indirect.scatter.add.f32 [tilespmem:s22], [sflag:$0x6], $0x8, s10, s21, $0xb8;
	[tilespmem:$0x8160] =	vst v63  }
0x97: {  	_ =	swait.ge [sflag:s14], $0x640  }
0x98: {  	[sflag:s14] =	ssyncset.done $0x0  }
0x99: {  	s11 =	simm.s32 $0x4B00;
	[sflag:s14] =	ssyncadd.s32 $0xFFFFF9C0  }
0x9a: {  	[spmem:s2] =	stream.indirect.scatter.add.f32 [tilespmem:s23], [sflag:$0x7], $0x8, s11, s21, $0xb8;
	[tilespmem:$0x8160] =	vst v63  }
0x9b: {  	_ =	swait.ge [sflag:s24], $0x640  }
0x9c: {  	[sflag:s24] =	ssyncset.done $0x0  }
0x9d: {  	s12 =	simm.s32 $0x4BC8;
	[sflag:s24] =	ssyncadd.s32 $0xFFFFF9C0  }
0x9e: {  	[spmem:s2] =	stream.indirect.scatter.add.f32 [tilespmem:s26], [sflag:$0x8], $0x8, s12, s21, $0xb8;
	[tilespmem:$0x8160] =	vst v63  }
0x9f: {  	_ =	swait.ge [sflag:s28], $0x640  }
0xa0: {  	[sflag:s28] =	ssyncset.done $0x0  }
0xa1: {  	s11 =	simm.s32 $0x4C90;
	[sflag:s28] =	ssyncadd.s32 $0xFFFFF9C0  }
0xa2: {  	[spmem:s2] =	stream.indirect.scatter.add.f32 [tilespmem:s29], [sflag:$0x9], $0x8, s11, s21, $0xb8;
	[tilespmem:$0x8160] =	vst v63  }
0xa3: {  	_ =	swait.ge [sflag:s30], $0x640  }
0xa4: {  	[sflag:s30] =	ssyncset.done $0x0  }
0xa5: {  	s12 =	simm.s32 $0x4D58;
	[sflag:s30] =	ssyncadd.s32 $0xFFFFF9C0  }
0xa6: {  	[spmem:s2] =	stream.indirect.scatter.add.f32 [tilespmem:s31], [sflag:$0xA], $0x8, s12, s21, $0xb8;
	[tilespmem:$0x8160] =	vst v63  }
0xa7: {  	_ =	swait.ge [sflag:s0], $0x640  }
0xa8: {  	[sflag:s0] =	ssyncset.done $0x0  }
0xa9: {  	[sflag:s0] =	ssyncadd.s32 $0xFFFFF9C0  }
0xaa: {  	_ =	swait.ge [sflag:s5], $0x640  }
0xab: {  	[sflag:s5] =	ssyncset.done $0x0  }
0xac: {  	[sflag:s5] =	ssyncadd.s32 $0xFFFFF9C0  }
0xad: {  	_ =	swait.ge [sflag:s6], $0x640  }
0xae: {  	[sflag:s6] =	ssyncset.done $0x0  }
0xaf: {  	[sflag:s6] =	ssyncadd.s32 $0xFFFFF9C0  }
0xb0: {  	_ =	swait.ge [sflag:s7], $0x640  }
0xb1: {  	[sflag:s7] =	ssyncset.done $0x0  }
0xb2: {  	[sflag:s7] =	ssyncadd.s32 $0xFFFFF9C0  }
0xb3: {  	_ =	swait.ge [sflag:s8], $0x640  }
0xb4: {  	[sflag:s8] =	ssyncset.done $0x0  }
0xb5: {  	s11 =	stileid.u32;
	[sflag:s8] =	ssyncadd.s32 $0xFFFFF9C0  }
0xb6: {  	s10 =	sshll.u32 s11, $0x6;
	[bflag:$0x0] =	sbarrier.arrive $0xFFFF  }
0xb7: {  	s10 =	sor.u32 $0x1C0B, s10;
	s12 =	simm.s32 $0x10;
	s11 =	rddreg [dreg:$0x9]  }
0xb8: {  	[hbm:s11@s12], [sflag:s10] =	dma.strided [spmem:s25@s1], $0x280, s1, $0x1   }
0xb9: {  	_ =	swait.ge [sflag:s13], $0x280  }
0xba: {  	s9 =	sadd.s32 $0x1, s9;
	s12 =	rddreg [dreg:$0xa]  }
0xbb: {  	p3 =	sne.s32 s9, s12  }
.Ltmp1:
0xbc: {  	_ = 	snop;
	(pc) =	sbr.rel @p3 .LBB2_1-.Ltmp1, $3  }
0xbd: {  	_ =	sdelay $0x1  }
0xbe: {  	[sflag:s13] =	ssyncset.done $0x0  }
0xbf: {  	[sflag:s13] =	ssyncadd.s32 $0xFFFFFD80  }
0xc0: {  	_ =	sfence.sel $0x180000  }
0xc1: {  	[bflag:$0x0] =	sbarrier.arrive $0xFFFF  }
0xc2: {  	_ =	strace $0x90000050  }
0xc3: {  	s0 =	stileid.u32;
	[bflag:$0x2] =	sbarrier.arrive $0xFFFF  }
0xc4: {  	p0 =	sne.s32 s0, $0x0;
	s0 =	rddreg [dreg:$0x2]  }
0xc5: {  	s0 =	sadd.s32 @!p0 $0x100000, s0  }
0xc6: {  	[sflag:s0] =	ssyncadd.tile.s32 @!p0 $0x1;
	_ =	shalt  }
.Lfunc_end2:
_tile_overlayer_lowered:
.L_overlay_start_2:
0xc7: {  	(tag) =	ssettag $0x2  }
0xc8: {  	s0 =	rddreg [dreg:$0x0];
	s2 =	stileid.u32  }
0xc9: {  	s1 =	rddreg [dreg:$0x1];
	p0 =	sne.s32 s2, $0x0  }
0xca: {  	s3 =	rddreg [dreg:$0x2];
	[bflag:$0x3] =	sbarrier.arrive $0xFFFF;
	s2 =	simm.s32 @!p0 $0x1C0B  }
0xcb: {  	[timem:s3], [sflag:s2] =	dma.local @!p0 [hbm:s0], s1  }
0xcc: {  	s0 =	simm.s32 @!p0 $0xB  }
0xcd: {  	_ =	swait.ge @!p0 [sflag:s0], s1  }
0xce: {  	s1 =	ssub.s32 @!p0 $0x0, s1;
	[sflag:s0] =	ssyncset.done @!p0 $0x0  }
0xcf: {  	[sflag:s0] =	ssyncadd.s32 @!p0 s1  }
0xd0: {  	[bflag:$0x3] =	sbarrier.arrive $0xFFFF  }
0xd1: {  	_ =	shalt  }

</sc_bundles>
